<compile_context>
chip_gen: v7x
topology: tpu7x:2x2x1
jax: 0.10.2.dev20260603
libtpu: 0.0.44.dev20260713+nightly
codegen_flags: <defaults>
</compile_context>

<pallas_src>
import functools

import jax
import jax.numpy as jnp
from jax import lax
from jax.experimental import pallas as pl
from jax.experimental.pallas import tpu as pltpu
from jax.experimental.pallas import tpu_sc as plsc


def _sc_embed(x, token_table, pos_table, pidx, *, B, L, D, NC, NS, KBUF, GW):
    NW = NC * NS
    seq_per_w = B // NW

    mesh = plsc.VectorSubcoreMesh(core_axis_name="c", subcore_axis_name="s")

    @functools.partial(
        pl.kernel,
        out_type=jax.ShapeDtypeStruct((B, L, D), jnp.float32),
        mesh=mesh,
        scratch_types=[
            pltpu.VMEM((seq_per_w, L), jnp.int32),
            pltpu.VMEM((L,), jnp.int32),
            pltpu.VMEM_SHARED((L, D), jnp.float32),
            *[pltpu.VMEM((L, D), jnp.float32) for _ in range(KBUF)],
            *[pltpu.SemaphoreType.DMA for _ in range(3 * KBUF)],
        ],
        compiler_params=pltpu.CompilerParams(use_tc_tiling_on_sc=False),
    )
    def body(x_hbm, tok_hbm, pos_hbm, pidx_hbm, out_hbm, idx_vm, pidx_vm,
             pos_sh, *rest):
        bufs = rest[:KBUF]
        sem_g = rest[KBUF:2 * KBUF]
        sem_a = rest[2 * KBUF:3 * KBUF]
        sem_o = rest[3 * KBUF:]
        wid = lax.axis_index("c") * NS + lax.axis_index("s")
        pltpu.sync_copy(x_hbm.at[pl.ds(wid * seq_per_w, seq_per_w)], idx_vm)
        pltpu.sync_copy(pidx_hbm, pidx_vm)
        pltpu.sync_copy(pos_hbm, pos_sh)
        seq0 = wid * seq_per_w

        gh = [None] * KBUF
        ah = [None] * KBUF
        oh = [None] * KBUF
        AW = 1

        for t in range(seq_per_w + GW + AW):
            if t < seq_per_w:
                k = t % KBUF
                if oh[k] is not None:
                    oh[k].wait()
                gh[k] = pltpu.async_copy(
                    tok_hbm.at[idx_vm.at[t]], bufs[k], sem_g[k]
                )
            j = t - GW
            if 0 <= j < seq_per_w:
                kj = j % KBUF
                gh[kj].wait()
                ah[kj] = pltpu.async_copy(
                    pos_sh.at[pidx_vm], bufs[kj], sem_a[kj], add=True
                )
            i = t - GW - AW
            if 0 <= i < seq_per_w:
                ki = i % KBUF
                ah[ki].wait()
                oh[ki] = pltpu.async_copy(
                    bufs[ki], out_hbm.at[seq0 + i], sem_o[ki]
                )
        for k in range(KBUF):
            if oh[k] is not None:
                oh[k].wait()

    return body(x, token_table, pos_table, pidx)


def kernel(x, token_table, pos_table):
    B, L = x.shape
    V, D = token_table.shape

    info = plsc.get_sparse_core_info()
    NC, NS = info.num_cores, info.num_subcores

    pidx = jnp.arange(L, dtype=jnp.int32)

    out = _sc_embed(
        x.astype(jnp.int32), token_table, pos_table, pidx,
        B=B, L=L, D=D, NC=NC, NS=NS, KBUF=8, GW=6,
    )
    return out

# --- scband reference (transcript-rebuilt; emitter-appended) ---
"""Pipeline reference for scband-token-and-position-embedding-90546500534552 (READ-ONLY COPY).

The authoritative reference and input builder live on the scoring server;
editing this copy changes nothing except your own understanding.
"""

import jax, jax.numpy as jnp
import numpy as np

MAXLEN = 200
VOCAB_SIZE = 1000000
EMBED_DIM = 32
BATCH = 1024

def setup_inputs(seed: int = 0) -> dict:
    key = jax.random.key(seed)
    k1, k2, k3 = jax.random.split(key, 3)
    x = jax.random.randint(k1, (BATCH, MAXLEN), 0, VOCAB_SIZE, dtype=jnp.int64 if jax.config.jax_enable_x64 else jnp.int32)
    token_table = jax.random.normal(k2, (VOCAB_SIZE, EMBED_DIM), dtype=jnp.float32) * 0.02
    pos_table = jax.random.normal(k3, (MAXLEN, EMBED_DIM), dtype=jnp.float32) * 0.02
    return {"x": x, "token_table": token_table, "pos_table": pos_table}

def reference(x, token_table, pos_table):
    # token embedding: gather rows of token_table by x -> [B, L, D]
    tok = jnp.take(token_table, x, axis=0)
    # position embedding: positions 0..L-1 -> [L, D], broadcast over batch
    L = x.shape[-1]
    positions = jnp.arange(L)
    pos = jnp.take(pos_table, positions, axis=0)
    return tok + pos[None, :, :]

if __name__ == "__main__":
    import jax
    _d = setup_inputs()
    print(jax.jit(kernel)(*tuple(_d.values())))

</pallas_src>

<mosaic_0001>
#map = affine_map<(d0, d1) -> (0, 0)>
#map1 = affine_map<(d0, d1) -> (0)>
#map2 = affine_map<(d0, d1) -> (0, 0, 0)>
module attributes {stable_mosaic.version = 14 : i64} {
  func.func @body(%arg0: i32, %arg1: i32, %arg2: memref<1024x200xi32, #tpu.memory_space<hbm>>, %arg3: memref<1000000x32xf32, #tpu.memory_space<hbm>>, %arg4: memref<200x32xf32, #tpu.memory_space<hbm>>, %arg5: memref<200xi32, #tpu.memory_space<hbm>>, %arg6: memref<1024x200x32xf32, #tpu.memory_space<hbm>>, %arg7: memref<32x200xi32, #tpu.memory_space<vmem>>, %arg8: memref<200xi32, #tpu.memory_space<vmem>>, %arg9: memref<200x32xf32, #tpu.memory_space<vmem_shared>>, %arg10: memref<200x32xf32, #tpu.memory_space<vmem>>, %arg11: memref<200x32xf32, #tpu.memory_space<vmem>>, %arg12: memref<200x32xf32, #tpu.memory_space<vmem>>, %arg13: memref<200x32xf32, #tpu.memory_space<vmem>>, %arg14: memref<200x32xf32, #tpu.memory_space<vmem>>, %arg15: memref<200x32xf32, #tpu.memory_space<vmem>>, %arg16: memref<200x32xf32, #tpu.memory_space<vmem>>, %arg17: memref<200x32xf32, #tpu.memory_space<vmem>>, %arg18: memref<!tpu.dma_semaphore, #tpu.memory_space<semaphore_mem>>, %arg19: memref<!tpu.dma_semaphore, #tpu.memory_space<semaphore_mem>>, %arg20: memref<!tpu.dma_semaphore, #tpu.memory_space<semaphore_mem>>, %arg21: memref<!tpu.dma_semaphore, #tpu.memory_space<semaphore_mem>>, %arg22: memref<!tpu.dma_semaphore, #tpu.memory_space<semaphore_mem>>, %arg23: memref<!tpu.dma_semaphore, #tpu.memory_space<semaphore_mem>>, %arg24: memref<!tpu.dma_semaphore, #tpu.memory_space<semaphore_mem>>, %arg25: memref<!tpu.dma_semaphore, #tpu.memory_space<semaphore_mem>>, %arg26: memref<!tpu.dma_semaphore, #tpu.memory_space<semaphore_mem>>, %arg27: memref<!tpu.dma_semaphore, #tpu.memory_space<semaphore_mem>>, %arg28: memref<!tpu.dma_semaphore, #tpu.memory_space<semaphore_mem>>, %arg29: memref<!tpu.dma_semaphore, #tpu.memory_space<semaphore_mem>>, %arg30: memref<!tpu.dma_semaphore, #tpu.memory_space<semaphore_mem>>, %arg31: memref<!tpu.dma_semaphore, #tpu.memory_space<semaphore_mem>>, %arg32: memref<!tpu.dma_semaphore, #tpu.memory_space<semaphore_mem>>, %arg33: memref<!tpu.dma_semaphore, #tpu.memory_space<semaphore_mem>>, %arg34: memref<!tpu.dma_semaphore, #tpu.memory_space<semaphore_mem>>, %arg35: memref<!tpu.dma_semaphore, #tpu.memory_space<semaphore_mem>>, %arg36: memref<!tpu.dma_semaphore, #tpu.memory_space<semaphore_mem>>, %arg37: memref<!tpu.dma_semaphore, #tpu.memory_space<semaphore_mem>>, %arg38: memref<!tpu.dma_semaphore, #tpu.memory_space<semaphore_mem>>, %arg39: memref<!tpu.dma_semaphore, #tpu.memory_space<semaphore_mem>>, %arg40: memref<!tpu.dma_semaphore, #tpu.memory_space<semaphore_mem>>, %arg41: memref<!tpu.dma_semaphore, #tpu.memory_space<semaphore_mem>>) attributes {dimension_semantics = [#tpu.dimension_semantics<core_parallel>, #tpu.dimension_semantics<subcore_parallel>], iteration_bounds = array<i64: 2, 16>, scalar_prefetch = 0 : i64, scratch_operands = 35 : i64, tpu.core_type = #tpu.core_type<sc_vector_subcore>, window_params = [{transform_indices = #map}, {transform_indices = #map}, {transform_indices = #map}, {transform_indices = #map1}, {transform_indices = #map2}]} {
    %mul3A = arith.constant 16 : i32
    %mul3A_0 = arith.muli %arg0, %mul3A : i32
    %add3A = arith.addi %mul3A_0, %arg1 : i32
    %mul3A_1 = arith.constant 32 : i32
    %mul3A_2 = arith.muli %add3A, %mul3A_1 : i32
    "tpu.region"() ({
      %run_scoped3A = tpu.sem_alloc : memref<!tpu.dma_semaphore, #tpu.memory_space<semaphore_mem>>
      %dma_start3A_1219 = arith.constant 0 : i32
      %dma_start3A_1220 = tpu.memref_slice %arg2[%mul3A_2, %dma_start3A_1219] : memref<1024x200xi32, #tpu.memory_space<hbm>> -> memref<32x200xi32, #tpu.memory_space<hbm>>
      %dma_start3A_1221 = arith.constant 0 : i32
      %dma_start3A_1222 = tpu.memref_slice %arg2[%mul3A_2, %dma_start3A_1221] : memref<1024x200xi32, #tpu.memory_space<hbm>> -> memref<32x200xi32, #tpu.memory_space<hbm>>
      tpu.enqueue_dma source(%dma_start3A_1222 : memref<32x200xi32, #tpu.memory_space<hbm>>) target(%arg7 : memref<32x200xi32, #tpu.memory_space<vmem>>) target_semaphore(%run_scoped3A : memref<!tpu.dma_semaphore, #tpu.memory_space<semaphore_mem>>)
      %dma_wait3A_1223 = arith.constant 0 : i32
      %dma_wait3A_1224 = tpu.memref_slice %arg2[%mul3A_2, %dma_wait3A_1223] : memref<1024x200xi32, #tpu.memory_space<hbm>> -> memref<32x200xi32, #tpu.memory_space<hbm>>
      %dma_wait3A_1225 = arith.constant 0 : i32
      %dma_wait3A_1226 = tpu.memref_slice %arg2[%mul3A_2, %dma_wait3A_1225] : memref<1024x200xi32, #tpu.memory_space<hbm>> -> memref<32x200xi32, #tpu.memory_space<hbm>>
      tpu.wait_dma2 semaphore(%run_scoped3A : memref<!tpu.dma_semaphore, #tpu.memory_space<semaphore_mem>>) src(%dma_wait3A_1226 : memref<32x200xi32, #tpu.memory_space<hbm>>) dst(%arg7 : memref<32x200xi32, #tpu.memory_space<vmem>>)
      tpu.yield
    }) : () -> ()
    "tpu.region"() ({
      %run_scoped3A = tpu.sem_alloc : memref<!tpu.dma_semaphore, #tpu.memory_space<semaphore_mem>>
      tpu.enqueue_dma source(%arg5 : memref<200xi32, #tpu.memory_space<hbm>>) target(%arg8 : memref<200xi32, #tpu.memory_space<vmem>>) target_semaphore(%run_scoped3A : memref<!tpu.dma_semaphore, #tpu.memory_space<semaphore_mem>>)
      tpu.wait_dma2 semaphore(%run_scoped3A : memref<!tpu.dma_semaphore, #tpu.memory_space<semaphore_mem>>) src(%arg5 : memref<200xi32, #tpu.memory_space<hbm>>) dst(%arg8 : memref<200xi32, #tpu.memory_space<vmem>>)
      tpu.yield
    }) : () -> ()
    "tpu.region"() ({
      %run_scoped3A = tpu.sem_alloc : memref<!tpu.dma_semaphore, #tpu.memory_space<semaphore_mem>>
      tpu.enqueue_dma source(%arg4 : memref<200x32xf32, #tpu.memory_space<hbm>>) target(%arg9 : memref<200x32xf32, #tpu.memory_space<vmem_shared>>) target_semaphore(%run_scoped3A : memref<!tpu.dma_semaphore, #tpu.memory_space<semaphore_mem>>)
      tpu.wait_dma2 semaphore(%run_scoped3A : memref<!tpu.dma_semaphore, #tpu.memory_space<semaphore_mem>>) src(%arg4 : memref<200x32xf32, #tpu.memory_space<hbm>>) dst(%arg9 : memref<200x32xf32, #tpu.memory_space<vmem_shared>>)
      tpu.yield
    }) : () -> ()
    %mul3A_3 = arith.constant 32 : i32
    %mul3A_4 = arith.muli %add3A, %mul3A_3 : i32
    %dma_start3A = arith.constant 0 : i32
    %dma_start3A_5 = arith.constant 0 : i32
    %dma_start3A_6 = tpu.memref_slice %arg7[%dma_start3A, %dma_start3A_5] : memref<32x200xi32, #tpu.memory_space<vmem>> -> memref<1x200xi32, #tpu.memory_space<vmem>>
    %dma_start3A_7 = tpu.memref_squeeze %dma_start3A_6 : memref<1x200xi32, #tpu.memory_space<vmem>> -> memref<200xi32, #tpu.memory_space<vmem>>
    %dma_start3A_8 = arith.constant 0 : i32
    %dma_start3A_9 = arith.constant 0 : i32
    %dma_start3A_10 = tpu.memref_slice %arg3[%dma_start3A_8, %dma_start3A_9] : memref<1000000x32xf32, #tpu.memory_space<hbm>> -> memref<1000000x32xf32, #tpu.memory_space<hbm>>
    tpu.enqueue_indirect_dma source(%dma_start3A_10 : memref<1000000x32xf32, #tpu.memory_space<hbm>>) target(%arg10 : memref<200x32xf32, #tpu.memory_space<vmem>>) offsets(%dma_start3A_7 : memref<200xi32, #tpu.memory_space<vmem>>) semaphore(%arg18 : memref<!tpu.dma_semaphore, #tpu.memory_space<semaphore_mem>>)
    %dma_start3A_11 = arith.constant 1 : i32
    %dma_start3A_12 = arith.constant 0 : i32
    %dma_start3A_13 = tpu.memref_slice %arg7[%dma_start3A_11, %dma_start3A_12] : memref<32x200xi32, #tpu.memory_space<vmem>> -> memref<1x200xi32, #tpu.memory_space<vmem>>
    %dma_start3A_14 = tpu.memref_squeeze %dma_start3A_13 : memref<1x200xi32, #tpu.memory_space<vmem>> -> memref<200xi32, #tpu.memory_space<vmem>>
    %dma_start3A_15 = arith.constant 0 : i32
    %dma_start3A_16 = arith.constant 0 : i32
    %dma_start3A_17 = tpu.memref_slice %arg3[%dma_start3A_15, %dma_start3A_16] : memref<1000000x32xf32, #tpu.memory_space<hbm>> -> memref<1000000x32xf32, #tpu.memory_space<hbm>>
    tpu.enqueue_indirect_dma source(%dma_start3A_17 : memref<1000000x32xf32, #tpu.memory_space<hbm>>) target(%arg11 : memref<200x32xf32, #tpu.memory_space<vmem>>) offsets(%dma_start3A_14 : memref<200xi32, #tpu.memory_space<vmem>>) semaphore(%arg19 : memref<!tpu.dma_semaphore, #tpu.memory_space<semaphore_mem>>)
    %dma_start3A_18 = arith.constant 2 : i32
    %dma_start3A_19 = arith.constant 0 : i32
    %dma_start3A_20 = tpu.memref_slice %arg7[%dma_start3A_18, %dma_start3A_19] : memref<32x200xi32, #tpu.memory_space<vmem>> -> memref<1x200xi32, #tpu.memory_space<vmem>>
    %dma_start3A_21 = tpu.memref_squeeze %dma_start3A_20 : memref<1x200xi32, #tpu.memory_space<vmem>> -> memref<200xi32, #tpu.memory_space<vmem>>
    %dma_start3A_22 = arith.constant 0 : i32
    %dma_start3A_23 = arith.constant 0 : i32
    %dma_start3A_24 = tpu.memref_slice %arg3[%dma_start3A_22, %dma_start3A_23] : memref<1000000x32xf32, #tpu.memory_space<hbm>> -> memref<1000000x32xf32, #tpu.memory_space<hbm>>
    tpu.enqueue_indirect_dma source(%dma_start3A_24 : memref<1000000x32xf32, #tpu.memory_space<hbm>>) target(%arg12 : memref<200x32xf32, #tpu.memory_space<vmem>>) offsets(%dma_start3A_21 : memref<200xi32, #tpu.memory_space<vmem>>) semaphore(%arg20 : memref<!tpu.dma_semaphore, #tpu.memory_space<semaphore_mem>>)
    %dma_start3A_25 = arith.constant 3 : i32
    %dma_start3A_26 = arith.constant 0 : i32
    %dma_start3A_27 = tpu.memref_slice %arg7[%dma_start3A_25, %dma_start3A_26] : memref<32x200xi32, #tpu.memory_space<vmem>> -> memref<1x200xi32, #tpu.memory_space<vmem>>
    %dma_start3A_28 = tpu.memref_squeeze %dma_start3A_27 : memref<1x200xi32, #tpu.memory_space<vmem>> -> memref<200xi32, #tpu.memory_space<vmem>>
    %dma_start3A_29 = arith.constant 0 : i32
    %dma_start3A_30 = arith.constant 0 : i32
    %dma_start3A_31 = tpu.memref_slice %arg3[%dma_start3A_29, %dma_start3A_30] : memref<1000000x32xf32, #tpu.memory_space<hbm>> -> memref<1000000x32xf32, #tpu.memory_space<hbm>>
    tpu.enqueue_indirect_dma source(%dma_start3A_31 : memref<1000000x32xf32, #tpu.memory_space<hbm>>) target(%arg13 : memref<200x32xf32, #tpu.memory_space<vmem>>) offsets(%dma_start3A_28 : memref<200xi32, #tpu.memory_space<vmem>>) semaphore(%arg21 : memref<!tpu.dma_semaphore, #tpu.memory_space<semaphore_mem>>)
    %dma_start3A_32 = arith.constant 4 : i32
    %dma_start3A_33 = arith.constant 0 : i32
    %dma_start3A_34 = tpu.memref_slice %arg7[%dma_start3A_32, %dma_start3A_33] : memref<32x200xi32, #tpu.memory_space<vmem>> -> memref<1x200xi32, #tpu.memory_space<vmem>>
    %dma_start3A_35 = tpu.memref_squeeze %dma_start3A_34 : memref<1x200xi32, #tpu.memory_space<vmem>> -> memref<200xi32, #tpu.memory_space<vmem>>
    %dma_start3A_36 = arith.constant 0 : i32
    %dma_start3A_37 = arith.constant 0 : i32
    %dma_start3A_38 = tpu.memref_slice %arg3[%dma_start3A_36, %dma_start3A_37] : memref<1000000x32xf32, #tpu.memory_space<hbm>> -> memref<1000000x32xf32, #tpu.memory_space<hbm>>
    tpu.enqueue_indirect_dma source(%dma_start3A_38 : memref<1000000x32xf32, #tpu.memory_space<hbm>>) target(%arg14 : memref<200x32xf32, #tpu.memory_space<vmem>>) offsets(%dma_start3A_35 : memref<200xi32, #tpu.memory_space<vmem>>) semaphore(%arg22 : memref<!tpu.dma_semaphore, #tpu.memory_space<semaphore_mem>>)
    %dma_start3A_39 = arith.constant 5 : i32
    %dma_start3A_40 = arith.constant 0 : i32
    %dma_start3A_41 = tpu.memref_slice %arg7[%dma_start3A_39, %dma_start3A_40] : memref<32x200xi32, #tpu.memory_space<vmem>> -> memref<1x200xi32, #tpu.memory_space<vmem>>
    %dma_start3A_42 = tpu.memref_squeeze %dma_start3A_41 : memref<1x200xi32, #tpu.memory_space<vmem>> -> memref<200xi32, #tpu.memory_space<vmem>>
    %dma_start3A_43 = arith.constant 0 : i32
    %dma_start3A_44 = arith.constant 0 : i32
    %dma_start3A_45 = tpu.memref_slice %arg3[%dma_start3A_43, %dma_start3A_44] : memref<1000000x32xf32, #tpu.memory_space<hbm>> -> memref<1000000x32xf32, #tpu.memory_space<hbm>>
    tpu.enqueue_indirect_dma source(%dma_start3A_45 : memref<1000000x32xf32, #tpu.memory_space<hbm>>) target(%arg15 : memref<200x32xf32, #tpu.memory_space<vmem>>) offsets(%dma_start3A_42 : memref<200xi32, #tpu.memory_space<vmem>>) semaphore(%arg23 : memref<!tpu.dma_semaphore, #tpu.memory_space<semaphore_mem>>)
    %dma_start3A_46 = arith.constant 6 : i32
    %dma_start3A_47 = arith.constant 0 : i32
    %dma_start3A_48 = tpu.memref_slice %arg7[%dma_start3A_46, %dma_start3A_47] : memref<32x200xi32, #tpu.memory_space<vmem>> -> memref<1x200xi32, #tpu.memory_space<vmem>>
    %dma_start3A_49 = tpu.memref_squeeze %dma_start3A_48 : memref<1x200xi32, #tpu.memory_space<vmem>> -> memref<200xi32, #tpu.memory_space<vmem>>
    %dma_start3A_50 = arith.constant 0 : i32
    %dma_start3A_51 = arith.constant 0 : i32
    %dma_start3A_52 = tpu.memref_slice %arg3[%dma_start3A_50, %dma_start3A_51] : memref<1000000x32xf32, #tpu.memory_space<hbm>> -> memref<1000000x32xf32, #tpu.memory_space<hbm>>
    tpu.enqueue_indirect_dma source(%dma_start3A_52 : memref<1000000x32xf32, #tpu.memory_space<hbm>>) target(%arg16 : memref<200x32xf32, #tpu.memory_space<vmem>>) offsets(%dma_start3A_49 : memref<200xi32, #tpu.memory_space<vmem>>) semaphore(%arg24 : memref<!tpu.dma_semaphore, #tpu.memory_space<semaphore_mem>>)
    %dma_wait3A = arith.constant 0 : i32
    %dma_wait3A_53 = arith.constant 0 : i32
    %dma_wait3A_54 = tpu.memref_slice %arg7[%dma_wait3A, %dma_wait3A_53] : memref<32x200xi32, #tpu.memory_space<vmem>> -> memref<1x200xi32, #tpu.memory_space<vmem>>
    %dma_wait3A_55 = tpu.memref_squeeze %dma_wait3A_54 : memref<1x200xi32, #tpu.memory_space<vmem>> -> memref<200xi32, #tpu.memory_space<vmem>>
    %dma_wait3A_56 = arith.constant 0 : i32
    %dma_wait3A_57 = arith.constant 0 : i32
    %dma_wait3A_58 = tpu.memref_slice %arg3[%dma_wait3A_56, %dma_wait3A_57] : memref<1000000x32xf32, #tpu.memory_space<hbm>> -> memref<1000000x32xf32, #tpu.memory_space<hbm>>
    tpu.wait_indirect_dma semaphore(%arg18 : memref<!tpu.dma_semaphore, #tpu.memory_space<semaphore_mem>>) src(%dma_wait3A_58 : memref<1000000x32xf32, #tpu.memory_space<hbm>>) dst(%arg10 : memref<200x32xf32, #tpu.memory_space<vmem>>)
    %dma_start3A_59 = arith.constant 0 : i32
    %dma_start3A_60 = arith.constant 0 : i32
    %dma_start3A_61 = tpu.memref_slice %arg9[%dma_start3A_59, %dma_start3A_60] : memref<200x32xf32, #tpu.memory_space<vmem_shared>> -> memref<200x32xf32, #tpu.memory_space<vmem_shared>>
    tpu.enqueue_indirect_dma source(%dma_start3A_61 : memref<200x32xf32, #tpu.memory_space<vmem_shared>>) target(%arg10 : memref<200x32xf32, #tpu.memory_space<vmem>>) offsets(%arg8 : memref<200xi32, #tpu.memory_space<vmem>>) semaphore(%arg26 : memref<!tpu.dma_semaphore, #tpu.memory_space<semaphore_mem>>) {add = true}
    %dma_start3A_62 = arith.constant 7 : i32
    %dma_start3A_63 = arith.constant 0 : i32
    %dma_start3A_64 = tpu.memref_slice %arg7[%dma_start3A_62, %dma_start3A_63] : memref<32x200xi32, #tpu.memory_space<vmem>> -> memref<1x200xi32, #tpu.memory_space<vmem>>
    %dma_start3A_65 = tpu.memref_squeeze %dma_start3A_64 : memref<1x200xi32, #tpu.memory_space<vmem>> -> memref<200xi32, #tpu.memory_space<vmem>>
    %dma_start3A_66 = arith.constant 0 : i32
    %dma_start3A_67 = arith.constant 0 : i32
    %dma_start3A_68 = tpu.memref_slice %arg3[%dma_start3A_66, %dma_start3A_67] : memref<1000000x32xf32, #tpu.memory_space<hbm>> -> memref<1000000x32xf32, #tpu.memory_space<hbm>>
    tpu.enqueue_indirect_dma source(%dma_start3A_68 : memref<1000000x32xf32, #tpu.memory_space<hbm>>) target(%arg17 : memref<200x32xf32, #tpu.memory_space<vmem>>) offsets(%dma_start3A_65 : memref<200xi32, #tpu.memory_space<vmem>>) semaphore(%arg25 : memref<!tpu.dma_semaphore, #tpu.memory_space<semaphore_mem>>)
    %dma_wait3A_69 = arith.constant 1 : i32
    %dma_wait3A_70 = arith.constant 0 : i32
    %dma_wait3A_71 = tpu.memref_slice %arg7[%dma_wait3A_69, %dma_wait3A_70] : memref<32x200xi32, #tpu.memory_space<vmem>> -> memref<1x200xi32, #tpu.memory_space<vmem>>
    %dma_wait3A_72 = tpu.memref_squeeze %dma_wait3A_71 : memref<1x200xi32, #tpu.memory_space<vmem>> -> memref<200xi32, #tpu.memory_space<vmem>>
    %dma_wait3A_73 = arith.constant 0 : i32
    %dma_wait3A_74 = arith.constant 0 : i32
    %dma_wait3A_75 = tpu.memref_slice %arg3[%dma_wait3A_73, %dma_wait3A_74] : memref<1000000x32xf32, #tpu.memory_space<hbm>> -> memref<1000000x32xf32, #tpu.memory_space<hbm>>
    tpu.wait_indirect_dma semaphore(%arg19 : memref<!tpu.dma_semaphore, #tpu.memory_space<semaphore_mem>>) src(%dma_wait3A_75 : memref<1000000x32xf32, #tpu.memory_space<hbm>>) dst(%arg11 : memref<200x32xf32, #tpu.memory_space<vmem>>)
    %dma_start3A_76 = arith.constant 0 : i32
    %dma_start3A_77 = arith.constant 0 : i32
    %dma_start3A_78 = tpu.memref_slice %arg9[%dma_start3A_76, %dma_start3A_77] : memref<200x32xf32, #tpu.memory_space<vmem_shared>> -> memref<200x32xf32, #tpu.memory_space<vmem_shared>>
    tpu.enqueue_indirect_dma source(%dma_start3A_78 : memref<200x32xf32, #tpu.memory_space<vmem_shared>>) target(%arg11 : memref<200x32xf32, #tpu.memory_space<vmem>>) offsets(%arg8 : memref<200xi32, #tpu.memory_space<vmem>>) semaphore(%arg27 : memref<!tpu.dma_semaphore, #tpu.memory_space<semaphore_mem>>) {add = true}
    %dma_wait3A_79 = arith.constant 0 : i32
    %dma_wait3A_80 = arith.constant 0 : i32
    %dma_wait3A_81 = tpu.memref_slice %arg9[%dma_wait3A_79, %dma_wait3A_80] : memref<200x32xf32, #tpu.memory_space<vmem_shared>> -> memref<200x32xf32, #tpu.memory_space<vmem_shared>>
    tpu.wait_indirect_dma semaphore(%arg26 : memref<!tpu.dma_semaphore, #tpu.memory_space<semaphore_mem>>) src(%dma_wait3A_81 : memref<200x32xf32, #tpu.memory_space<vmem_shared>>) dst(%arg10 : memref<200x32xf32, #tpu.memory_space<vmem>>)
    %add3A_82 = arith.constant 0 : i32
    %add3A_83 = arith.addi %mul3A_4, %add3A_82 : i32
    %dma_start3A_84 = arith.constant 0 : i32
    %dma_start3A_85 = arith.constant 0 : i32
    %dma_start3A_86 = tpu.memref_slice %arg6[%add3A_83, %dma_start3A_84, %dma_start3A_85] : memref<1024x200x32xf32, #tpu.memory_space<hbm>> -> memref<1x200x32xf32, #tpu.memory_space<hbm>>
    %dma_start3A_87 = tpu.memref_squeeze %dma_start3A_86 : memref<1x200x32xf32, #tpu.memory_space<hbm>> -> memref<200x32xf32, #tpu.memory_space<hbm>>
    %dma_start3A_88 = arith.constant 0 : i32
    %dma_start3A_89 = arith.constant 0 : i32
    %dma_start3A_90 = tpu.memref_slice %arg6[%add3A_83, %dma_start3A_88, %dma_start3A_89] : memref<1024x200x32xf32, #tpu.memory_space<hbm>> -> memref<1x200x32xf32, #tpu.memory_space<hbm>>
    %dma_start3A_91 = tpu.memref_squeeze %dma_start3A_90 : memref<1x200x32xf32, #tpu.memory_space<hbm>> -> memref<200x32xf32, #tpu.memory_space<hbm>>
    tpu.enqueue_dma source(%arg10 : memref<200x32xf32, #tpu.memory_space<vmem>>) target(%dma_start3A_91 : memref<200x32xf32, #tpu.memory_space<hbm>>) target_semaphore(%arg34 : memref<!tpu.dma_semaphore, #tpu.memory_space<semaphore_mem>>)
    %dma_wait3A_92 = arith.constant 0 : i32
    %dma_wait3A_93 = arith.constant 0 : i32
    %dma_wait3A_94 = tpu.memref_slice %arg6[%add3A_83, %dma_wait3A_92, %dma_wait3A_93] : memref<1024x200x32xf32, #tpu.memory_space<hbm>> -> memref<1x200x32xf32, #tpu.memory_space<hbm>>
    %dma_wait3A_95 = tpu.memref_squeeze %dma_wait3A_94 : memref<1x200x32xf32, #tpu.memory_space<hbm>> -> memref<200x32xf32, #tpu.memory_space<hbm>>
    %dma_wait3A_96 = arith.constant 0 : i32
    %dma_wait3A_97 = arith.constant 0 : i32
    %dma_wait3A_98 = tpu.memref_slice %arg6[%add3A_83, %dma_wait3A_96, %dma_wait3A_97] : memref<1024x200x32xf32, #tpu.memory_space<hbm>> -> memref<1x200x32xf32, #tpu.memory_space<hbm>>
    %dma_wait3A_99 = tpu.memref_squeeze %dma_wait3A_98 : memref<1x200x32xf32, #tpu.memory_space<hbm>> -> memref<200x32xf32, #tpu.memory_space<hbm>>
    tpu.wait_dma2 semaphore(%arg34 : memref<!tpu.dma_semaphore, #tpu.memory_space<semaphore_mem>>) src(%arg10 : memref<200x32xf32, #tpu.memory_space<vmem>>) dst(%dma_wait3A_99 : memref<200x32xf32, #tpu.memory_space<hbm>>)
    %dma_start3A_100 = arith.constant 8 : i32
    %dma_start3A_101 = arith.constant 0 : i32
    %dma_start3A_102 = tpu.memref_slice %arg7[%dma_start3A_100, %dma_start3A_101] : memref<32x200xi32, #tpu.memory_space<vmem>> -> memref<1x200xi32, #tpu.memory_space<vmem>>
    %dma_start3A_103 = tpu.memref_squeeze %dma_start3A_102 : memref<1x200xi32, #tpu.memory_space<vmem>> -> memref<200xi32, #tpu.memory_space<vmem>>
    %dma_start3A_104 = arith.constant 0 : i32
    %dma_start3A_105 = arith.constant 0 : i32
    %dma_start3A_106 = tpu.memref_slice %arg3[%dma_start3A_104, %dma_start3A_105] : memref<1000000x32xf32, #tpu.memory_space<hbm>> -> memref<1000000x32xf32, #tpu.memory_space<hbm>>
    tpu.enqueue_indirect_dma source(%dma_start3A_106 : memref<1000000x32xf32, #tpu.memory_space<hbm>>) target(%arg10 : memref<200x32xf32, #tpu.memory_space<vmem>>) offsets(%dma_start3A_103 : memref<200xi32, #tpu.memory_space<vmem>>) semaphore(%arg18 : memref<!tpu.dma_semaphore, #tpu.memory_space<semaphore_mem>>)
    %dma_wait3A_107 = arith.constant 2 : i32
    %dma_wait3A_108 = arith.constant 0 : i32
    %dma_wait3A_109 = tpu.memref_slice %arg7[%dma_wait3A_107, %dma_wait3A_108] : memref<32x200xi32, #tpu.memory_space<vmem>> -> memref<1x200xi32, #tpu.memory_space<vmem>>
    %dma_wait3A_110 = tpu.memref_squeeze %dma_wait3A_109 : memref<1x200xi32, #tpu.memory_space<vmem>> -> memref<200xi32, #tpu.memory_space<vmem>>
    %dma_wait3A_111 = arith.constant 0 : i32
    %dma_wait3A_112 = arith.constant 0 : i32
    %dma_wait3A_113 = tpu.memref_slice %arg3[%dma_wait3A_111, %dma_wait3A_112] : memref<1000000x32xf32, #tpu.memory_space<hbm>> -> memref<1000000x32xf32, #tpu.memory_space<hbm>>
    tpu.wait_indirect_dma semaphore(%arg20 : memref<!tpu.dma_semaphore, #tpu.memory_space<semaphore_mem>>) src(%dma_wait3A_113 : memref<1000000x32xf32, #tpu.memory_space<hbm>>) dst(%arg12 : memref<200x32xf32, #tpu.memory_space<vmem>>)
    %dma_start3A_114 = arith.constant 0 : i32
    %dma_start3A_115 = arith.constant 0 : i32
    %dma_start3A_116 = tpu.memref_slice %arg9[%dma_start3A_114, %dma_start3A_115] : memref<200x32xf32, #tpu.memory_space<vmem_shared>> -> memref<200x32xf32, #tpu.memory_space<vmem_shared>>
    tpu.enqueue_indirect_dma source(%dma_start3A_116 : memref<200x32xf32, #tpu.memory_space<vmem_shared>>) target(%arg12 : memref<200x32xf32, #tpu.memory_space<vmem>>) offsets(%arg8 : memref<200xi32, #tpu.memory_space<vmem>>) semaphore(%arg28 : memref<!tpu.dma_semaphore, #tpu.memory_space<semaphore_mem>>) {add = true}
    %dma_wait3A_117 = arith.constant 0 : i32
    %dma_wait3A_118 = arith.constant 0 : i32
    %dma_wait3A_119 = tpu.memref_slice %arg9[%dma_wait3A_117, %dma_wait3A_118] : memref<200x32xf32, #tpu.memory_space<vmem_shared>> -> memref<200x32xf32, #tpu.memory_space<vmem_shared>>
    tpu.wait_indirect_dma semaphore(%arg27 : memref<!tpu.dma_semaphore, #tpu.memory_space<semaphore_mem>>) src(%dma_wait3A_119 : memref<200x32xf32, #tpu.memory_space<vmem_shared>>) dst(%arg11 : memref<200x32xf32, #tpu.memory_space<vmem>>)
    %add3A_120 = arith.constant 1 : i32
    %add3A_121 = arith.addi %mul3A_4, %add3A_120 : i32
    %dma_start3A_122 = arith.constant 0 : i32
    %dma_start3A_123 = arith.constant 0 : i32
    %dma_start3A_124 = tpu.memref_slice %arg6[%add3A_121, %dma_start3A_122, %dma_start3A_123] : memref<1024x200x32xf32, #tpu.memory_space<hbm>> -> memref<1x200x32xf32, #tpu.memory_space<hbm>>
    %dma_start3A_125 = tpu.memref_squeeze %dma_start3A_124 : memref<1x200x32xf32, #tpu.memory_space<hbm>> -> memref<200x32xf32, #tpu.memory_space<hbm>>
    %dma_start3A_126 = arith.constant 0 : i32
    %dma_start3A_127 = arith.constant 0 : i32
    %dma_start3A_128 = tpu.memref_slice %arg6[%add3A_121, %dma_start3A_126, %dma_start3A_127] : memref<1024x200x32xf32, #tpu.memory_space<hbm>> -> memref<1x200x32xf32, #tpu.memory_space<hbm>>
    %dma_start3A_129 = tpu.memref_squeeze %dma_start3A_128 : memref<1x200x32xf32, #tpu.memory_space<hbm>> -> memref<200x32xf32, #tpu.memory_space<hbm>>
    tpu.enqueue_dma source(%arg11 : memref<200x32xf32, #tpu.memory_space<vmem>>) target(%dma_start3A_129 : memref<200x32xf32, #tpu.memory_space<hbm>>) target_semaphore(%arg35 : memref<!tpu.dma_semaphore, #tpu.memory_space<semaphore_mem>>)
    %dma_wait3A_130 = arith.constant 0 : i32
    %dma_wait3A_131 = arith.constant 0 : i32
    %dma_wait3A_132 = tpu.memref_slice %arg6[%add3A_121, %dma_wait3A_130, %dma_wait3A_131] : memref<1024x200x32xf32, #tpu.memory_space<hbm>> -> memref<1x200x32xf32, #tpu.memory_space<hbm>>
    %dma_wait3A_133 = tpu.memref_squeeze %dma_wait3A_132 : memref<1x200x32xf32, #tpu.memory_space<hbm>> -> memref<200x32xf32, #tpu.memory_space<hbm>>
    %dma_wait3A_134 = arith.constant 0 : i32
    %dma_wait3A_135 = arith.constant 0 : i32
    %dma_wait3A_136 = tpu.memref_slice %arg6[%add3A_121, %dma_wait3A_134, %dma_wait3A_135] : memref<1024x200x32xf32, #tpu.memory_space<hbm>> -> memref<1x200x32xf32, #tpu.memory_space<hbm>>
    %dma_wait3A_137 = tpu.memref_squeeze %dma_wait3A_136 : memref<1x200x32xf32, #tpu.memory_space<hbm>> -> memref<200x32xf32, #tpu.memory_space<hbm>>
    tpu.wait_dma2 semaphore(%arg35 : memref<!tpu.dma_semaphore, #tpu.memory_space<semaphore_mem>>) src(%arg11 : memref<200x32xf32, #tpu.memory_space<vmem>>) dst(%dma_wait3A_137 : memref<200x32xf32, #tpu.memory_space<hbm>>)
    %dma_start3A_138 = arith.constant 9 : i32
    %dma_start3A_139 = arith.constant 0 : i32
    %dma_start3A_140 = tpu.memref_slice %arg7[%dma_start3A_138, %dma_start3A_139] : memref<32x200xi32, #tpu.memory_space<vmem>> -> memref<1x200xi32, #tpu.memory_space<vmem>>
    %dma_start3A_141 = tpu.memref_squeeze %dma_start3A_140 : memref<1x200xi32, #tpu.memory_space<vmem>> -> memref<200xi32, #tpu.memory_space<vmem>>
    %dma_start3A_142 = arith.constant 0 : i32
    %dma_start3A_143 = arith.constant 0 : i32
    %dma_start3A_144 = tpu.memref_slice %arg3[%dma_start3A_142, %dma_start3A_143] : memref<1000000x32xf32, #tpu.memory_space<hbm>> -> memref<1000000x32xf32, #tpu.memory_space<hbm>>
    tpu.enqueue_indirect_dma source(%dma_start3A_144 : memref<1000000x32xf32, #tpu.memory_space<hbm>>) target(%arg11 : memref<200x32xf32, #tpu.memory_space<vmem>>) offsets(%dma_start3A_141 : memref<200xi32, #tpu.memory_space<vmem>>) semaphore(%arg19 : memref<!tpu.dma_semaphore, #tpu.memory_space<semaphore_mem>>)
    %dma_wait3A_145 = arith.constant 3 : i32
    %dma_wait3A_146 = arith.constant 0 : i32
    %dma_wait3A_147 = tpu.memref_slice %arg7[%dma_wait3A_145, %dma_wait3A_146] : memref<32x200xi32, #tpu.memory_space<vmem>> -> memref<1x200xi32, #tpu.memory_space<vmem>>
    %dma_wait3A_148 = tpu.memref_squeeze %dma_wait3A_147 : memref<1x200xi32, #tpu.memory_space<vmem>> -> memref<200xi32, #tpu.memory_space<vmem>>
    %dma_wait3A_149 = arith.constant 0 : i32
    %dma_wait3A_150 = arith.constant 0 : i32
    %dma_wait3A_151 = tpu.memref_slice %arg3[%dma_wait3A_149, %dma_wait3A_150] : memref<1000000x32xf32, #tpu.memory_space<hbm>> -> memref<1000000x32xf32, #tpu.memory_space<hbm>>
    tpu.wait_indirect_dma semaphore(%arg21 : memref<!tpu.dma_semaphore, #tpu.memory_space<semaphore_mem>>) src(%dma_wait3A_151 : memref<1000000x32xf32, #tpu.memory_space<hbm>>) dst(%arg13 : memref<200x32xf32, #tpu.memory_space<vmem>>)
    %dma_start3A_152 = arith.constant 0 : i32
    %dma_start3A_153 = arith.constant 0 : i32
    %dma_start3A_154 = tpu.memref_slice %arg9[%dma_start3A_152, %dma_start3A_153] : memref<200x32xf32, #tpu.memory_space<vmem_shared>> -> memref<200x32xf32, #tpu.memory_space<vmem_shared>>
    tpu.enqueue_indirect_dma source(%dma_start3A_154 : memref<200x32xf32, #tpu.memory_space<vmem_shared>>) target(%arg13 : memref<200x32xf32, #tpu.memory_space<vmem>>) offsets(%arg8 : memref<200xi32, #tpu.memory_space<vmem>>) semaphore(%arg29 : memref<!tpu.dma_semaphore, #tpu.memory_space<semaphore_mem>>) {add = true}
    %dma_wait3A_155 = arith.constant 0 : i32
    %dma_wait3A_156 = arith.constant 0 : i32
    %dma_wait3A_157 = tpu.memref_slice %arg9[%dma_wait3A_155, %dma_wait3A_156] : memref<200x32xf32, #tpu.memory_space<vmem_shared>> -> memref<200x32xf32, #tpu.memory_space<vmem_shared>>
    tpu.wait_indirect_dma semaphore(%arg28 : memref<!tpu.dma_semaphore, #tpu.memory_space<semaphore_mem>>) src(%dma_wait3A_157 : memref<200x32xf32, #tpu.memory_space<vmem_shared>>) dst(%arg12 : memref<200x32xf32, #tpu.memory_space<vmem>>)
    %add3A_158 = arith.constant 2 : i32
    %add3A_159 = arith.addi %mul3A_4, %add3A_158 : i32
    %dma_start3A_160 = arith.constant 0 : i32
    %dma_start3A_161 = arith.constant 0 : i32
    %dma_start3A_162 = tpu.memref_slice %arg6[%add3A_159, %dma_start3A_160, %dma_start3A_161] : memref<1024x200x32xf32, #tpu.memory_space<hbm>> -> memref<1x200x32xf32, #tpu.memory_space<hbm>>
    %dma_start3A_163 = tpu.memref_squeeze %dma_start3A_162 : memref<1x200x32xf32, #tpu.memory_space<hbm>> -> memref<200x32xf32, #tpu.memory_space<hbm>>
    %dma_start3A_164 = arith.constant 0 : i32
    %dma_start3A_165 = arith.constant 0 : i32
    %dma_start3A_166 = tpu.memref_slice %arg6[%add3A_159, %dma_start3A_164, %dma_start3A_165] : memref<1024x200x32xf32, #tpu.memory_space<hbm>> -> memref<1x200x32xf32, #tpu.memory_space<hbm>>
    %dma_start3A_167 = tpu.memref_squeeze %dma_start3A_166 : memref<1x200x32xf32, #tpu.memory_space<hbm>> -> memref<200x32xf32, #tpu.memory_space<hbm>>
    tpu.enqueue_dma source(%arg12 : memref<200x32xf32, #tpu.memory_space<vmem>>) target(%dma_start3A_167 : memref<200x32xf32, #tpu.memory_space<hbm>>) target_semaphore(%arg36 : memref<!tpu.dma_semaphore, #tpu.memory_space<semaphore_mem>>)
    %dma_wait3A_168 = arith.constant 0 : i32
    %dma_wait3A_169 = arith.constant 0 : i32
    %dma_wait3A_170 = tpu.memref_slice %arg6[%add3A_159, %dma_wait3A_168, %dma_wait3A_169] : memref<1024x200x32xf32, #tpu.memory_space<hbm>> -> memref<1x200x32xf32, #tpu.memory_space<hbm>>
    %dma_wait3A_171 = tpu.memref_squeeze %dma_wait3A_170 : memref<1x200x32xf32, #tpu.memory_space<hbm>> -> memref<200x32xf32, #tpu.memory_space<hbm>>
    %dma_wait3A_172 = arith.constant 0 : i32
    %dma_wait3A_173 = arith.constant 0 : i32
    %dma_wait3A_174 = tpu.memref_slice %arg6[%add3A_159, %dma_wait3A_172, %dma_wait3A_173] : memref<1024x200x32xf32, #tpu.memory_space<hbm>> -> memref<1x200x32xf32, #tpu.memory_space<hbm>>
    %dma_wait3A_175 = tpu.memref_squeeze %dma_wait3A_174 : memref<1x200x32xf32, #tpu.memory_space<hbm>> -> memref<200x32xf32, #tpu.memory_space<hbm>>
    tpu.wait_dma2 semaphore(%arg36 : memref<!tpu.dma_semaphore, #tpu.memory_space<semaphore_mem>>) src(%arg12 : memref<200x32xf32, #tpu.memory_space<vmem>>) dst(%dma_wait3A_175 : memref<200x32xf32, #tpu.memory_space<hbm>>)
    %dma_start3A_176 = arith.constant 10 : i32
    %dma_start3A_177 = arith.constant 0 : i32
    %dma_start3A_178 = tpu.memref_slice %arg7[%dma_start3A_176, %dma_start3A_177] : memref<32x200xi32, #tpu.memory_space<vmem>> -> memref<1x200xi32, #tpu.memory_space<vmem>>
    %dma_start3A_179 = tpu.memref_squeeze %dma_start3A_178 : memref<1x200xi32, #tpu.memory_space<vmem>> -> memref<200xi32, #tpu.memory_space<vmem>>
    %dma_start3A_180 = arith.constant 0 : i32
    %dma_start3A_181 = arith.constant 0 : i32
    %dma_start3A_182 = tpu.memref_slice %arg3[%dma_start3A_180, %dma_start3A_181] : memref<1000000x32xf32, #tpu.memory_space<hbm>> -> memref<1000000x32xf32, #tpu.memory_space<hbm>>
    tpu.enqueue_indirect_dma source(%dma_start3A_182 : memref<1000000x32xf32, #tpu.memory_space<hbm>>) target(%arg12 : memref<200x32xf32, #tpu.memory_space<vmem>>) offsets(%dma_start3A_179 : memref<200xi32, #tpu.memory_space<vmem>>) semaphore(%arg20 : memref<!tpu.dma_semaphore, #tpu.memory_space<semaphore_mem>>)
    %dma_wait3A_183 = arith.constant 4 : i32
    %dma_wait3A_184 = arith.constant 0 : i32
    %dma_wait3A_185 = tpu.memref_slice %arg7[%dma_wait3A_183, %dma_wait3A_184] : memref<32x200xi32, #tpu.memory_space<vmem>> -> memref<1x200xi32, #tpu.memory_space<vmem>>
    %dma_wait3A_186 = tpu.memref_squeeze %dma_wait3A_185 : memref<1x200xi32, #tpu.memory_space<vmem>> -> memref<200xi32, #tpu.memory_space<vmem>>
    %dma_wait3A_187 = arith.constant 0 : i32
    %dma_wait3A_188 = arith.constant 0 : i32
    %dma_wait3A_189 = tpu.memref_slice %arg3[%dma_wait3A_187, %dma_wait3A_188] : memref<1000000x32xf32, #tpu.memory_space<hbm>> -> memref<1000000x32xf32, #tpu.memory_space<hbm>>
    tpu.wait_indirect_dma semaphore(%arg22 : memref<!tpu.dma_semaphore, #tpu.memory_space<semaphore_mem>>) src(%dma_wait3A_189 : memref<1000000x32xf32, #tpu.memory_space<hbm>>) dst(%arg14 : memref<200x32xf32, #tpu.memory_space<vmem>>)
    %dma_start3A_190 = arith.constant 0 : i32
    %dma_start3A_191 = arith.constant 0 : i32
    %dma_start3A_192 = tpu.memref_slice %arg9[%dma_start3A_190, %dma_start3A_191] : memref<200x32xf32, #tpu.memory_space<vmem_shared>> -> memref<200x32xf32, #tpu.memory_space<vmem_shared>>
    tpu.enqueue_indirect_dma source(%dma_start3A_192 : memref<200x32xf32, #tpu.memory_space<vmem_shared>>) target(%arg14 : memref<200x32xf32, #tpu.memory_space<vmem>>) offsets(%arg8 : memref<200xi32, #tpu.memory_space<vmem>>) semaphore(%arg30 : memref<!tpu.dma_semaphore, #tpu.memory_space<semaphore_mem>>) {add = true}
    %dma_wait3A_193 = arith.constant 0 : i32
    %dma_wait3A_194 = arith.constant 0 : i32
    %dma_wait3A_195 = tpu.memref_slice %arg9[%dma_wait3A_193, %dma_wait3A_194] : memref<200x32xf32, #tpu.memory_space<vmem_shared>> -> memref<200x32xf32, #tpu.memory_space<vmem_shared>>
    tpu.wait_indirect_dma semaphore(%arg29 : memref<!tpu.dma_semaphore, #tpu.memory_space<semaphore_mem>>) src(%dma_wait3A_195 : memref<200x32xf32, #tpu.memory_space<vmem_shared>>) dst(%arg13 : memref<200x32xf32, #tpu.memory_space<vmem>>)
    %add3A_196 = arith.constant 3 : i32
    %add3A_197 = arith.addi %mul3A_4, %add3A_196 : i32
    %dma_start3A_198 = arith.constant 0 : i32
    %dma_start3A_199 = arith.constant 0 : i32
    %dma_start3A_200 = tpu.memref_slice %arg6[%add3A_197, %dma_start3A_198, %dma_start3A_199] : memref<1024x200x32xf32, #tpu.memory_space<hbm>> -> memref<1x200x32xf32, #tpu.memory_space<hbm>>
    %dma_start3A_201 = tpu.memref_squeeze %dma_start3A_200 : memref<1x200x32xf32, #tpu.memory_space<hbm>> -> memref<200x32xf32, #tpu.memory_space<hbm>>
    %dma_start3A_202 = arith.constant 0 : i32
    %dma_start3A_203 = arith.constant 0 : i32
    %dma_start3A_204 = tpu.memref_slice %arg6[%add3A_197, %dma_start3A_202, %dma_start3A_203] : memref<1024x200x32xf32, #tpu.memory_space<hbm>> -> memref<1x200x32xf32, #tpu.memory_space<hbm>>
    %dma_start3A_205 = tpu.memref_squeeze %dma_start3A_204 : memref<1x200x32xf32, #tpu.memory_space<hbm>> -> memref<200x32xf32, #tpu.memory_space<hbm>>
    tpu.enqueue_dma source(%arg13 : memref<200x32xf32, #tpu.memory_space<vmem>>) target(%dma_start3A_205 : memref<200x32xf32, #tpu.memory_space<hbm>>) target_semaphore(%arg37 : memref<!tpu.dma_semaphore, #tpu.memory_space<semaphore_mem>>)
    %dma_wait3A_206 = arith.constant 0 : i32
    %dma_wait3A_207 = arith.constant 0 : i32
    %dma_wait3A_208 = tpu.memref_slice %arg6[%add3A_197, %dma_wait3A_206, %dma_wait3A_207] : memref<1024x200x32xf32, #tpu.memory_space<hbm>> -> memref<1x200x32xf32, #tpu.memory_space<hbm>>
    %dma_wait3A_209 = tpu.memref_squeeze %dma_wait3A_208 : memref<1x200x32xf32, #tpu.memory_space<hbm>> -> memref<200x32xf32, #tpu.memory_space<hbm>>
    %dma_wait3A_210 = arith.constant 0 : i32
    %dma_wait3A_211 = arith.constant 0 : i32
    %dma_wait3A_212 = tpu.memref_slice %arg6[%add3A_197, %dma_wait3A_210, %dma_wait3A_211] : memref<1024x200x32xf32, #tpu.memory_space<hbm>> -> memref<1x200x32xf32, #tpu.memory_space<hbm>>
    %dma_wait3A_213 = tpu.memref_squeeze %dma_wait3A_212 : memref<1x200x32xf32, #tpu.memory_space<hbm>> -> memref<200x32xf32, #tpu.memory_space<hbm>>
    tpu.wait_dma2 semaphore(%arg37 : memref<!tpu.dma_semaphore, #tpu.memory_space<semaphore_mem>>) src(%arg13 : memref<200x32xf32, #tpu.memory_space<vmem>>) dst(%dma_wait3A_213 : memref<200x32xf32, #tpu.memory_space<hbm>>)
    %dma_start3A_214 = arith.constant 11 : i32
    %dma_start3A_215 = arith.constant 0 : i32
    %dma_start3A_216 = tpu.memref_slice %arg7[%dma_start3A_214, %dma_start3A_215] : memref<32x200xi32, #tpu.memory_space<vmem>> -> memref<1x200xi32, #tpu.memory_space<vmem>>
    %dma_start3A_217 = tpu.memref_squeeze %dma_start3A_216 : memref<1x200xi32, #tpu.memory_space<vmem>> -> memref<200xi32, #tpu.memory_space<vmem>>
    %dma_start3A_218 = arith.constant 0 : i32
    %dma_start3A_219 = arith.constant 0 : i32
    %dma_start3A_220 = tpu.memref_slice %arg3[%dma_start3A_218, %dma_start3A_219] : memref<1000000x32xf32, #tpu.memory_space<hbm>> -> memref<1000000x32xf32, #tpu.memory_space<hbm>>
    tpu.enqueue_indirect_dma source(%dma_start3A_220 : memref<1000000x32xf32, #tpu.memory_space<hbm>>) target(%arg13 : memref<200x32xf32, #tpu.memory_space<vmem>>) offsets(%dma_start3A_217 : memref<200xi32, #tpu.memory_space<vmem>>) semaphore(%arg21 : memref<!tpu.dma_semaphore, #tpu.memory_space<semaphore_mem>>)
    %dma_wait3A_221 = arith.constant 5 : i32
    %dma_wait3A_222 = arith.constant 0 : i32
    %dma_wait3A_223 = tpu.memref_slice %arg7[%dma_wait3A_221, %dma_wait3A_222] : memref<32x200xi32, #tpu.memory_space<vmem>> -> memref<1x200xi32, #tpu.memory_space<vmem>>
    %dma_wait3A_224 = tpu.memref_squeeze %dma_wait3A_223 : memref<1x200xi32, #tpu.memory_space<vmem>> -> memref<200xi32, #tpu.memory_space<vmem>>
    %dma_wait3A_225 = arith.constant 0 : i32
    %dma_wait3A_226 = arith.constant 0 : i32
    %dma_wait3A_227 = tpu.memref_slice %arg3[%dma_wait3A_225, %dma_wait3A_226] : memref<1000000x32xf32, #tpu.memory_space<hbm>> -> memref<1000000x32xf32, #tpu.memory_space<hbm>>
    tpu.wait_indirect_dma semaphore(%arg23 : memref<!tpu.dma_semaphore, #tpu.memory_space<semaphore_mem>>) src(%dma_wait3A_227 : memref<1000000x32xf32, #tpu.memory_space<hbm>>) dst(%arg15 : memref<200x32xf32, #tpu.memory_space<vmem>>)
    %dma_start3A_228 = arith.constant 0 : i32
    %dma_start3A_229 = arith.constant 0 : i32
    %dma_start3A_230 = tpu.memref_slice %arg9[%dma_start3A_228, %dma_start3A_229] : memref<200x32xf32, #tpu.memory_space<vmem_shared>> -> memref<200x32xf32, #tpu.memory_space<vmem_shared>>
    tpu.enqueue_indirect_dma source(%dma_start3A_230 : memref<200x32xf32, #tpu.memory_space<vmem_shared>>) target(%arg15 : memref<200x32xf32, #tpu.memory_space<vmem>>) offsets(%arg8 : memref<200xi32, #tpu.memory_space<vmem>>) semaphore(%arg31 : memref<!tpu.dma_semaphore, #tpu.memory_space<semaphore_mem>>) {add = true}
    %dma_wait3A_231 = arith.constant 0 : i32
    %dma_wait3A_232 = arith.constant 0 : i32
    %dma_wait3A_233 = tpu.memref_slice %arg9[%dma_wait3A_231, %dma_wait3A_232] : memref<200x32xf32, #tpu.memory_space<vmem_shared>> -> memref<200x32xf32, #tpu.memory_space<vmem_shared>>
    tpu.wait_indirect_dma semaphore(%arg30 : memref<!tpu.dma_semaphore, #tpu.memory_space<semaphore_mem>>) src(%dma_wait3A_233 : memref<200x32xf32, #tpu.memory_space<vmem_shared>>) dst(%arg14 : memref<200x32xf32, #tpu.memory_space<vmem>>)
    %add3A_234 = arith.constant 4 : i32
    %add3A_235 = arith.addi %mul3A_4, %add3A_234 : i32
    %dma_start3A_236 = arith.constant 0 : i32
    %dma_start3A_237 = arith.constant 0 : i32
    %dma_start3A_238 = tpu.memref_slice %arg6[%add3A_235, %dma_start3A_236, %dma_start3A_237] : memref<1024x200x32xf32, #tpu.memory_space<hbm>> -> memref<1x200x32xf32, #tpu.memory_space<hbm>>
    %dma_start3A_239 = tpu.memref_squeeze %dma_start3A_238 : memref<1x200x32xf32, #tpu.memory_space<hbm>> -> memref<200x32xf32, #tpu.memory_space<hbm>>
    %dma_start3A_240 = arith.constant 0 : i32
    %dma_start3A_241 = arith.constant 0 : i32
    %dma_start3A_242 = tpu.memref_slice %arg6[%add3A_235, %dma_start3A_240, %dma_start3A_241] : memref<1024x200x32xf32, #tpu.memory_space<hbm>> -> memref<1x200x32xf32, #tpu.memory_space<hbm>>
    %dma_start3A_243 = tpu.memref_squeeze %dma_start3A_242 : memref<1x200x32xf32, #tpu.memory_space<hbm>> -> memref<200x32xf32, #tpu.memory_space<hbm>>
    tpu.enqueue_dma source(%arg14 : memref<200x32xf32, #tpu.memory_space<vmem>>) target(%dma_start3A_243 : memref<200x32xf32, #tpu.memory_space<hbm>>) target_semaphore(%arg38 : memref<!tpu.dma_semaphore, #tpu.memory_space<semaphore_mem>>)
    %dma_wait3A_244 = arith.constant 0 : i32
    %dma_wait3A_245 = arith.constant 0 : i32
    %dma_wait3A_246 = tpu.memref_slice %arg6[%add3A_235, %dma_wait3A_244, %dma_wait3A_245] : memref<1024x200x32xf32, #tpu.memory_space<hbm>> -> memref<1x200x32xf32, #tpu.memory_space<hbm>>
    %dma_wait3A_247 = tpu.memref_squeeze %dma_wait3A_246 : memref<1x200x32xf32, #tpu.memory_space<hbm>> -> memref<200x32xf32, #tpu.memory_space<hbm>>
    %dma_wait3A_248 = arith.constant 0 : i32
    %dma_wait3A_249 = arith.constant 0 : i32
    %dma_wait3A_250 = tpu.memref_slice %arg6[%add3A_235, %dma_wait3A_248, %dma_wait3A_249] : memref<1024x200x32xf32, #tpu.memory_space<hbm>> -> memref<1x200x32xf32, #tpu.memory_space<hbm>>
    %dma_wait3A_251 = tpu.memref_squeeze %dma_wait3A_250 : memref<1x200x32xf32, #tpu.memory_space<hbm>> -> memref<200x32xf32, #tpu.memory_space<hbm>>
    tpu.wait_dma2 semaphore(%arg38 : memref<!tpu.dma_semaphore, #tpu.memory_space<semaphore_mem>>) src(%arg14 : memref<200x32xf32, #tpu.memory_space<vmem>>) dst(%dma_wait3A_251 : memref<200x32xf32, #tpu.memory_space<hbm>>)
    %dma_start3A_252 = arith.constant 12 : i32
    %dma_start3A_253 = arith.constant 0 : i32
    %dma_start3A_254 = tpu.memref_slice %arg7[%dma_start3A_252, %dma_start3A_253] : memref<32x200xi32, #tpu.memory_space<vmem>> -> memref<1x200xi32, #tpu.memory_space<vmem>>
    %dma_start3A_255 = tpu.memref_squeeze %dma_start3A_254 : memref<1x200xi32, #tpu.memory_space<vmem>> -> memref<200xi32, #tpu.memory_space<vmem>>
    %dma_start3A_256 = arith.constant 0 : i32
    %dma_start3A_257 = arith.constant 0 : i32
    %dma_start3A_258 = tpu.memref_slice %arg3[%dma_start3A_256, %dma_start3A_257] : memref<1000000x32xf32, #tpu.memory_space<hbm>> -> memref<1000000x32xf32, #tpu.memory_space<hbm>>
    tpu.enqueue_indirect_dma source(%dma_start3A_258 : memref<1000000x32xf32, #tpu.memory_space<hbm>>) target(%arg14 : memref<200x32xf32, #tpu.memory_space<vmem>>) offsets(%dma_start3A_255 : memref<200xi32, #tpu.memory_space<vmem>>) semaphore(%arg22 : memref<!tpu.dma_semaphore, #tpu.memory_space<semaphore_mem>>)
    %dma_wait3A_259 = arith.constant 6 : i32
    %dma_wait3A_260 = arith.constant 0 : i32
    %dma_wait3A_261 = tpu.memref_slice %arg7[%dma_wait3A_259, %dma_wait3A_260] : memref<32x200xi32, #tpu.memory_space<vmem>> -> memref<1x200xi32, #tpu.memory_space<vmem>>
    %dma_wait3A_262 = tpu.memref_squeeze %dma_wait3A_261 : memref<1x200xi32, #tpu.memory_space<vmem>> -> memref<200xi32, #tpu.memory_space<vmem>>
    %dma_wait3A_263 = arith.constant 0 : i32
    %dma_wait3A_264 = arith.constant 0 : i32
    %dma_wait3A_265 = tpu.memref_slice %arg3[%dma_wait3A_263, %dma_wait3A_264] : memref<1000000x32xf32, #tpu.memory_space<hbm>> -> memref<1000000x32xf32, #tpu.memory_space<hbm>>
    tpu.wait_indirect_dma semaphore(%arg24 : memref<!tpu.dma_semaphore, #tpu.memory_space<semaphore_mem>>) src(%dma_wait3A_265 : memref<1000000x32xf32, #tpu.memory_space<hbm>>) dst(%arg16 : memref<200x32xf32, #tpu.memory_space<vmem>>)
    %dma_start3A_266 = arith.constant 0 : i32
    %dma_start3A_267 = arith.constant 0 : i32
    %dma_start3A_268 = tpu.memref_slice %arg9[%dma_start3A_266, %dma_start3A_267] : memref<200x32xf32, #tpu.memory_space<vmem_shared>> -> memref<200x32xf32, #tpu.memory_space<vmem_shared>>
    tpu.enqueue_indirect_dma source(%dma_start3A_268 : memref<200x32xf32, #tpu.memory_space<vmem_shared>>) target(%arg16 : memref<200x32xf32, #tpu.memory_space<vmem>>) offsets(%arg8 : memref<200xi32, #tpu.memory_space<vmem>>) semaphore(%arg32 : memref<!tpu.dma_semaphore, #tpu.memory_space<semaphore_mem>>) {add = true}
    %dma_wait3A_269 = arith.constant 0 : i32
    %dma_wait3A_270 = arith.constant 0 : i32
    %dma_wait3A_271 = tpu.memref_slice %arg9[%dma_wait3A_269, %dma_wait3A_270] : memref<200x32xf32, #tpu.memory_space<vmem_shared>> -> memref<200x32xf32, #tpu.memory_space<vmem_shared>>
    tpu.wait_indirect_dma semaphore(%arg31 : memref<!tpu.dma_semaphore, #tpu.memory_space<semaphore_mem>>) src(%dma_wait3A_271 : memref<200x32xf32, #tpu.memory_space<vmem_shared>>) dst(%arg15 : memref<200x32xf32, #tpu.memory_space<vmem>>)
    %add3A_272 = arith.constant 5 : i32
    %add3A_273 = arith.addi %mul3A_4, %add3A_272 : i32
    %dma_start3A_274 = arith.constant 0 : i32
    %dma_start3A_275 = arith.constant 0 : i32
    %dma_start3A_276 = tpu.memref_slice %arg6[%add3A_273, %dma_start3A_274, %dma_start3A_275] : memref<1024x200x32xf32, #tpu.memory_space<hbm>> -> memref<1x200x32xf32, #tpu.memory_space<hbm>>
    %dma_start3A_277 = tpu.memref_squeeze %dma_start3A_276 : memref<1x200x32xf32, #tpu.memory_space<hbm>> -> memref<200x32xf32, #tpu.memory_space<hbm>>
    %dma_start3A_278 = arith.constant 0 : i32
    %dma_start3A_279 = arith.constant 0 : i32
    %dma_start3A_280 = tpu.memref_slice %arg6[%add3A_273, %dma_start3A_278, %dma_start3A_279] : memref<1024x200x32xf32, #tpu.memory_space<hbm>> -> memref<1x200x32xf32, #tpu.memory_space<hbm>>
    %dma_start3A_281 = tpu.memref_squeeze %dma_start3A_280 : memref<1x200x32xf32, #tpu.memory_space<hbm>> -> memref<200x32xf32, #tpu.memory_space<hbm>>
    tpu.enqueue_dma source(%arg15 : memref<200x32xf32, #tpu.memory_space<vmem>>) target(%dma_start3A_281 : memref<200x32xf32, #tpu.memory_space<hbm>>) target_semaphore(%arg39 : memref<!tpu.dma_semaphore, #tpu.memory_space<semaphore_mem>>)
    %dma_wait3A_282 = arith.constant 0 : i32
    %dma_wait3A_283 = arith.constant 0 : i32
    %dma_wait3A_284 = tpu.memref_slice %arg6[%add3A_273, %dma_wait3A_282, %dma_wait3A_283] : memref<1024x200x32xf32, #tpu.memory_space<hbm>> -> memref<1x200x32xf32, #tpu.memory_space<hbm>>
    %dma_wait3A_285 = tpu.memref_squeeze %dma_wait3A_284 : memref<1x200x32xf32, #tpu.memory_space<hbm>> -> memref<200x32xf32, #tpu.memory_space<hbm>>
    %dma_wait3A_286 = arith.constant 0 : i32
    %dma_wait3A_287 = arith.constant 0 : i32
    %dma_wait3A_288 = tpu.memref_slice %arg6[%add3A_273, %dma_wait3A_286, %dma_wait3A_287] : memref<1024x200x32xf32, #tpu.memory_space<hbm>> -> memref<1x200x32xf32, #tpu.memory_space<hbm>>
    %dma_wait3A_289 = tpu.memref_squeeze %dma_wait3A_288 : memref<1x200x32xf32, #tpu.memory_space<hbm>> -> memref<200x32xf32, #tpu.memory_space<hbm>>
    tpu.wait_dma2 semaphore(%arg39 : memref<!tpu.dma_semaphore, #tpu.memory_space<semaphore_mem>>) src(%arg15 : memref<200x32xf32, #tpu.memory_space<vmem>>) dst(%dma_wait3A_289 : memref<200x32xf32, #tpu.memory_space<hbm>>)
    %dma_start3A_290 = arith.constant 13 : i32
    %dma_start3A_291 = arith.constant 0 : i32
    %dma_start3A_292 = tpu.memref_slice %arg7[%dma_start3A_290, %dma_start3A_291] : memref<32x200xi32, #tpu.memory_space<vmem>> -> memref<1x200xi32, #tpu.memory_space<vmem>>
    %dma_start3A_293 = tpu.memref_squeeze %dma_start3A_292 : memref<1x200xi32, #tpu.memory_space<vmem>> -> memref<200xi32, #tpu.memory_space<vmem>>
    %dma_start3A_294 = arith.constant 0 : i32
    %dma_start3A_295 = arith.constant 0 : i32
    %dma_start3A_296 = tpu.memref_slice %arg3[%dma_start3A_294, %dma_start3A_295] : memref<1000000x32xf32, #tpu.memory_space<hbm>> -> memref<1000000x32xf32, #tpu.memory_space<hbm>>
    tpu.enqueue_indirect_dma source(%dma_start3A_296 : memref<1000000x32xf32, #tpu.memory_space<hbm>>) target(%arg15 : memref<200x32xf32, #tpu.memory_space<vmem>>) offsets(%dma_start3A_293 : memref<200xi32, #tpu.memory_space<vmem>>) semaphore(%arg23 : memref<!tpu.dma_semaphore, #tpu.memory_space<semaphore_mem>>)
    %dma_wait3A_297 = arith.constant 7 : i32
    %dma_wait3A_298 = arith.constant 0 : i32
    %dma_wait3A_299 = tpu.memref_slice %arg7[%dma_wait3A_297, %dma_wait3A_298] : memref<32x200xi32, #tpu.memory_space<vmem>> -> memref<1x200xi32, #tpu.memory_space<vmem>>
    %dma_wait3A_300 = tpu.memref_squeeze %dma_wait3A_299 : memref<1x200xi32, #tpu.memory_space<vmem>> -> memref<200xi32, #tpu.memory_space<vmem>>
    %dma_wait3A_301 = arith.constant 0 : i32
    %dma_wait3A_302 = arith.constant 0 : i32
    %dma_wait3A_303 = tpu.memref_slice %arg3[%dma_wait3A_301, %dma_wait3A_302] : memref<1000000x32xf32, #tpu.memory_space<hbm>> -> memref<1000000x32xf32, #tpu.memory_space<hbm>>
    tpu.wait_indirect_dma semaphore(%arg25 : memref<!tpu.dma_semaphore, #tpu.memory_space<semaphore_mem>>) src(%dma_wait3A_303 : memref<1000000x32xf32, #tpu.memory_space<hbm>>) dst(%arg17 : memref<200x32xf32, #tpu.memory_space<vmem>>)
    %dma_start3A_304 = arith.constant 0 : i32
    %dma_start3A_305 = arith.constant 0 : i32
    %dma_start3A_306 = tpu.memref_slice %arg9[%dma_start3A_304, %dma_start3A_305] : memref<200x32xf32, #tpu.memory_space<vmem_shared>> -> memref<200x32xf32, #tpu.memory_space<vmem_shared>>
    tpu.enqueue_indirect_dma source(%dma_start3A_306 : memref<200x32xf32, #tpu.memory_space<vmem_shared>>) target(%arg17 : memref<200x32xf32, #tpu.memory_space<vmem>>) offsets(%arg8 : memref<200xi32, #tpu.memory_space<vmem>>) semaphore(%arg33 : memref<!tpu.dma_semaphore, #tpu.memory_space<semaphore_mem>>) {add = true}
    %dma_wait3A_307 = arith.constant 0 : i32
    %dma_wait3A_308 = arith.constant 0 : i32
    %dma_wait3A_309 = tpu.memref_slice %arg9[%dma_wait3A_307, %dma_wait3A_308] : memref<200x32xf32, #tpu.memory_space<vmem_shared>> -> memref<200x32xf32, #tpu.memory_space<vmem_shared>>
    tpu.wait_indirect_dma semaphore(%arg32 : memref<!tpu.dma_semaphore, #tpu.memory_space<semaphore_mem>>) src(%dma_wait3A_309 : memref<200x32xf32, #tpu.memory_space<vmem_shared>>) dst(%arg16 : memref<200x32xf32, #tpu.memory_space<vmem>>)
    %add3A_310 = arith.constant 6 : i32
    %add3A_311 = arith.addi %mul3A_4, %add3A_310 : i32
    %dma_start3A_312 = arith.constant 0 : i32
    %dma_start3A_313 = arith.constant 0 : i32
    %dma_start3A_314 = tpu.memref_slice %arg6[%add3A_311, %dma_start3A_312, %dma_start3A_313] : memref<1024x200x32xf32, #tpu.memory_space<hbm>> -> memref<1x200x32xf32, #tpu.memory_space<hbm>>
    %dma_start3A_315 = tpu.memref_squeeze %dma_start3A_314 : memref<1x200x32xf32, #tpu.memory_space<hbm>> -> memref<200x32xf32, #tpu.memory_space<hbm>>
    %dma_start3A_316 = arith.constant 0 : i32
    %dma_start3A_317 = arith.constant 0 : i32
    %dma_start3A_318 = tpu.memref_slice %arg6[%add3A_311, %dma_start3A_316, %dma_start3A_317] : memref<1024x200x32xf32, #tpu.memory_space<hbm>> -> memref<1x200x32xf32, #tpu.memory_space<hbm>>
    %dma_start3A_319 = tpu.memref_squeeze %dma_start3A_318 : memref<1x200x32xf32, #tpu.memory_space<hbm>> -> memref<200x32xf32, #tpu.memory_space<hbm>>
    tpu.enqueue_dma source(%arg16 : memref<200x32xf32, #tpu.memory_space<vmem>>) target(%dma_start3A_319 : memref<200x32xf32, #tpu.memory_space<hbm>>) target_semaphore(%arg40 : memref<!tpu.dma_semaphore, #tpu.memory_space<semaphore_mem>>)
    %dma_wait3A_320 = arith.constant 0 : i32
    %dma_wait3A_321 = arith.constant 0 : i32
    %dma_wait3A_322 = tpu.memref_slice %arg6[%add3A_311, %dma_wait3A_320, %dma_wait3A_321] : memref<1024x200x32xf32, #tpu.memory_space<hbm>> -> memref<1x200x32xf32, #tpu.memory_space<hbm>>
    %dma_wait3A_323 = tpu.memref_squeeze %dma_wait3A_322 : memref<1x200x32xf32, #tpu.memory_space<hbm>> -> memref<200x32xf32, #tpu.memory_space<hbm>>
    %dma_wait3A_324 = arith.constant 0 : i32
    %dma_wait3A_325 = arith.constant 0 : i32
    %dma_wait3A_326 = tpu.memref_slice %arg6[%add3A_311, %dma_wait3A_324, %dma_wait3A_325] : memref<1024x200x32xf32, #tpu.memory_space<hbm>> -> memref<1x200x32xf32, #tpu.memory_space<hbm>>
    %dma_wait3A_327 = tpu.memref_squeeze %dma_wait3A_326 : memref<1x200x32xf32, #tpu.memory_space<hbm>> -> memref<200x32xf32, #tpu.memory_space<hbm>>
    tpu.wait_dma2 semaphore(%arg40 : memref<!tpu.dma_semaphore, #tpu.memory_space<semaphore_mem>>) src(%arg16 : memref<200x32xf32, #tpu.memory_space<vmem>>) dst(%dma_wait3A_327 : memref<200x32xf32, #tpu.memory_space<hbm>>)
    %dma_start3A_328 = arith.constant 14 : i32
    %dma_start3A_329 = arith.constant 0 : i32
    %dma_start3A_330 = tpu.memref_slice %arg7[%dma_start3A_328, %dma_start3A_329] : memref<32x200xi32, #tpu.memory_space<vmem>> -> memref<1x200xi32, #tpu.memory_space<vmem>>
    %dma_start3A_331 = tpu.memref_squeeze %dma_start3A_330 : memref<1x200xi32, #tpu.memory_space<vmem>> -> memref<200xi32, #tpu.memory_space<vmem>>
    %dma_start3A_332 = arith.constant 0 : i32
    %dma_start3A_333 = arith.constant 0 : i32
    %dma_start3A_334 = tpu.memref_slice %arg3[%dma_start3A_332, %dma_start3A_333] : memref<1000000x32xf32, #tpu.memory_space<hbm>> -> memref<1000000x32xf32, #tpu.memory_space<hbm>>
    tpu.enqueue_indirect_dma source(%dma_start3A_334 : memref<1000000x32xf32, #tpu.memory_space<hbm>>) target(%arg16 : memref<200x32xf32, #tpu.memory_space<vmem>>) offsets(%dma_start3A_331 : memref<200xi32, #tpu.memory_space<vmem>>) semaphore(%arg24 : memref<!tpu.dma_semaphore, #tpu.memory_space<semaphore_mem>>)
    %dma_wait3A_335 = arith.constant 8 : i32
    %dma_wait3A_336 = arith.constant 0 : i32
    %dma_wait3A_337 = tpu.memref_slice %arg7[%dma_wait3A_335, %dma_wait3A_336] : memref<32x200xi32, #tpu.memory_space<vmem>> -> memref<1x200xi32, #tpu.memory_space<vmem>>
    %dma_wait3A_338 = tpu.memref_squeeze %dma_wait3A_337 : memref<1x200xi32, #tpu.memory_space<vmem>> -> memref<200xi32, #tpu.memory_space<vmem>>
    %dma_wait3A_339 = arith.constant 0 : i32
    %dma_wait3A_340 = arith.constant 0 : i32
    %dma_wait3A_341 = tpu.memref_slice %arg3[%dma_wait3A_339, %dma_wait3A_340] : memref<1000000x32xf32, #tpu.memory_space<hbm>> -> memref<1000000x32xf32, #tpu.memory_space<hbm>>
    tpu.wait_indirect_dma semaphore(%arg18 : memref<!tpu.dma_semaphore, #tpu.memory_space<semaphore_mem>>) src(%dma_wait3A_341 : memref<1000000x32xf32, #tpu.memory_space<hbm>>) dst(%arg10 : memref<200x32xf32, #tpu.memory_space<vmem>>)
    %dma_start3A_342 = arith.constant 0 : i32
    %dma_start3A_343 = arith.constant 0 : i32
    %dma_start3A_344 = tpu.memref_slice %arg9[%dma_start3A_342, %dma_start3A_343] : memref<200x32xf32, #tpu.memory_space<vmem_shared>> -> memref<200x32xf32, #tpu.memory_space<vmem_shared>>
    tpu.enqueue_indirect_dma source(%dma_start3A_344 : memref<200x32xf32, #tpu.memory_space<vmem_shared>>) target(%arg10 : memref<200x32xf32, #tpu.memory_space<vmem>>) offsets(%arg8 : memref<200xi32, #tpu.memory_space<vmem>>) semaphore(%arg26 : memref<!tpu.dma_semaphore, #tpu.memory_space<semaphore_mem>>) {add = true}
    %dma_wait3A_345 = arith.constant 0 : i32
    %dma_wait3A_346 = arith.constant 0 : i32
    %dma_wait3A_347 = tpu.memref_slice %arg9[%dma_wait3A_345, %dma_wait3A_346] : memref<200x32xf32, #tpu.memory_space<vmem_shared>> -> memref<200x32xf32, #tpu.memory_space<vmem_shared>>
    tpu.wait_indirect_dma semaphore(%arg33 : memref<!tpu.dma_semaphore, #tpu.memory_space<semaphore_mem>>) src(%dma_wait3A_347 : memref<200x32xf32, #tpu.memory_space<vmem_shared>>) dst(%arg17 : memref<200x32xf32, #tpu.memory_space<vmem>>)
    %add3A_348 = arith.constant 7 : i32
    %add3A_349 = arith.addi %mul3A_4, %add3A_348 : i32
    %dma_start3A_350 = arith.constant 0 : i32
    %dma_start3A_351 = arith.constant 0 : i32
    %dma_start3A_352 = tpu.memref_slice %arg6[%add3A_349, %dma_start3A_350, %dma_start3A_351] : memref<1024x200x32xf32, #tpu.memory_space<hbm>> -> memref<1x200x32xf32, #tpu.memory_space<hbm>>
    %dma_start3A_353 = tpu.memref_squeeze %dma_start3A_352 : memref<1x200x32xf32, #tpu.memory_space<hbm>> -> memref<200x32xf32, #tpu.memory_space<hbm>>
    %dma_start3A_354 = arith.constant 0 : i32
    %dma_start3A_355 = arith.constant 0 : i32
    %dma_start3A_356 = tpu.memref_slice %arg6[%add3A_349, %dma_start3A_354, %dma_start3A_355] : memref<1024x200x32xf32, #tpu.memory_space<hbm>> -> memref<1x200x32xf32, #tpu.memory_space<hbm>>
    %dma_start3A_357 = tpu.memref_squeeze %dma_start3A_356 : memref<1x200x32xf32, #tpu.memory_space<hbm>> -> memref<200x32xf32, #tpu.memory_space<hbm>>
    tpu.enqueue_dma source(%arg17 : memref<200x32xf32, #tpu.memory_space<vmem>>) target(%dma_start3A_357 : memref<200x32xf32, #tpu.memory_space<hbm>>) target_semaphore(%arg41 : memref<!tpu.dma_semaphore, #tpu.memory_space<semaphore_mem>>)
    %dma_wait3A_358 = arith.constant 0 : i32
    %dma_wait3A_359 = arith.constant 0 : i32
    %dma_wait3A_360 = tpu.memref_slice %arg6[%add3A_349, %dma_wait3A_358, %dma_wait3A_359] : memref<1024x200x32xf32, #tpu.memory_space<hbm>> -> memref<1x200x32xf32, #tpu.memory_space<hbm>>
    %dma_wait3A_361 = tpu.memref_squeeze %dma_wait3A_360 : memref<1x200x32xf32, #tpu.memory_space<hbm>> -> memref<200x32xf32, #tpu.memory_space<hbm>>
    %dma_wait3A_362 = arith.constant 0 : i32
    %dma_wait3A_363 = arith.constant 0 : i32
    %dma_wait3A_364 = tpu.memref_slice %arg6[%add3A_349, %dma_wait3A_362, %dma_wait3A_363] : memref<1024x200x32xf32, #tpu.memory_space<hbm>> -> memref<1x200x32xf32, #tpu.memory_space<hbm>>
    %dma_wait3A_365 = tpu.memref_squeeze %dma_wait3A_364 : memref<1x200x32xf32, #tpu.memory_space<hbm>> -> memref<200x32xf32, #tpu.memory_space<hbm>>
    tpu.wait_dma2 semaphore(%arg41 : memref<!tpu.dma_semaphore, #tpu.memory_space<semaphore_mem>>) src(%arg17 : memref<200x32xf32, #tpu.memory_space<vmem>>) dst(%dma_wait3A_365 : memref<200x32xf32, #tpu.memory_space<hbm>>)
    %dma_start3A_366 = arith.constant 15 : i32
    %dma_start3A_367 = arith.constant 0 : i32
    %dma_start3A_368 = tpu.memref_slice %arg7[%dma_start3A_366, %dma_start3A_367] : memref<32x200xi32, #tpu.memory_space<vmem>> -> memref<1x200xi32, #tpu.memory_space<vmem>>
    %dma_start3A_369 = tpu.memref_squeeze %dma_start3A_368 : memref<1x200xi32, #tpu.memory_space<vmem>> -> memref<200xi32, #tpu.memory_space<vmem>>
    %dma_start3A_370 = arith.constant 0 : i32
    %dma_start3A_371 = arith.constant 0 : i32
    %dma_start3A_372 = tpu.memref_slice %arg3[%dma_start3A_370, %dma_start3A_371] : memref<1000000x32xf32, #tpu.memory_space<hbm>> -> memref<1000000x32xf32, #tpu.memory_space<hbm>>
    tpu.enqueue_indirect_dma source(%dma_start3A_372 : memref<1000000x32xf32, #tpu.memory_space<hbm>>) target(%arg17 : memref<200x32xf32, #tpu.memory_space<vmem>>) offsets(%dma_start3A_369 : memref<200xi32, #tpu.memory_space<vmem>>) semaphore(%arg25 : memref<!tpu.dma_semaphore, #tpu.memory_space<semaphore_mem>>)
    %dma_wait3A_373 = arith.constant 9 : i32
    %dma_wait3A_374 = arith.constant 0 : i32
    %dma_wait3A_375 = tpu.memref_slice %arg7[%dma_wait3A_373, %dma_wait3A_374] : memref<32x200xi32, #tpu.memory_space<vmem>> -> memref<1x200xi32, #tpu.memory_space<vmem>>
    %dma_wait3A_376 = tpu.memref_squeeze %dma_wait3A_375 : memref<1x200xi32, #tpu.memory_space<vmem>> -> memref<200xi32, #tpu.memory_space<vmem>>
    %dma_wait3A_377 = arith.constant 0 : i32
    %dma_wait3A_378 = arith.constant 0 : i32
    %dma_wait3A_379 = tpu.memref_slice %arg3[%dma_wait3A_377, %dma_wait3A_378] : memref<1000000x32xf32, #tpu.memory_space<hbm>> -> memref<1000000x32xf32, #tpu.memory_space<hbm>>
    tpu.wait_indirect_dma semaphore(%arg19 : memref<!tpu.dma_semaphore, #tpu.memory_space<semaphore_mem>>) src(%dma_wait3A_379 : memref<1000000x32xf32, #tpu.memory_space<hbm>>) dst(%arg11 : memref<200x32xf32, #tpu.memory_space<vmem>>)
    %dma_start3A_380 = arith.constant 0 : i32
    %dma_start3A_381 = arith.constant 0 : i32
    %dma_start3A_382 = tpu.memref_slice %arg9[%dma_start3A_380, %dma_start3A_381] : memref<200x32xf32, #tpu.memory_space<vmem_shared>> -> memref<200x32xf32, #tpu.memory_space<vmem_shared>>
    tpu.enqueue_indirect_dma source(%dma_start3A_382 : memref<200x32xf32, #tpu.memory_space<vmem_shared>>) target(%arg11 : memref<200x32xf32, #tpu.memory_space<vmem>>) offsets(%arg8 : memref<200xi32, #tpu.memory_space<vmem>>) semaphore(%arg27 : memref<!tpu.dma_semaphore, #tpu.memory_space<semaphore_mem>>) {add = true}
    %dma_wait3A_383 = arith.constant 0 : i32
    %dma_wait3A_384 = arith.constant 0 : i32
    %dma_wait3A_385 = tpu.memref_slice %arg9[%dma_wait3A_383, %dma_wait3A_384] : memref<200x32xf32, #tpu.memory_space<vmem_shared>> -> memref<200x32xf32, #tpu.memory_space<vmem_shared>>
    tpu.wait_indirect_dma semaphore(%arg26 : memref<!tpu.dma_semaphore, #tpu.memory_space<semaphore_mem>>) src(%dma_wait3A_385 : memref<200x32xf32, #tpu.memory_space<vmem_shared>>) dst(%arg10 : memref<200x32xf32, #tpu.memory_space<vmem>>)
    %add3A_386 = arith.constant 8 : i32
    %add3A_387 = arith.addi %mul3A_4, %add3A_386 : i32
    %dma_start3A_388 = arith.constant 0 : i32
    %dma_start3A_389 = arith.constant 0 : i32
    %dma_start3A_390 = tpu.memref_slice %arg6[%add3A_387, %dma_start3A_388, %dma_start3A_389] : memref<1024x200x32xf32, #tpu.memory_space<hbm>> -> memref<1x200x32xf32, #tpu.memory_space<hbm>>
    %dma_start3A_391 = tpu.memref_squeeze %dma_start3A_390 : memref<1x200x32xf32, #tpu.memory_space<hbm>> -> memref<200x32xf32, #tpu.memory_space<hbm>>
    %dma_start3A_392 = arith.constant 0 : i32
    %dma_start3A_393 = arith.constant 0 : i32
    %dma_start3A_394 = tpu.memref_slice %arg6[%add3A_387, %dma_start3A_392, %dma_start3A_393] : memref<1024x200x32xf32, #tpu.memory_space<hbm>> -> memref<1x200x32xf32, #tpu.memory_space<hbm>>
    %dma_start3A_395 = tpu.memref_squeeze %dma_start3A_394 : memref<1x200x32xf32, #tpu.memory_space<hbm>> -> memref<200x32xf32, #tpu.memory_space<hbm>>
    tpu.enqueue_dma source(%arg10 : memref<200x32xf32, #tpu.memory_space<vmem>>) target(%dma_start3A_395 : memref<200x32xf32, #tpu.memory_space<hbm>>) target_semaphore(%arg34 : memref<!tpu.dma_semaphore, #tpu.memory_space<semaphore_mem>>)
    %dma_wait3A_396 = arith.constant 0 : i32
    %dma_wait3A_397 = arith.constant 0 : i32
    %dma_wait3A_398 = tpu.memref_slice %arg6[%add3A_387, %dma_wait3A_396, %dma_wait3A_397] : memref<1024x200x32xf32, #tpu.memory_space<hbm>> -> memref<1x200x32xf32, #tpu.memory_space<hbm>>
    %dma_wait3A_399 = tpu.memref_squeeze %dma_wait3A_398 : memref<1x200x32xf32, #tpu.memory_space<hbm>> -> memref<200x32xf32, #tpu.memory_space<hbm>>
    %dma_wait3A_400 = arith.constant 0 : i32
    %dma_wait3A_401 = arith.constant 0 : i32
    %dma_wait3A_402 = tpu.memref_slice %arg6[%add3A_387, %dma_wait3A_400, %dma_wait3A_401] : memref<1024x200x32xf32, #tpu.memory_space<hbm>> -> memref<1x200x32xf32, #tpu.memory_space<hbm>>
    %dma_wait3A_403 = tpu.memref_squeeze %dma_wait3A_402 : memref<1x200x32xf32, #tpu.memory_space<hbm>> -> memref<200x32xf32, #tpu.memory_space<hbm>>
    tpu.wait_dma2 semaphore(%arg34 : memref<!tpu.dma_semaphore, #tpu.memory_space<semaphore_mem>>) src(%arg10 : memref<200x32xf32, #tpu.memory_space<vmem>>) dst(%dma_wait3A_403 : memref<200x32xf32, #tpu.memory_space<hbm>>)
    %dma_start3A_404 = arith.constant 16 : i32
    %dma_start3A_405 = arith.constant 0 : i32
    %dma_start3A_406 = tpu.memref_slice %arg7[%dma_start3A_404, %dma_start3A_405] : memref<32x200xi32, #tpu.memory_space<vmem>> -> memref<1x200xi32, #tpu.memory_space<vmem>>
    %dma_start3A_407 = tpu.memref_squeeze %dma_start3A_406 : memref<1x200xi32, #tpu.memory_space<vmem>> -> memref<200xi32, #tpu.memory_space<vmem>>
    %dma_start3A_408 = arith.constant 0 : i32
    %dma_start3A_409 = arith.constant 0 : i32
    %dma_start3A_410 = tpu.memref_slice %arg3[%dma_start3A_408, %dma_start3A_409] : memref<1000000x32xf32, #tpu.memory_space<hbm>> -> memref<1000000x32xf32, #tpu.memory_space<hbm>>
    tpu.enqueue_indirect_dma source(%dma_start3A_410 : memref<1000000x32xf32, #tpu.memory_space<hbm>>) target(%arg10 : memref<200x32xf32, #tpu.memory_space<vmem>>) offsets(%dma_start3A_407 : memref<200xi32, #tpu.memory_space<vmem>>) semaphore(%arg18 : memref<!tpu.dma_semaphore, #tpu.memory_space<semaphore_mem>>)
    %dma_wait3A_411 = arith.constant 10 : i32
    %dma_wait3A_412 = arith.constant 0 : i32
    %dma_wait3A_413 = tpu.memref_slice %arg7[%dma_wait3A_411, %dma_wait3A_412] : memref<32x200xi32, #tpu.memory_space<vmem>> -> memref<1x200xi32, #tpu.memory_space<vmem>>
    %dma_wait3A_414 = tpu.memref_squeeze %dma_wait3A_413 : memref<1x200xi32, #tpu.memory_space<vmem>> -> memref<200xi32, #tpu.memory_space<vmem>>
    %dma_wait3A_415 = arith.constant 0 : i32
    %dma_wait3A_416 = arith.constant 0 : i32
    %dma_wait3A_417 = tpu.memref_slice %arg3[%dma_wait3A_415, %dma_wait3A_416] : memref<1000000x32xf32, #tpu.memory_space<hbm>> -> memref<1000000x32xf32, #tpu.memory_space<hbm>>
    tpu.wait_indirect_dma semaphore(%arg20 : memref<!tpu.dma_semaphore, #tpu.memory_space<semaphore_mem>>) src(%dma_wait3A_417 : memref<1000000x32xf32, #tpu.memory_space<hbm>>) dst(%arg12 : memref<200x32xf32, #tpu.memory_space<vmem>>)
    %dma_start3A_418 = arith.constant 0 : i32
    %dma_start3A_419 = arith.constant 0 : i32
    %dma_start3A_420 = tpu.memref_slice %arg9[%dma_start3A_418, %dma_start3A_419] : memref<200x32xf32, #tpu.memory_space<vmem_shared>> -> memref<200x32xf32, #tpu.memory_space<vmem_shared>>
    tpu.enqueue_indirect_dma source(%dma_start3A_420 : memref<200x32xf32, #tpu.memory_space<vmem_shared>>) target(%arg12 : memref<200x32xf32, #tpu.memory_space<vmem>>) offsets(%arg8 : memref<200xi32, #tpu.memory_space<vmem>>) semaphore(%arg28 : memref<!tpu.dma_semaphore, #tpu.memory_space<semaphore_mem>>) {add = true}
    %dma_wait3A_421 = arith.constant 0 : i32
    %dma_wait3A_422 = arith.constant 0 : i32
    %dma_wait3A_423 = tpu.memref_slice %arg9[%dma_wait3A_421, %dma_wait3A_422] : memref<200x32xf32, #tpu.memory_space<vmem_shared>> -> memref<200x32xf32, #tpu.memory_space<vmem_shared>>
    tpu.wait_indirect_dma semaphore(%arg27 : memref<!tpu.dma_semaphore, #tpu.memory_space<semaphore_mem>>) src(%dma_wait3A_423 : memref<200x32xf32, #tpu.memory_space<vmem_shared>>) dst(%arg11 : memref<200x32xf32, #tpu.memory_space<vmem>>)
    %add3A_424 = arith.constant 9 : i32
    %add3A_425 = arith.addi %mul3A_4, %add3A_424 : i32
    %dma_start3A_426 = arith.constant 0 : i32
    %dma_start3A_427 = arith.constant 0 : i32
    %dma_start3A_428 = tpu.memref_slice %arg6[%add3A_425, %dma_start3A_426, %dma_start3A_427] : memref<1024x200x32xf32, #tpu.memory_space<hbm>> -> memref<1x200x32xf32, #tpu.memory_space<hbm>>
    %dma_start3A_429 = tpu.memref_squeeze %dma_start3A_428 : memref<1x200x32xf32, #tpu.memory_space<hbm>> -> memref<200x32xf32, #tpu.memory_space<hbm>>
    %dma_start3A_430 = arith.constant 0 : i32
    %dma_start3A_431 = arith.constant 0 : i32
    %dma_start3A_432 = tpu.memref_slice %arg6[%add3A_425, %dma_start3A_430, %dma_start3A_431] : memref<1024x200x32xf32, #tpu.memory_space<hbm>> -> memref<1x200x32xf32, #tpu.memory_space<hbm>>
    %dma_start3A_433 = tpu.memref_squeeze %dma_start3A_432 : memref<1x200x32xf32, #tpu.memory_space<hbm>> -> memref<200x32xf32, #tpu.memory_space<hbm>>
    tpu.enqueue_dma source(%arg11 : memref<200x32xf32, #tpu.memory_space<vmem>>) target(%dma_start3A_433 : memref<200x32xf32, #tpu.memory_space<hbm>>) target_semaphore(%arg35 : memref<!tpu.dma_semaphore, #tpu.memory_space<semaphore_mem>>)
    %dma_wait3A_434 = arith.constant 0 : i32
    %dma_wait3A_435 = arith.constant 0 : i32
    %dma_wait3A_436 = tpu.memref_slice %arg6[%add3A_425, %dma_wait3A_434, %dma_wait3A_435] : memref<1024x200x32xf32, #tpu.memory_space<hbm>> -> memref<1x200x32xf32, #tpu.memory_space<hbm>>
    %dma_wait3A_437 = tpu.memref_squeeze %dma_wait3A_436 : memref<1x200x32xf32, #tpu.memory_space<hbm>> -> memref<200x32xf32, #tpu.memory_space<hbm>>
    %dma_wait3A_438 = arith.constant 0 : i32
    %dma_wait3A_439 = arith.constant 0 : i32
    %dma_wait3A_440 = tpu.memref_slice %arg6[%add3A_425, %dma_wait3A_438, %dma_wait3A_439] : memref<1024x200x32xf32, #tpu.memory_space<hbm>> -> memref<1x200x32xf32, #tpu.memory_space<hbm>>
    %dma_wait3A_441 = tpu.memref_squeeze %dma_wait3A_440 : memref<1x200x32xf32, #tpu.memory_space<hbm>> -> memref<200x32xf32, #tpu.memory_space<hbm>>
    tpu.wait_dma2 semaphore(%arg35 : memref<!tpu.dma_semaphore, #tpu.memory_space<semaphore_mem>>) src(%arg11 : memref<200x32xf32, #tpu.memory_space<vmem>>) dst(%dma_wait3A_441 : memref<200x32xf32, #tpu.memory_space<hbm>>)
    %dma_start3A_442 = arith.constant 17 : i32
    %dma_start3A_443 = arith.constant 0 : i32
    %dma_start3A_444 = tpu.memref_slice %arg7[%dma_start3A_442, %dma_start3A_443] : memref<32x200xi32, #tpu.memory_space<vmem>> -> memref<1x200xi32, #tpu.memory_space<vmem>>
    %dma_start3A_445 = tpu.memref_squeeze %dma_start3A_444 : memref<1x200xi32, #tpu.memory_space<vmem>> -> memref<200xi32, #tpu.memory_space<vmem>>
    %dma_start3A_446 = arith.constant 0 : i32
    %dma_start3A_447 = arith.constant 0 : i32
    %dma_start3A_448 = tpu.memref_slice %arg3[%dma_start3A_446, %dma_start3A_447] : memref<1000000x32xf32, #tpu.memory_space<hbm>> -> memref<1000000x32xf32, #tpu.memory_space<hbm>>
    tpu.enqueue_indirect_dma source(%dma_start3A_448 : memref<1000000x32xf32, #tpu.memory_space<hbm>>) target(%arg11 : memref<200x32xf32, #tpu.memory_space<vmem>>) offsets(%dma_start3A_445 : memref<200xi32, #tpu.memory_space<vmem>>) semaphore(%arg19 : memref<!tpu.dma_semaphore, #tpu.memory_space<semaphore_mem>>)
    %dma_wait3A_449 = arith.constant 11 : i32
    %dma_wait3A_450 = arith.constant 0 : i32
    %dma_wait3A_451 = tpu.memref_slice %arg7[%dma_wait3A_449, %dma_wait3A_450] : memref<32x200xi32, #tpu.memory_space<vmem>> -> memref<1x200xi32, #tpu.memory_space<vmem>>
    %dma_wait3A_452 = tpu.memref_squeeze %dma_wait3A_451 : memref<1x200xi32, #tpu.memory_space<vmem>> -> memref<200xi32, #tpu.memory_space<vmem>>
    %dma_wait3A_453 = arith.constant 0 : i32
    %dma_wait3A_454 = arith.constant 0 : i32
    %dma_wait3A_455 = tpu.memref_slice %arg3[%dma_wait3A_453, %dma_wait3A_454] : memref<1000000x32xf32, #tpu.memory_space<hbm>> -> memref<1000000x32xf32, #tpu.memory_space<hbm>>
    tpu.wait_indirect_dma semaphore(%arg21 : memref<!tpu.dma_semaphore, #tpu.memory_space<semaphore_mem>>) src(%dma_wait3A_455 : memref<1000000x32xf32, #tpu.memory_space<hbm>>) dst(%arg13 : memref<200x32xf32, #tpu.memory_space<vmem>>)
    %dma_start3A_456 = arith.constant 0 : i32
    %dma_start3A_457 = arith.constant 0 : i32
    %dma_start3A_458 = tpu.memref_slice %arg9[%dma_start3A_456, %dma_start3A_457] : memref<200x32xf32, #tpu.memory_space<vmem_shared>> -> memref<200x32xf32, #tpu.memory_space<vmem_shared>>
    tpu.enqueue_indirect_dma source(%dma_start3A_458 : memref<200x32xf32, #tpu.memory_space<vmem_shared>>) target(%arg13 : memref<200x32xf32, #tpu.memory_space<vmem>>) offsets(%arg8 : memref<200xi32, #tpu.memory_space<vmem>>) semaphore(%arg29 : memref<!tpu.dma_semaphore, #tpu.memory_space<semaphore_mem>>) {add = true}
    %dma_wait3A_459 = arith.constant 0 : i32
    %dma_wait3A_460 = arith.constant 0 : i32
    %dma_wait3A_461 = tpu.memref_slice %arg9[%dma_wait3A_459, %dma_wait3A_460] : memref<200x32xf32, #tpu.memory_space<vmem_shared>> -> memref<200x32xf32, #tpu.memory_space<vmem_shared>>
    tpu.wait_indirect_dma semaphore(%arg28 : memref<!tpu.dma_semaphore, #tpu.memory_space<semaphore_mem>>) src(%dma_wait3A_461 : memref<200x32xf32, #tpu.memory_space<vmem_shared>>) dst(%arg12 : memref<200x32xf32, #tpu.memory_space<vmem>>)
    %add3A_462 = arith.constant 10 : i32
    %add3A_463 = arith.addi %mul3A_4, %add3A_462 : i32
    %dma_start3A_464 = arith.constant 0 : i32
    %dma_start3A_465 = arith.constant 0 : i32
    %dma_start3A_466 = tpu.memref_slice %arg6[%add3A_463, %dma_start3A_464, %dma_start3A_465] : memref<1024x200x32xf32, #tpu.memory_space<hbm>> -> memref<1x200x32xf32, #tpu.memory_space<hbm>>
    %dma_start3A_467 = tpu.memref_squeeze %dma_start3A_466 : memref<1x200x32xf32, #tpu.memory_space<hbm>> -> memref<200x32xf32, #tpu.memory_space<hbm>>
    %dma_start3A_468 = arith.constant 0 : i32
    %dma_start3A_469 = arith.constant 0 : i32
    %dma_start3A_470 = tpu.memref_slice %arg6[%add3A_463, %dma_start3A_468, %dma_start3A_469] : memref<1024x200x32xf32, #tpu.memory_space<hbm>> -> memref<1x200x32xf32, #tpu.memory_space<hbm>>
    %dma_start3A_471 = tpu.memref_squeeze %dma_start3A_470 : memref<1x200x32xf32, #tpu.memory_space<hbm>> -> memref<200x32xf32, #tpu.memory_space<hbm>>
    tpu.enqueue_dma source(%arg12 : memref<200x32xf32, #tpu.memory_space<vmem>>) target(%dma_start3A_471 : memref<200x32xf32, #tpu.memory_space<hbm>>) target_semaphore(%arg36 : memref<!tpu.dma_semaphore, #tpu.memory_space<semaphore_mem>>)
    %dma_wait3A_472 = arith.constant 0 : i32
    %dma_wait3A_473 = arith.constant 0 : i32
    %dma_wait3A_474 = tpu.memref_slice %arg6[%add3A_463, %dma_wait3A_472, %dma_wait3A_473] : memref<1024x200x32xf32, #tpu.memory_space<hbm>> -> memref<1x200x32xf32, #tpu.memory_space<hbm>>
    %dma_wait3A_475 = tpu.memref_squeeze %dma_wait3A_474 : memref<1x200x32xf32, #tpu.memory_space<hbm>> -> memref<200x32xf32, #tpu.memory_space<hbm>>
    %dma_wait3A_476 = arith.constant 0 : i32
    %dma_wait3A_477 = arith.constant 0 : i32
    %dma_wait3A_478 = tpu.memref_slice %arg6[%add3A_463, %dma_wait3A_476, %dma_wait3A_477] : memref<1024x200x32xf32, #tpu.memory_space<hbm>> -> memref<1x200x32xf32, #tpu.memory_space<hbm>>
    %dma_wait3A_479 = tpu.memref_squeeze %dma_wait3A_478 : memref<1x200x32xf32, #tpu.memory_space<hbm>> -> memref<200x32xf32, #tpu.memory_space<hbm>>
    tpu.wait_dma2 semaphore(%arg36 : memref<!tpu.dma_semaphore, #tpu.memory_space<semaphore_mem>>) src(%arg12 : memref<200x32xf32, #tpu.memory_space<vmem>>) dst(%dma_wait3A_479 : memref<200x32xf32, #tpu.memory_space<hbm>>)
    %dma_start3A_480 = arith.constant 18 : i32
    %dma_start3A_481 = arith.constant 0 : i32
    %dma_start3A_482 = tpu.memref_slice %arg7[%dma_start3A_480, %dma_start3A_481] : memref<32x200xi32, #tpu.memory_space<vmem>> -> memref<1x200xi32, #tpu.memory_space<vmem>>
    %dma_start3A_483 = tpu.memref_squeeze %dma_start3A_482 : memref<1x200xi32, #tpu.memory_space<vmem>> -> memref<200xi32, #tpu.memory_space<vmem>>
    %dma_start3A_484 = arith.constant 0 : i32
    %dma_start3A_485 = arith.constant 0 : i32
    %dma_start3A_486 = tpu.memref_slice %arg3[%dma_start3A_484, %dma_start3A_485] : memref<1000000x32xf32, #tpu.memory_space<hbm>> -> memref<1000000x32xf32, #tpu.memory_space<hbm>>
    tpu.enqueue_indirect_dma source(%dma_start3A_486 : memref<1000000x32xf32, #tpu.memory_space<hbm>>) target(%arg12 : memref<200x32xf32, #tpu.memory_space<vmem>>) offsets(%dma_start3A_483 : memref<200xi32, #tpu.memory_space<vmem>>) semaphore(%arg20 : memref<!tpu.dma_semaphore, #tpu.memory_space<semaphore_mem>>)
    %dma_wait3A_487 = arith.constant 12 : i32
    %dma_wait3A_488 = arith.constant 0 : i32
    %dma_wait3A_489 = tpu.memref_slice %arg7[%dma_wait3A_487, %dma_wait3A_488] : memref<32x200xi32, #tpu.memory_space<vmem>> -> memref<1x200xi32, #tpu.memory_space<vmem>>
    %dma_wait3A_490 = tpu.memref_squeeze %dma_wait3A_489 : memref<1x200xi32, #tpu.memory_space<vmem>> -> memref<200xi32, #tpu.memory_space<vmem>>
    %dma_wait3A_491 = arith.constant 0 : i32
    %dma_wait3A_492 = arith.constant 0 : i32
    %dma_wait3A_493 = tpu.memref_slice %arg3[%dma_wait3A_491, %dma_wait3A_492] : memref<1000000x32xf32, #tpu.memory_space<hbm>> -> memref<1000000x32xf32, #tpu.memory_space<hbm>>
    tpu.wait_indirect_dma semaphore(%arg22 : memref<!tpu.dma_semaphore, #tpu.memory_space<semaphore_mem>>) src(%dma_wait3A_493 : memref<1000000x32xf32, #tpu.memory_space<hbm>>) dst(%arg14 : memref<200x32xf32, #tpu.memory_space<vmem>>)
    %dma_start3A_494 = arith.constant 0 : i32
    %dma_start3A_495 = arith.constant 0 : i32
    %dma_start3A_496 = tpu.memref_slice %arg9[%dma_start3A_494, %dma_start3A_495] : memref<200x32xf32, #tpu.memory_space<vmem_shared>> -> memref<200x32xf32, #tpu.memory_space<vmem_shared>>
    tpu.enqueue_indirect_dma source(%dma_start3A_496 : memref<200x32xf32, #tpu.memory_space<vmem_shared>>) target(%arg14 : memref<200x32xf32, #tpu.memory_space<vmem>>) offsets(%arg8 : memref<200xi32, #tpu.memory_space<vmem>>) semaphore(%arg30 : memref<!tpu.dma_semaphore, #tpu.memory_space<semaphore_mem>>) {add = true}
    %dma_wait3A_497 = arith.constant 0 : i32
    %dma_wait3A_498 = arith.constant 0 : i32
    %dma_wait3A_499 = tpu.memref_slice %arg9[%dma_wait3A_497, %dma_wait3A_498] : memref<200x32xf32, #tpu.memory_space<vmem_shared>> -> memref<200x32xf32, #tpu.memory_space<vmem_shared>>
    tpu.wait_indirect_dma semaphore(%arg29 : memref<!tpu.dma_semaphore, #tpu.memory_space<semaphore_mem>>) src(%dma_wait3A_499 : memref<200x32xf32, #tpu.memory_space<vmem_shared>>) dst(%arg13 : memref<200x32xf32, #tpu.memory_space<vmem>>)
    %add3A_500 = arith.constant 11 : i32
    %add3A_501 = arith.addi %mul3A_4, %add3A_500 : i32
    %dma_start3A_502 = arith.constant 0 : i32
    %dma_start3A_503 = arith.constant 0 : i32
    %dma_start3A_504 = tpu.memref_slice %arg6[%add3A_501, %dma_start3A_502, %dma_start3A_503] : memref<1024x200x32xf32, #tpu.memory_space<hbm>> -> memref<1x200x32xf32, #tpu.memory_space<hbm>>
    %dma_start3A_505 = tpu.memref_squeeze %dma_start3A_504 : memref<1x200x32xf32, #tpu.memory_space<hbm>> -> memref<200x32xf32, #tpu.memory_space<hbm>>
    %dma_start3A_506 = arith.constant 0 : i32
    %dma_start3A_507 = arith.constant 0 : i32
    %dma_start3A_508 = tpu.memref_slice %arg6[%add3A_501, %dma_start3A_506, %dma_start3A_507] : memref<1024x200x32xf32, #tpu.memory_space<hbm>> -> memref<1x200x32xf32, #tpu.memory_space<hbm>>
    %dma_start3A_509 = tpu.memref_squeeze %dma_start3A_508 : memref<1x200x32xf32, #tpu.memory_space<hbm>> -> memref<200x32xf32, #tpu.memory_space<hbm>>
    tpu.enqueue_dma source(%arg13 : memref<200x32xf32, #tpu.memory_space<vmem>>) target(%dma_start3A_509 : memref<200x32xf32, #tpu.memory_space<hbm>>) target_semaphore(%arg37 : memref<!tpu.dma_semaphore, #tpu.memory_space<semaphore_mem>>)
    %dma_wait3A_510 = arith.constant 0 : i32
    %dma_wait3A_511 = arith.constant 0 : i32
    %dma_wait3A_512 = tpu.memref_slice %arg6[%add3A_501, %dma_wait3A_510, %dma_wait3A_511] : memref<1024x200x32xf32, #tpu.memory_space<hbm>> -> memref<1x200x32xf32, #tpu.memory_space<hbm>>
    %dma_wait3A_513 = tpu.memref_squeeze %dma_wait3A_512 : memref<1x200x32xf32, #tpu.memory_space<hbm>> -> memref<200x32xf32, #tpu.memory_space<hbm>>
    %dma_wait3A_514 = arith.constant 0 : i32
    %dma_wait3A_515 = arith.constant 0 : i32
    %dma_wait3A_516 = tpu.memref_slice %arg6[%add3A_501, %dma_wait3A_514, %dma_wait3A_515] : memref<1024x200x32xf32, #tpu.memory_space<hbm>> -> memref<1x200x32xf32, #tpu.memory_space<hbm>>
    %dma_wait3A_517 = tpu.memref_squeeze %dma_wait3A_516 : memref<1x200x32xf32, #tpu.memory_space<hbm>> -> memref<200x32xf32, #tpu.memory_space<hbm>>
    tpu.wait_dma2 semaphore(%arg37 : memref<!tpu.dma_semaphore, #tpu.memory_space<semaphore_mem>>) src(%arg13 : memref<200x32xf32, #tpu.memory_space<vmem>>) dst(%dma_wait3A_517 : memref<200x32xf32, #tpu.memory_space<hbm>>)
    %dma_start3A_518 = arith.constant 19 : i32
    %dma_start3A_519 = arith.constant 0 : i32
    %dma_start3A_520 = tpu.memref_slice %arg7[%dma_start3A_518, %dma_start3A_519] : memref<32x200xi32, #tpu.memory_space<vmem>> -> memref<1x200xi32, #tpu.memory_space<vmem>>
    %dma_start3A_521 = tpu.memref_squeeze %dma_start3A_520 : memref<1x200xi32, #tpu.memory_space<vmem>> -> memref<200xi32, #tpu.memory_space<vmem>>
    %dma_start3A_522 = arith.constant 0 : i32
    %dma_start3A_523 = arith.constant 0 : i32
    %dma_start3A_524 = tpu.memref_slice %arg3[%dma_start3A_522, %dma_start3A_523] : memref<1000000x32xf32, #tpu.memory_space<hbm>> -> memref<1000000x32xf32, #tpu.memory_space<hbm>>
    tpu.enqueue_indirect_dma source(%dma_start3A_524 : memref<1000000x32xf32, #tpu.memory_space<hbm>>) target(%arg13 : memref<200x32xf32, #tpu.memory_space<vmem>>) offsets(%dma_start3A_521 : memref<200xi32, #tpu.memory_space<vmem>>) semaphore(%arg21 : memref<!tpu.dma_semaphore, #tpu.memory_space<semaphore_mem>>)
    %dma_wait3A_525 = arith.constant 13 : i32
    %dma_wait3A_526 = arith.constant 0 : i32
    %dma_wait3A_527 = tpu.memref_slice %arg7[%dma_wait3A_525, %dma_wait3A_526] : memref<32x200xi32, #tpu.memory_space<vmem>> -> memref<1x200xi32, #tpu.memory_space<vmem>>
    %dma_wait3A_528 = tpu.memref_squeeze %dma_wait3A_527 : memref<1x200xi32, #tpu.memory_space<vmem>> -> memref<200xi32, #tpu.memory_space<vmem>>
    %dma_wait3A_529 = arith.constant 0 : i32
    %dma_wait3A_530 = arith.constant 0 : i32
    %dma_wait3A_531 = tpu.memref_slice %arg3[%dma_wait3A_529, %dma_wait3A_530] : memref<1000000x32xf32, #tpu.memory_space<hbm>> -> memref<1000000x32xf32, #tpu.memory_space<hbm>>
    tpu.wait_indirect_dma semaphore(%arg23 : memref<!tpu.dma_semaphore, #tpu.memory_space<semaphore_mem>>) src(%dma_wait3A_531 : memref<1000000x32xf32, #tpu.memory_space<hbm>>) dst(%arg15 : memref<200x32xf32, #tpu.memory_space<vmem>>)
    %dma_start3A_532 = arith.constant 0 : i32
    %dma_start3A_533 = arith.constant 0 : i32
    %dma_start3A_534 = tpu.memref_slice %arg9[%dma_start3A_532, %dma_start3A_533] : memref<200x32xf32, #tpu.memory_space<vmem_shared>> -> memref<200x32xf32, #tpu.memory_space<vmem_shared>>
    tpu.enqueue_indirect_dma source(%dma_start3A_534 : memref<200x32xf32, #tpu.memory_space<vmem_shared>>) target(%arg15 : memref<200x32xf32, #tpu.memory_space<vmem>>) offsets(%arg8 : memref<200xi32, #tpu.memory_space<vmem>>) semaphore(%arg31 : memref<!tpu.dma_semaphore, #tpu.memory_space<semaphore_mem>>) {add = true}
    %dma_wait3A_535 = arith.constant 0 : i32
    %dma_wait3A_536 = arith.constant 0 : i32
    %dma_wait3A_537 = tpu.memref_slice %arg9[%dma_wait3A_535, %dma_wait3A_536] : memref<200x32xf32, #tpu.memory_space<vmem_shared>> -> memref<200x32xf32, #tpu.memory_space<vmem_shared>>
    tpu.wait_indirect_dma semaphore(%arg30 : memref<!tpu.dma_semaphore, #tpu.memory_space<semaphore_mem>>) src(%dma_wait3A_537 : memref<200x32xf32, #tpu.memory_space<vmem_shared>>) dst(%arg14 : memref<200x32xf32, #tpu.memory_space<vmem>>)
    %add3A_538 = arith.constant 12 : i32
    %add3A_539 = arith.addi %mul3A_4, %add3A_538 : i32
    %dma_start3A_540 = arith.constant 0 : i32
    %dma_start3A_541 = arith.constant 0 : i32
    %dma_start3A_542 = tpu.memref_slice %arg6[%add3A_539, %dma_start3A_540, %dma_start3A_541] : memref<1024x200x32xf32, #tpu.memory_space<hbm>> -> memref<1x200x32xf32, #tpu.memory_space<hbm>>
    %dma_start3A_543 = tpu.memref_squeeze %dma_start3A_542 : memref<1x200x32xf32, #tpu.memory_space<hbm>> -> memref<200x32xf32, #tpu.memory_space<hbm>>
    %dma_start3A_544 = arith.constant 0 : i32
    %dma_start3A_545 = arith.constant 0 : i32
    %dma_start3A_546 = tpu.memref_slice %arg6[%add3A_539, %dma_start3A_544, %dma_start3A_545] : memref<1024x200x32xf32, #tpu.memory_space<hbm>> -> memref<1x200x32xf32, #tpu.memory_space<hbm>>
    %dma_start3A_547 = tpu.memref_squeeze %dma_start3A_546 : memref<1x200x32xf32, #tpu.memory_space<hbm>> -> memref<200x32xf32, #tpu.memory_space<hbm>>
    tpu.enqueue_dma source(%arg14 : memref<200x32xf32, #tpu.memory_space<vmem>>) target(%dma_start3A_547 : memref<200x32xf32, #tpu.memory_space<hbm>>) target_semaphore(%arg38 : memref<!tpu.dma_semaphore, #tpu.memory_space<semaphore_mem>>)
    %dma_wait3A_548 = arith.constant 0 : i32
    %dma_wait3A_549 = arith.constant 0 : i32
    %dma_wait3A_550 = tpu.memref_slice %arg6[%add3A_539, %dma_wait3A_548, %dma_wait3A_549] : memref<1024x200x32xf32, #tpu.memory_space<hbm>> -> memref<1x200x32xf32, #tpu.memory_space<hbm>>
    %dma_wait3A_551 = tpu.memref_squeeze %dma_wait3A_550 : memref<1x200x32xf32, #tpu.memory_space<hbm>> -> memref<200x32xf32, #tpu.memory_space<hbm>>
    %dma_wait3A_552 = arith.constant 0 : i32
    %dma_wait3A_553 = arith.constant 0 : i32
    %dma_wait3A_554 = tpu.memref_slice %arg6[%add3A_539, %dma_wait3A_552, %dma_wait3A_553] : memref<1024x200x32xf32, #tpu.memory_space<hbm>> -> memref<1x200x32xf32, #tpu.memory_space<hbm>>
    %dma_wait3A_555 = tpu.memref_squeeze %dma_wait3A_554 : memref<1x200x32xf32, #tpu.memory_space<hbm>> -> memref<200x32xf32, #tpu.memory_space<hbm>>
    tpu.wait_dma2 semaphore(%arg38 : memref<!tpu.dma_semaphore, #tpu.memory_space<semaphore_mem>>) src(%arg14 : memref<200x32xf32, #tpu.memory_space<vmem>>) dst(%dma_wait3A_555 : memref<200x32xf32, #tpu.memory_space<hbm>>)
    %dma_start3A_556 = arith.constant 20 : i32
    %dma_start3A_557 = arith.constant 0 : i32
    %dma_start3A_558 = tpu.memref_slice %arg7[%dma_start3A_556, %dma_start3A_557] : memref<32x200xi32, #tpu.memory_space<vmem>> -> memref<1x200xi32, #tpu.memory_space<vmem>>
    %dma_start3A_559 = tpu.memref_squeeze %dma_start3A_558 : memref<1x200xi32, #tpu.memory_space<vmem>> -> memref<200xi32, #tpu.memory_space<vmem>>
    %dma_start3A_560 = arith.constant 0 : i32
    %dma_start3A_561 = arith.constant 0 : i32
    %dma_start3A_562 = tpu.memref_slice %arg3[%dma_start3A_560, %dma_start3A_561] : memref<1000000x32xf32, #tpu.memory_space<hbm>> -> memref<1000000x32xf32, #tpu.memory_space<hbm>>
    tpu.enqueue_indirect_dma source(%dma_start3A_562 : memref<1000000x32xf32, #tpu.memory_space<hbm>>) target(%arg14 : memref<200x32xf32, #tpu.memory_space<vmem>>) offsets(%dma_start3A_559 : memref<200xi32, #tpu.memory_space<vmem>>) semaphore(%arg22 : memref<!tpu.dma_semaphore, #tpu.memory_space<semaphore_mem>>)
    %dma_wait3A_563 = arith.constant 14 : i32
    %dma_wait3A_564 = arith.constant 0 : i32
    %dma_wait3A_565 = tpu.memref_slice %arg7[%dma_wait3A_563, %dma_wait3A_564] : memref<32x200xi32, #tpu.memory_space<vmem>> -> memref<1x200xi32, #tpu.memory_space<vmem>>
    %dma_wait3A_566 = tpu.memref_squeeze %dma_wait3A_565 : memref<1x200xi32, #tpu.memory_space<vmem>> -> memref<200xi32, #tpu.memory_space<vmem>>
    %dma_wait3A_567 = arith.constant 0 : i32
    %dma_wait3A_568 = arith.constant 0 : i32
    %dma_wait3A_569 = tpu.memref_slice %arg3[%dma_wait3A_567, %dma_wait3A_568] : memref<1000000x32xf32, #tpu.memory_space<hbm>> -> memref<1000000x32xf32, #tpu.memory_space<hbm>>
    tpu.wait_indirect_dma semaphore(%arg24 : memref<!tpu.dma_semaphore, #tpu.memory_space<semaphore_mem>>) src(%dma_wait3A_569 : memref<1000000x32xf32, #tpu.memory_space<hbm>>) dst(%arg16 : memref<200x32xf32, #tpu.memory_space<vmem>>)
    %dma_start3A_570 = arith.constant 0 : i32
    %dma_start3A_571 = arith.constant 0 : i32
    %dma_start3A_572 = tpu.memref_slice %arg9[%dma_start3A_570, %dma_start3A_571] : memref<200x32xf32, #tpu.memory_space<vmem_shared>> -> memref<200x32xf32, #tpu.memory_space<vmem_shared>>
    tpu.enqueue_indirect_dma source(%dma_start3A_572 : memref<200x32xf32, #tpu.memory_space<vmem_shared>>) target(%arg16 : memref<200x32xf32, #tpu.memory_space<vmem>>) offsets(%arg8 : memref<200xi32, #tpu.memory_space<vmem>>) semaphore(%arg32 : memref<!tpu.dma_semaphore, #tpu.memory_space<semaphore_mem>>) {add = true}
    %dma_wait3A_573 = arith.constant 0 : i32
    %dma_wait3A_574 = arith.constant 0 : i32
    %dma_wait3A_575 = tpu.memref_slice %arg9[%dma_wait3A_573, %dma_wait3A_574] : memref<200x32xf32, #tpu.memory_space<vmem_shared>> -> memref<200x32xf32, #tpu.memory_space<vmem_shared>>
    tpu.wait_indirect_dma semaphore(%arg31 : memref<!tpu.dma_semaphore, #tpu.memory_space<semaphore_mem>>) src(%dma_wait3A_575 : memref<200x32xf32, #tpu.memory_space<vmem_shared>>) dst(%arg15 : memref<200x32xf32, #tpu.memory_space<vmem>>)
    %add3A_576 = arith.constant 13 : i32
    %add3A_577 = arith.addi %mul3A_4, %add3A_576 : i32
    %dma_start3A_578 = arith.constant 0 : i32
    %dma_start3A_579 = arith.constant 0 : i32
    %dma_start3A_580 = tpu.memref_slice %arg6[%add3A_577, %dma_start3A_578, %dma_start3A_579] : memref<1024x200x32xf32, #tpu.memory_space<hbm>> -> memref<1x200x32xf32, #tpu.memory_space<hbm>>
    %dma_start3A_581 = tpu.memref_squeeze %dma_start3A_580 : memref<1x200x32xf32, #tpu.memory_space<hbm>> -> memref<200x32xf32, #tpu.memory_space<hbm>>
    %dma_start3A_582 = arith.constant 0 : i32
    %dma_start3A_583 = arith.constant 0 : i32
    %dma_start3A_584 = tpu.memref_slice %arg6[%add3A_577, %dma_start3A_582, %dma_start3A_583] : memref<1024x200x32xf32, #tpu.memory_space<hbm>> -> memref<1x200x32xf32, #tpu.memory_space<hbm>>
    %dma_start3A_585 = tpu.memref_squeeze %dma_start3A_584 : memref<1x200x32xf32, #tpu.memory_space<hbm>> -> memref<200x32xf32, #tpu.memory_space<hbm>>
    tpu.enqueue_dma source(%arg15 : memref<200x32xf32, #tpu.memory_space<vmem>>) target(%dma_start3A_585 : memref<200x32xf32, #tpu.memory_space<hbm>>) target_semaphore(%arg39 : memref<!tpu.dma_semaphore, #tpu.memory_space<semaphore_mem>>)
    %dma_wait3A_586 = arith.constant 0 : i32
    %dma_wait3A_587 = arith.constant 0 : i32
    %dma_wait3A_588 = tpu.memref_slice %arg6[%add3A_577, %dma_wait3A_586, %dma_wait3A_587] : memref<1024x200x32xf32, #tpu.memory_space<hbm>> -> memref<1x200x32xf32, #tpu.memory_space<hbm>>
    %dma_wait3A_589 = tpu.memref_squeeze %dma_wait3A_588 : memref<1x200x32xf32, #tpu.memory_space<hbm>> -> memref<200x32xf32, #tpu.memory_space<hbm>>
    %dma_wait3A_590 = arith.constant 0 : i32
    %dma_wait3A_591 = arith.constant 0 : i32
    %dma_wait3A_592 = tpu.memref_slice %arg6[%add3A_577, %dma_wait3A_590, %dma_wait3A_591] : memref<1024x200x32xf32, #tpu.memory_space<hbm>> -> memref<1x200x32xf32, #tpu.memory_space<hbm>>
    %dma_wait3A_593 = tpu.memref_squeeze %dma_wait3A_592 : memref<1x200x32xf32, #tpu.memory_space<hbm>> -> memref<200x32xf32, #tpu.memory_space<hbm>>
    tpu.wait_dma2 semaphore(%arg39 : memref<!tpu.dma_semaphore, #tpu.memory_space<semaphore_mem>>) src(%arg15 : memref<200x32xf32, #tpu.memory_space<vmem>>) dst(%dma_wait3A_593 : memref<200x32xf32, #tpu.memory_space<hbm>>)
    %dma_start3A_594 = arith.constant 21 : i32
    %dma_start3A_595 = arith.constant 0 : i32
    %dma_start3A_596 = tpu.memref_slice %arg7[%dma_start3A_594, %dma_start3A_595] : memref<32x200xi32, #tpu.memory_space<vmem>> -> memref<1x200xi32, #tpu.memory_space<vmem>>
    %dma_start3A_597 = tpu.memref_squeeze %dma_start3A_596 : memref<1x200xi32, #tpu.memory_space<vmem>> -> memref<200xi32, #tpu.memory_space<vmem>>
    %dma_start3A_598 = arith.constant 0 : i32
    %dma_start3A_599 = arith.constant 0 : i32
    %dma_start3A_600 = tpu.memref_slice %arg3[%dma_start3A_598, %dma_start3A_599] : memref<1000000x32xf32, #tpu.memory_space<hbm>> -> memref<1000000x32xf32, #tpu.memory_space<hbm>>
    tpu.enqueue_indirect_dma source(%dma_start3A_600 : memref<1000000x32xf32, #tpu.memory_space<hbm>>) target(%arg15 : memref<200x32xf32, #tpu.memory_space<vmem>>) offsets(%dma_start3A_597 : memref<200xi32, #tpu.memory_space<vmem>>) semaphore(%arg23 : memref<!tpu.dma_semaphore, #tpu.memory_space<semaphore_mem>>)
    %dma_wait3A_601 = arith.constant 15 : i32
    %dma_wait3A_602 = arith.constant 0 : i32
    %dma_wait3A_603 = tpu.memref_slice %arg7[%dma_wait3A_601, %dma_wait3A_602] : memref<32x200xi32, #tpu.memory_space<vmem>> -> memref<1x200xi32, #tpu.memory_space<vmem>>
    %dma_wait3A_604 = tpu.memref_squeeze %dma_wait3A_603 : memref<1x200xi32, #tpu.memory_space<vmem>> -> memref<200xi32, #tpu.memory_space<vmem>>
    %dma_wait3A_605 = arith.constant 0 : i32
    %dma_wait3A_606 = arith.constant 0 : i32
    %dma_wait3A_607 = tpu.memref_slice %arg3[%dma_wait3A_605, %dma_wait3A_606] : memref<1000000x32xf32, #tpu.memory_space<hbm>> -> memref<1000000x32xf32, #tpu.memory_space<hbm>>
    tpu.wait_indirect_dma semaphore(%arg25 : memref<!tpu.dma_semaphore, #tpu.memory_space<semaphore_mem>>) src(%dma_wait3A_607 : memref<1000000x32xf32, #tpu.memory_space<hbm>>) dst(%arg17 : memref<200x32xf32, #tpu.memory_space<vmem>>)
    %dma_start3A_608 = arith.constant 0 : i32
    %dma_start3A_609 = arith.constant 0 : i32
    %dma_start3A_610 = tpu.memref_slice %arg9[%dma_start3A_608, %dma_start3A_609] : memref<200x32xf32, #tpu.memory_space<vmem_shared>> -> memref<200x32xf32, #tpu.memory_space<vmem_shared>>
    tpu.enqueue_indirect_dma source(%dma_start3A_610 : memref<200x32xf32, #tpu.memory_space<vmem_shared>>) target(%arg17 : memref<200x32xf32, #tpu.memory_space<vmem>>) offsets(%arg8 : memref<200xi32, #tpu.memory_space<vmem>>) semaphore(%arg33 : memref<!tpu.dma_semaphore, #tpu.memory_space<semaphore_mem>>) {add = true}
    %dma_wait3A_611 = arith.constant 0 : i32
    %dma_wait3A_612 = arith.constant 0 : i32
    %dma_wait3A_613 = tpu.memref_slice %arg9[%dma_wait3A_611, %dma_wait3A_612] : memref<200x32xf32, #tpu.memory_space<vmem_shared>> -> memref<200x32xf32, #tpu.memory_space<vmem_shared>>
    tpu.wait_indirect_dma semaphore(%arg32 : memref<!tpu.dma_semaphore, #tpu.memory_space<semaphore_mem>>) src(%dma_wait3A_613 : memref<200x32xf32, #tpu.memory_space<vmem_shared>>) dst(%arg16 : memref<200x32xf32, #tpu.memory_space<vmem>>)
    %add3A_614 = arith.constant 14 : i32
    %add3A_615 = arith.addi %mul3A_4, %add3A_614 : i32
    %dma_start3A_616 = arith.constant 0 : i32
    %dma_start3A_617 = arith.constant 0 : i32
    %dma_start3A_618 = tpu.memref_slice %arg6[%add3A_615, %dma_start3A_616, %dma_start3A_617] : memref<1024x200x32xf32, #tpu.memory_space<hbm>> -> memref<1x200x32xf32, #tpu.memory_space<hbm>>
    %dma_start3A_619 = tpu.memref_squeeze %dma_start3A_618 : memref<1x200x32xf32, #tpu.memory_space<hbm>> -> memref<200x32xf32, #tpu.memory_space<hbm>>
    %dma_start3A_620 = arith.constant 0 : i32
    %dma_start3A_621 = arith.constant 0 : i32
    %dma_start3A_622 = tpu.memref_slice %arg6[%add3A_615, %dma_start3A_620, %dma_start3A_621] : memref<1024x200x32xf32, #tpu.memory_space<hbm>> -> memref<1x200x32xf32, #tpu.memory_space<hbm>>
    %dma_start3A_623 = tpu.memref_squeeze %dma_start3A_622 : memref<1x200x32xf32, #tpu.memory_space<hbm>> -> memref<200x32xf32, #tpu.memory_space<hbm>>
    tpu.enqueue_dma source(%arg16 : memref<200x32xf32, #tpu.memory_space<vmem>>) target(%dma_start3A_623 : memref<200x32xf32, #tpu.memory_space<hbm>>) target_semaphore(%arg40 : memref<!tpu.dma_semaphore, #tpu.memory_space<semaphore_mem>>)
    %dma_wait3A_624 = arith.constant 0 : i32
    %dma_wait3A_625 = arith.constant 0 : i32
    %dma_wait3A_626 = tpu.memref_slice %arg6[%add3A_615, %dma_wait3A_624, %dma_wait3A_625] : memref<1024x200x32xf32, #tpu.memory_space<hbm>> -> memref<1x200x32xf32, #tpu.memory_space<hbm>>
    %dma_wait3A_627 = tpu.memref_squeeze %dma_wait3A_626 : memref<1x200x32xf32, #tpu.memory_space<hbm>> -> memref<200x32xf32, #tpu.memory_space<hbm>>
    %dma_wait3A_628 = arith.constant 0 : i32
    %dma_wait3A_629 = arith.constant 0 : i32
    %dma_wait3A_630 = tpu.memref_slice %arg6[%add3A_615, %dma_wait3A_628, %dma_wait3A_629] : memref<1024x200x32xf32, #tpu.memory_space<hbm>> -> memref<1x200x32xf32, #tpu.memory_space<hbm>>
    %dma_wait3A_631 = tpu.memref_squeeze %dma_wait3A_630 : memref<1x200x32xf32, #tpu.memory_space<hbm>> -> memref<200x32xf32, #tpu.memory_space<hbm>>
    tpu.wait_dma2 semaphore(%arg40 : memref<!tpu.dma_semaphore, #tpu.memory_space<semaphore_mem>>) src(%arg16 : memref<200x32xf32, #tpu.memory_space<vmem>>) dst(%dma_wait3A_631 : memref<200x32xf32, #tpu.memory_space<hbm>>)
    %dma_start3A_632 = arith.constant 22 : i32
    %dma_start3A_633 = arith.constant 0 : i32
    %dma_start3A_634 = tpu.memref_slice %arg7[%dma_start3A_632, %dma_start3A_633] : memref<32x200xi32, #tpu.memory_space<vmem>> -> memref<1x200xi32, #tpu.memory_space<vmem>>
    %dma_start3A_635 = tpu.memref_squeeze %dma_start3A_634 : memref<1x200xi32, #tpu.memory_space<vmem>> -> memref<200xi32, #tpu.memory_space<vmem>>
    %dma_start3A_636 = arith.constant 0 : i32
    %dma_start3A_637 = arith.constant 0 : i32
    %dma_start3A_638 = tpu.memref_slice %arg3[%dma_start3A_636, %dma_start3A_637] : memref<1000000x32xf32, #tpu.memory_space<hbm>> -> memref<1000000x32xf32, #tpu.memory_space<hbm>>
    tpu.enqueue_indirect_dma source(%dma_start3A_638 : memref<1000000x32xf32, #tpu.memory_space<hbm>>) target(%arg16 : memref<200x32xf32, #tpu.memory_space<vmem>>) offsets(%dma_start3A_635 : memref<200xi32, #tpu.memory_space<vmem>>) semaphore(%arg24 : memref<!tpu.dma_semaphore, #tpu.memory_space<semaphore_mem>>)
    %dma_wait3A_639 = arith.constant 16 : i32
    %dma_wait3A_640 = arith.constant 0 : i32
    %dma_wait3A_641 = tpu.memref_slice %arg7[%dma_wait3A_639, %dma_wait3A_640] : memref<32x200xi32, #tpu.memory_space<vmem>> -> memref<1x200xi32, #tpu.memory_space<vmem>>
    %dma_wait3A_642 = tpu.memref_squeeze %dma_wait3A_641 : memref<1x200xi32, #tpu.memory_space<vmem>> -> memref<200xi32, #tpu.memory_space<vmem>>
    %dma_wait3A_643 = arith.constant 0 : i32
    %dma_wait3A_644 = arith.constant 0 : i32
    %dma_wait3A_645 = tpu.memref_slice %arg3[%dma_wait3A_643, %dma_wait3A_644] : memref<1000000x32xf32, #tpu.memory_space<hbm>> -> memref<1000000x32xf32, #tpu.memory_space<hbm>>
    tpu.wait_indirect_dma semaphore(%arg18 : memref<!tpu.dma_semaphore, #tpu.memory_space<semaphore_mem>>) src(%dma_wait3A_645 : memref<1000000x32xf32, #tpu.memory_space<hbm>>) dst(%arg10 : memref<200x32xf32, #tpu.memory_space<vmem>>)
    %dma_start3A_646 = arith.constant 0 : i32
    %dma_start3A_647 = arith.constant 0 : i32
    %dma_start3A_648 = tpu.memref_slice %arg9[%dma_start3A_646, %dma_start3A_647] : memref<200x32xf32, #tpu.memory_space<vmem_shared>> -> memref<200x32xf32, #tpu.memory_space<vmem_shared>>
    tpu.enqueue_indirect_dma source(%dma_start3A_648 : memref<200x32xf32, #tpu.memory_space<vmem_shared>>) target(%arg10 : memref<200x32xf32, #tpu.memory_space<vmem>>) offsets(%arg8 : memref<200xi32, #tpu.memory_space<vmem>>) semaphore(%arg26 : memref<!tpu.dma_semaphore, #tpu.memory_space<semaphore_mem>>) {add = true}
    %dma_wait3A_649 = arith.constant 0 : i32
    %dma_wait3A_650 = arith.constant 0 : i32
    %dma_wait3A_651 = tpu.memref_slice %arg9[%dma_wait3A_649, %dma_wait3A_650] : memref<200x32xf32, #tpu.memory_space<vmem_shared>> -> memref<200x32xf32, #tpu.memory_space<vmem_shared>>
    tpu.wait_indirect_dma semaphore(%arg33 : memref<!tpu.dma_semaphore, #tpu.memory_space<semaphore_mem>>) src(%dma_wait3A_651 : memref<200x32xf32, #tpu.memory_space<vmem_shared>>) dst(%arg17 : memref<200x32xf32, #tpu.memory_space<vmem>>)
    %add3A_652 = arith.constant 15 : i32
    %add3A_653 = arith.addi %mul3A_4, %add3A_652 : i32
    %dma_start3A_654 = arith.constant 0 : i32
    %dma_start3A_655 = arith.constant 0 : i32
    %dma_start3A_656 = tpu.memref_slice %arg6[%add3A_653, %dma_start3A_654, %dma_start3A_655] : memref<1024x200x32xf32, #tpu.memory_space<hbm>> -> memref<1x200x32xf32, #tpu.memory_space<hbm>>
    %dma_start3A_657 = tpu.memref_squeeze %dma_start3A_656 : memref<1x200x32xf32, #tpu.memory_space<hbm>> -> memref<200x32xf32, #tpu.memory_space<hbm>>
    %dma_start3A_658 = arith.constant 0 : i32
    %dma_start3A_659 = arith.constant 0 : i32
    %dma_start3A_660 = tpu.memref_slice %arg6[%add3A_653, %dma_start3A_658, %dma_start3A_659] : memref<1024x200x32xf32, #tpu.memory_space<hbm>> -> memref<1x200x32xf32, #tpu.memory_space<hbm>>
    %dma_start3A_661 = tpu.memref_squeeze %dma_start3A_660 : memref<1x200x32xf32, #tpu.memory_space<hbm>> -> memref<200x32xf32, #tpu.memory_space<hbm>>
    tpu.enqueue_dma source(%arg17 : memref<200x32xf32, #tpu.memory_space<vmem>>) target(%dma_start3A_661 : memref<200x32xf32, #tpu.memory_space<hbm>>) target_semaphore(%arg41 : memref<!tpu.dma_semaphore, #tpu.memory_space<semaphore_mem>>)
    %dma_wait3A_662 = arith.constant 0 : i32
    %dma_wait3A_663 = arith.constant 0 : i32
    %dma_wait3A_664 = tpu.memref_slice %arg6[%add3A_653, %dma_wait3A_662, %dma_wait3A_663] : memref<1024x200x32xf32, #tpu.memory_space<hbm>> -> memref<1x200x32xf32, #tpu.memory_space<hbm>>
    %dma_wait3A_665 = tpu.memref_squeeze %dma_wait3A_664 : memref<1x200x32xf32, #tpu.memory_space<hbm>> -> memref<200x32xf32, #tpu.memory_space<hbm>>
    %dma_wait3A_666 = arith.constant 0 : i32
    %dma_wait3A_667 = arith.constant 0 : i32
    %dma_wait3A_668 = tpu.memref_slice %arg6[%add3A_653, %dma_wait3A_666, %dma_wait3A_667] : memref<1024x200x32xf32, #tpu.memory_space<hbm>> -> memref<1x200x32xf32, #tpu.memory_space<hbm>>
    %dma_wait3A_669 = tpu.memref_squeeze %dma_wait3A_668 : memref<1x200x32xf32, #tpu.memory_space<hbm>> -> memref<200x32xf32, #tpu.memory_space<hbm>>
    tpu.wait_dma2 semaphore(%arg41 : memref<!tpu.dma_semaphore, #tpu.memory_space<semaphore_mem>>) src(%arg17 : memref<200x32xf32, #tpu.memory_space<vmem>>) dst(%dma_wait3A_669 : memref<200x32xf32, #tpu.memory_space<hbm>>)
    %dma_start3A_670 = arith.constant 23 : i32
    %dma_start3A_671 = arith.constant 0 : i32
    %dma_start3A_672 = tpu.memref_slice %arg7[%dma_start3A_670, %dma_start3A_671] : memref<32x200xi32, #tpu.memory_space<vmem>> -> memref<1x200xi32, #tpu.memory_space<vmem>>
    %dma_start3A_673 = tpu.memref_squeeze %dma_start3A_672 : memref<1x200xi32, #tpu.memory_space<vmem>> -> memref<200xi32, #tpu.memory_space<vmem>>
    %dma_start3A_674 = arith.constant 0 : i32
    %dma_start3A_675 = arith.constant 0 : i32
    %dma_start3A_676 = tpu.memref_slice %arg3[%dma_start3A_674, %dma_start3A_675] : memref<1000000x32xf32, #tpu.memory_space<hbm>> -> memref<1000000x32xf32, #tpu.memory_space<hbm>>
    tpu.enqueue_indirect_dma source(%dma_start3A_676 : memref<1000000x32xf32, #tpu.memory_space<hbm>>) target(%arg17 : memref<200x32xf32, #tpu.memory_space<vmem>>) offsets(%dma_start3A_673 : memref<200xi32, #tpu.memory_space<vmem>>) semaphore(%arg25 : memref<!tpu.dma_semaphore, #tpu.memory_space<semaphore_mem>>)
    %dma_wait3A_677 = arith.constant 17 : i32
    %dma_wait3A_678 = arith.constant 0 : i32
    %dma_wait3A_679 = tpu.memref_slice %arg7[%dma_wait3A_677, %dma_wait3A_678] : memref<32x200xi32, #tpu.memory_space<vmem>> -> memref<1x200xi32, #tpu.memory_space<vmem>>
    %dma_wait3A_680 = tpu.memref_squeeze %dma_wait3A_679 : memref<1x200xi32, #tpu.memory_space<vmem>> -> memref<200xi32, #tpu.memory_space<vmem>>
    %dma_wait3A_681 = arith.constant 0 : i32
    %dma_wait3A_682 = arith.constant 0 : i32
    %dma_wait3A_683 = tpu.memref_slice %arg3[%dma_wait3A_681, %dma_wait3A_682] : memref<1000000x32xf32, #tpu.memory_space<hbm>> -> memref<1000000x32xf32, #tpu.memory_space<hbm>>
    tpu.wait_indirect_dma semaphore(%arg19 : memref<!tpu.dma_semaphore, #tpu.memory_space<semaphore_mem>>) src(%dma_wait3A_683 : memref<1000000x32xf32, #tpu.memory_space<hbm>>) dst(%arg11 : memref<200x32xf32, #tpu.memory_space<vmem>>)
    %dma_start3A_684 = arith.constant 0 : i32
    %dma_start3A_685 = arith.constant 0 : i32
    %dma_start3A_686 = tpu.memref_slice %arg9[%dma_start3A_684, %dma_start3A_685] : memref<200x32xf32, #tpu.memory_space<vmem_shared>> -> memref<200x32xf32, #tpu.memory_space<vmem_shared>>
    tpu.enqueue_indirect_dma source(%dma_start3A_686 : memref<200x32xf32, #tpu.memory_space<vmem_shared>>) target(%arg11 : memref<200x32xf32, #tpu.memory_space<vmem>>) offsets(%arg8 : memref<200xi32, #tpu.memory_space<vmem>>) semaphore(%arg27 : memref<!tpu.dma_semaphore, #tpu.memory_space<semaphore_mem>>) {add = true}
    %dma_wait3A_687 = arith.constant 0 : i32
    %dma_wait3A_688 = arith.constant 0 : i32
    %dma_wait3A_689 = tpu.memref_slice %arg9[%dma_wait3A_687, %dma_wait3A_688] : memref<200x32xf32, #tpu.memory_space<vmem_shared>> -> memref<200x32xf32, #tpu.memory_space<vmem_shared>>
    tpu.wait_indirect_dma semaphore(%arg26 : memref<!tpu.dma_semaphore, #tpu.memory_space<semaphore_mem>>) src(%dma_wait3A_689 : memref<200x32xf32, #tpu.memory_space<vmem_shared>>) dst(%arg10 : memref<200x32xf32, #tpu.memory_space<vmem>>)
    %add3A_690 = arith.constant 16 : i32
    %add3A_691 = arith.addi %mul3A_4, %add3A_690 : i32
    %dma_start3A_692 = arith.constant 0 : i32
    %dma_start3A_693 = arith.constant 0 : i32
    %dma_start3A_694 = tpu.memref_slice %arg6[%add3A_691, %dma_start3A_692, %dma_start3A_693] : memref<1024x200x32xf32, #tpu.memory_space<hbm>> -> memref<1x200x32xf32, #tpu.memory_space<hbm>>
    %dma_start3A_695 = tpu.memref_squeeze %dma_start3A_694 : memref<1x200x32xf32, #tpu.memory_space<hbm>> -> memref<200x32xf32, #tpu.memory_space<hbm>>
    %dma_start3A_696 = arith.constant 0 : i32
    %dma_start3A_697 = arith.constant 0 : i32
    %dma_start3A_698 = tpu.memref_slice %arg6[%add3A_691, %dma_start3A_696, %dma_start3A_697] : memref<1024x200x32xf32, #tpu.memory_space<hbm>> -> memref<1x200x32xf32, #tpu.memory_space<hbm>>
    %dma_start3A_699 = tpu.memref_squeeze %dma_start3A_698 : memref<1x200x32xf32, #tpu.memory_space<hbm>> -> memref<200x32xf32, #tpu.memory_space<hbm>>
    tpu.enqueue_dma source(%arg10 : memref<200x32xf32, #tpu.memory_space<vmem>>) target(%dma_start3A_699 : memref<200x32xf32, #tpu.memory_space<hbm>>) target_semaphore(%arg34 : memref<!tpu.dma_semaphore, #tpu.memory_space<semaphore_mem>>)
    %dma_wait3A_700 = arith.constant 0 : i32
    %dma_wait3A_701 = arith.constant 0 : i32
    %dma_wait3A_702 = tpu.memref_slice %arg6[%add3A_691, %dma_wait3A_700, %dma_wait3A_701] : memref<1024x200x32xf32, #tpu.memory_space<hbm>> -> memref<1x200x32xf32, #tpu.memory_space<hbm>>
    %dma_wait3A_703 = tpu.memref_squeeze %dma_wait3A_702 : memref<1x200x32xf32, #tpu.memory_space<hbm>> -> memref<200x32xf32, #tpu.memory_space<hbm>>
    %dma_wait3A_704 = arith.constant 0 : i32
    %dma_wait3A_705 = arith.constant 0 : i32
    %dma_wait3A_706 = tpu.memref_slice %arg6[%add3A_691, %dma_wait3A_704, %dma_wait3A_705] : memref<1024x200x32xf32, #tpu.memory_space<hbm>> -> memref<1x200x32xf32, #tpu.memory_space<hbm>>
    %dma_wait3A_707 = tpu.memref_squeeze %dma_wait3A_706 : memref<1x200x32xf32, #tpu.memory_space<hbm>> -> memref<200x32xf32, #tpu.memory_space<hbm>>
    tpu.wait_dma2 semaphore(%arg34 : memref<!tpu.dma_semaphore, #tpu.memory_space<semaphore_mem>>) src(%arg10 : memref<200x32xf32, #tpu.memory_space<vmem>>) dst(%dma_wait3A_707 : memref<200x32xf32, #tpu.memory_space<hbm>>)
    %dma_start3A_708 = arith.constant 24 : i32
    %dma_start3A_709 = arith.constant 0 : i32
    %dma_start3A_710 = tpu.memref_slice %arg7[%dma_start3A_708, %dma_start3A_709] : memref<32x200xi32, #tpu.memory_space<vmem>> -> memref<1x200xi32, #tpu.memory_space<vmem>>
    %dma_start3A_711 = tpu.memref_squeeze %dma_start3A_710 : memref<1x200xi32, #tpu.memory_space<vmem>> -> memref<200xi32, #tpu.memory_space<vmem>>
    %dma_start3A_712 = arith.constant 0 : i32
    %dma_start3A_713 = arith.constant 0 : i32
    %dma_start3A_714 = tpu.memref_slice %arg3[%dma_start3A_712, %dma_start3A_713] : memref<1000000x32xf32, #tpu.memory_space<hbm>> -> memref<1000000x32xf32, #tpu.memory_space<hbm>>
    tpu.enqueue_indirect_dma source(%dma_start3A_714 : memref<1000000x32xf32, #tpu.memory_space<hbm>>) target(%arg10 : memref<200x32xf32, #tpu.memory_space<vmem>>) offsets(%dma_start3A_711 : memref<200xi32, #tpu.memory_space<vmem>>) semaphore(%arg18 : memref<!tpu.dma_semaphore, #tpu.memory_space<semaphore_mem>>)
    %dma_wait3A_715 = arith.constant 18 : i32
    %dma_wait3A_716 = arith.constant 0 : i32
    %dma_wait3A_717 = tpu.memref_slice %arg7[%dma_wait3A_715, %dma_wait3A_716] : memref<32x200xi32, #tpu.memory_space<vmem>> -> memref<1x200xi32, #tpu.memory_space<vmem>>
    %dma_wait3A_718 = tpu.memref_squeeze %dma_wait3A_717 : memref<1x200xi32, #tpu.memory_space<vmem>> -> memref<200xi32, #tpu.memory_space<vmem>>
    %dma_wait3A_719 = arith.constant 0 : i32
    %dma_wait3A_720 = arith.constant 0 : i32
    %dma_wait3A_721 = tpu.memref_slice %arg3[%dma_wait3A_719, %dma_wait3A_720] : memref<1000000x32xf32, #tpu.memory_space<hbm>> -> memref<1000000x32xf32, #tpu.memory_space<hbm>>
    tpu.wait_indirect_dma semaphore(%arg20 : memref<!tpu.dma_semaphore, #tpu.memory_space<semaphore_mem>>) src(%dma_wait3A_721 : memref<1000000x32xf32, #tpu.memory_space<hbm>>) dst(%arg12 : memref<200x32xf32, #tpu.memory_space<vmem>>)
    %dma_start3A_722 = arith.constant 0 : i32
    %dma_start3A_723 = arith.constant 0 : i32
    %dma_start3A_724 = tpu.memref_slice %arg9[%dma_start3A_722, %dma_start3A_723] : memref<200x32xf32, #tpu.memory_space<vmem_shared>> -> memref<200x32xf32, #tpu.memory_space<vmem_shared>>
    tpu.enqueue_indirect_dma source(%dma_start3A_724 : memref<200x32xf32, #tpu.memory_space<vmem_shared>>) target(%arg12 : memref<200x32xf32, #tpu.memory_space<vmem>>) offsets(%arg8 : memref<200xi32, #tpu.memory_space<vmem>>) semaphore(%arg28 : memref<!tpu.dma_semaphore, #tpu.memory_space<semaphore_mem>>) {add = true}
    %dma_wait3A_725 = arith.constant 0 : i32
    %dma_wait3A_726 = arith.constant 0 : i32
    %dma_wait3A_727 = tpu.memref_slice %arg9[%dma_wait3A_725, %dma_wait3A_726] : memref<200x32xf32, #tpu.memory_space<vmem_shared>> -> memref<200x32xf32, #tpu.memory_space<vmem_shared>>
    tpu.wait_indirect_dma semaphore(%arg27 : memref<!tpu.dma_semaphore, #tpu.memory_space<semaphore_mem>>) src(%dma_wait3A_727 : memref<200x32xf32, #tpu.memory_space<vmem_shared>>) dst(%arg11 : memref<200x32xf32, #tpu.memory_space<vmem>>)
    %add3A_728 = arith.constant 17 : i32
    %add3A_729 = arith.addi %mul3A_4, %add3A_728 : i32
    %dma_start3A_730 = arith.constant 0 : i32
    %dma_start3A_731 = arith.constant 0 : i32
    %dma_start3A_732 = tpu.memref_slice %arg6[%add3A_729, %dma_start3A_730, %dma_start3A_731] : memref<1024x200x32xf32, #tpu.memory_space<hbm>> -> memref<1x200x32xf32, #tpu.memory_space<hbm>>
    %dma_start3A_733 = tpu.memref_squeeze %dma_start3A_732 : memref<1x200x32xf32, #tpu.memory_space<hbm>> -> memref<200x32xf32, #tpu.memory_space<hbm>>
    %dma_start3A_734 = arith.constant 0 : i32
    %dma_start3A_735 = arith.constant 0 : i32
    %dma_start3A_736 = tpu.memref_slice %arg6[%add3A_729, %dma_start3A_734, %dma_start3A_735] : memref<1024x200x32xf32, #tpu.memory_space<hbm>> -> memref<1x200x32xf32, #tpu.memory_space<hbm>>
    %dma_start3A_737 = tpu.memref_squeeze %dma_start3A_736 : memref<1x200x32xf32, #tpu.memory_space<hbm>> -> memref<200x32xf32, #tpu.memory_space<hbm>>
    tpu.enqueue_dma source(%arg11 : memref<200x32xf32, #tpu.memory_space<vmem>>) target(%dma_start3A_737 : memref<200x32xf32, #tpu.memory_space<hbm>>) target_semaphore(%arg35 : memref<!tpu.dma_semaphore, #tpu.memory_space<semaphore_mem>>)
    %dma_wait3A_738 = arith.constant 0 : i32
    %dma_wait3A_739 = arith.constant 0 : i32
    %dma_wait3A_740 = tpu.memref_slice %arg6[%add3A_729, %dma_wait3A_738, %dma_wait3A_739] : memref<1024x200x32xf32, #tpu.memory_space<hbm>> -> memref<1x200x32xf32, #tpu.memory_space<hbm>>
    %dma_wait3A_741 = tpu.memref_squeeze %dma_wait3A_740 : memref<1x200x32xf32, #tpu.memory_space<hbm>> -> memref<200x32xf32, #tpu.memory_space<hbm>>
    %dma_wait3A_742 = arith.constant 0 : i32
    %dma_wait3A_743 = arith.constant 0 : i32
    %dma_wait3A_744 = tpu.memref_slice %arg6[%add3A_729, %dma_wait3A_742, %dma_wait3A_743] : memref<1024x200x32xf32, #tpu.memory_space<hbm>> -> memref<1x200x32xf32, #tpu.memory_space<hbm>>
    %dma_wait3A_745 = tpu.memref_squeeze %dma_wait3A_744 : memref<1x200x32xf32, #tpu.memory_space<hbm>> -> memref<200x32xf32, #tpu.memory_space<hbm>>
    tpu.wait_dma2 semaphore(%arg35 : memref<!tpu.dma_semaphore, #tpu.memory_space<semaphore_mem>>) src(%arg11 : memref<200x32xf32, #tpu.memory_space<vmem>>) dst(%dma_wait3A_745 : memref<200x32xf32, #tpu.memory_space<hbm>>)
    %dma_start3A_746 = arith.constant 25 : i32
    %dma_start3A_747 = arith.constant 0 : i32
    %dma_start3A_748 = tpu.memref_slice %arg7[%dma_start3A_746, %dma_start3A_747] : memref<32x200xi32, #tpu.memory_space<vmem>> -> memref<1x200xi32, #tpu.memory_space<vmem>>
    %dma_start3A_749 = tpu.memref_squeeze %dma_start3A_748 : memref<1x200xi32, #tpu.memory_space<vmem>> -> memref<200xi32, #tpu.memory_space<vmem>>
    %dma_start3A_750 = arith.constant 0 : i32
    %dma_start3A_751 = arith.constant 0 : i32
    %dma_start3A_752 = tpu.memref_slice %arg3[%dma_start3A_750, %dma_start3A_751] : memref<1000000x32xf32, #tpu.memory_space<hbm>> -> memref<1000000x32xf32, #tpu.memory_space<hbm>>
    tpu.enqueue_indirect_dma source(%dma_start3A_752 : memref<1000000x32xf32, #tpu.memory_space<hbm>>) target(%arg11 : memref<200x32xf32, #tpu.memory_space<vmem>>) offsets(%dma_start3A_749 : memref<200xi32, #tpu.memory_space<vmem>>) semaphore(%arg19 : memref<!tpu.dma_semaphore, #tpu.memory_space<semaphore_mem>>)
    %dma_wait3A_753 = arith.constant 19 : i32
    %dma_wait3A_754 = arith.constant 0 : i32
    %dma_wait3A_755 = tpu.memref_slice %arg7[%dma_wait3A_753, %dma_wait3A_754] : memref<32x200xi32, #tpu.memory_space<vmem>> -> memref<1x200xi32, #tpu.memory_space<vmem>>
    %dma_wait3A_756 = tpu.memref_squeeze %dma_wait3A_755 : memref<1x200xi32, #tpu.memory_space<vmem>> -> memref<200xi32, #tpu.memory_space<vmem>>
    %dma_wait3A_757 = arith.constant 0 : i32
    %dma_wait3A_758 = arith.constant 0 : i32
    %dma_wait3A_759 = tpu.memref_slice %arg3[%dma_wait3A_757, %dma_wait3A_758] : memref<1000000x32xf32, #tpu.memory_space<hbm>> -> memref<1000000x32xf32, #tpu.memory_space<hbm>>
    tpu.wait_indirect_dma semaphore(%arg21 : memref<!tpu.dma_semaphore, #tpu.memory_space<semaphore_mem>>) src(%dma_wait3A_759 : memref<1000000x32xf32, #tpu.memory_space<hbm>>) dst(%arg13 : memref<200x32xf32, #tpu.memory_space<vmem>>)
    %dma_start3A_760 = arith.constant 0 : i32
    %dma_start3A_761 = arith.constant 0 : i32
    %dma_start3A_762 = tpu.memref_slice %arg9[%dma_start3A_760, %dma_start3A_761] : memref<200x32xf32, #tpu.memory_space<vmem_shared>> -> memref<200x32xf32, #tpu.memory_space<vmem_shared>>
    tpu.enqueue_indirect_dma source(%dma_start3A_762 : memref<200x32xf32, #tpu.memory_space<vmem_shared>>) target(%arg13 : memref<200x32xf32, #tpu.memory_space<vmem>>) offsets(%arg8 : memref<200xi32, #tpu.memory_space<vmem>>) semaphore(%arg29 : memref<!tpu.dma_semaphore, #tpu.memory_space<semaphore_mem>>) {add = true}
    %dma_wait3A_763 = arith.constant 0 : i32
    %dma_wait3A_764 = arith.constant 0 : i32
    %dma_wait3A_765 = tpu.memref_slice %arg9[%dma_wait3A_763, %dma_wait3A_764] : memref<200x32xf32, #tpu.memory_space<vmem_shared>> -> memref<200x32xf32, #tpu.memory_space<vmem_shared>>
    tpu.wait_indirect_dma semaphore(%arg28 : memref<!tpu.dma_semaphore, #tpu.memory_space<semaphore_mem>>) src(%dma_wait3A_765 : memref<200x32xf32, #tpu.memory_space<vmem_shared>>) dst(%arg12 : memref<200x32xf32, #tpu.memory_space<vmem>>)
    %add3A_766 = arith.constant 18 : i32
    %add3A_767 = arith.addi %mul3A_4, %add3A_766 : i32
    %dma_start3A_768 = arith.constant 0 : i32
    %dma_start3A_769 = arith.constant 0 : i32
    %dma_start3A_770 = tpu.memref_slice %arg6[%add3A_767, %dma_start3A_768, %dma_start3A_769] : memref<1024x200x32xf32, #tpu.memory_space<hbm>> -> memref<1x200x32xf32, #tpu.memory_space<hbm>>
    %dma_start3A_771 = tpu.memref_squeeze %dma_start3A_770 : memref<1x200x32xf32, #tpu.memory_space<hbm>> -> memref<200x32xf32, #tpu.memory_space<hbm>>
    %dma_start3A_772 = arith.constant 0 : i32
    %dma_start3A_773 = arith.constant 0 : i32
    %dma_start3A_774 = tpu.memref_slice %arg6[%add3A_767, %dma_start3A_772, %dma_start3A_773] : memref<1024x200x32xf32, #tpu.memory_space<hbm>> -> memref<1x200x32xf32, #tpu.memory_space<hbm>>
    %dma_start3A_775 = tpu.memref_squeeze %dma_start3A_774 : memref<1x200x32xf32, #tpu.memory_space<hbm>> -> memref<200x32xf32, #tpu.memory_space<hbm>>
    tpu.enqueue_dma source(%arg12 : memref<200x32xf32, #tpu.memory_space<vmem>>) target(%dma_start3A_775 : memref<200x32xf32, #tpu.memory_space<hbm>>) target_semaphore(%arg36 : memref<!tpu.dma_semaphore, #tpu.memory_space<semaphore_mem>>)
    %dma_wait3A_776 = arith.constant 0 : i32
    %dma_wait3A_777 = arith.constant 0 : i32
    %dma_wait3A_778 = tpu.memref_slice %arg6[%add3A_767, %dma_wait3A_776, %dma_wait3A_777] : memref<1024x200x32xf32, #tpu.memory_space<hbm>> -> memref<1x200x32xf32, #tpu.memory_space<hbm>>
    %dma_wait3A_779 = tpu.memref_squeeze %dma_wait3A_778 : memref<1x200x32xf32, #tpu.memory_space<hbm>> -> memref<200x32xf32, #tpu.memory_space<hbm>>
    %dma_wait3A_780 = arith.constant 0 : i32
    %dma_wait3A_781 = arith.constant 0 : i32
    %dma_wait3A_782 = tpu.memref_slice %arg6[%add3A_767, %dma_wait3A_780, %dma_wait3A_781] : memref<1024x200x32xf32, #tpu.memory_space<hbm>> -> memref<1x200x32xf32, #tpu.memory_space<hbm>>
    %dma_wait3A_783 = tpu.memref_squeeze %dma_wait3A_782 : memref<1x200x32xf32, #tpu.memory_space<hbm>> -> memref<200x32xf32, #tpu.memory_space<hbm>>
    tpu.wait_dma2 semaphore(%arg36 : memref<!tpu.dma_semaphore, #tpu.memory_space<semaphore_mem>>) src(%arg12 : memref<200x32xf32, #tpu.memory_space<vmem>>) dst(%dma_wait3A_783 : memref<200x32xf32, #tpu.memory_space<hbm>>)
    %dma_start3A_784 = arith.constant 26 : i32
    %dma_start3A_785 = arith.constant 0 : i32
    %dma_start3A_786 = tpu.memref_slice %arg7[%dma_start3A_784, %dma_start3A_785] : memref<32x200xi32, #tpu.memory_space<vmem>> -> memref<1x200xi32, #tpu.memory_space<vmem>>
    %dma_start3A_787 = tpu.memref_squeeze %dma_start3A_786 : memref<1x200xi32, #tpu.memory_space<vmem>> -> memref<200xi32, #tpu.memory_space<vmem>>
    %dma_start3A_788 = arith.constant 0 : i32
    %dma_start3A_789 = arith.constant 0 : i32
    %dma_start3A_790 = tpu.memref_slice %arg3[%dma_start3A_788, %dma_start3A_789] : memref<1000000x32xf32, #tpu.memory_space<hbm>> -> memref<1000000x32xf32, #tpu.memory_space<hbm>>
    tpu.enqueue_indirect_dma source(%dma_start3A_790 : memref<1000000x32xf32, #tpu.memory_space<hbm>>) target(%arg12 : memref<200x32xf32, #tpu.memory_space<vmem>>) offsets(%dma_start3A_787 : memref<200xi32, #tpu.memory_space<vmem>>) semaphore(%arg20 : memref<!tpu.dma_semaphore, #tpu.memory_space<semaphore_mem>>)
    %dma_wait3A_791 = arith.constant 20 : i32
    %dma_wait3A_792 = arith.constant 0 : i32
    %dma_wait3A_793 = tpu.memref_slice %arg7[%dma_wait3A_791, %dma_wait3A_792] : memref<32x200xi32, #tpu.memory_space<vmem>> -> memref<1x200xi32, #tpu.memory_space<vmem>>
    %dma_wait3A_794 = tpu.memref_squeeze %dma_wait3A_793 : memref<1x200xi32, #tpu.memory_space<vmem>> -> memref<200xi32, #tpu.memory_space<vmem>>
    %dma_wait3A_795 = arith.constant 0 : i32
    %dma_wait3A_796 = arith.constant 0 : i32
    %dma_wait3A_797 = tpu.memref_slice %arg3[%dma_wait3A_795, %dma_wait3A_796] : memref<1000000x32xf32, #tpu.memory_space<hbm>> -> memref<1000000x32xf32, #tpu.memory_space<hbm>>
    tpu.wait_indirect_dma semaphore(%arg22 : memref<!tpu.dma_semaphore, #tpu.memory_space<semaphore_mem>>) src(%dma_wait3A_797 : memref<1000000x32xf32, #tpu.memory_space<hbm>>) dst(%arg14 : memref<200x32xf32, #tpu.memory_space<vmem>>)
    %dma_start3A_798 = arith.constant 0 : i32
    %dma_start3A_799 = arith.constant 0 : i32
    %dma_start3A_800 = tpu.memref_slice %arg9[%dma_start3A_798, %dma_start3A_799] : memref<200x32xf32, #tpu.memory_space<vmem_shared>> -> memref<200x32xf32, #tpu.memory_space<vmem_shared>>
    tpu.enqueue_indirect_dma source(%dma_start3A_800 : memref<200x32xf32, #tpu.memory_space<vmem_shared>>) target(%arg14 : memref<200x32xf32, #tpu.memory_space<vmem>>) offsets(%arg8 : memref<200xi32, #tpu.memory_space<vmem>>) semaphore(%arg30 : memref<!tpu.dma_semaphore, #tpu.memory_space<semaphore_mem>>) {add = true}
    %dma_wait3A_801 = arith.constant 0 : i32
    %dma_wait3A_802 = arith.constant 0 : i32
    %dma_wait3A_803 = tpu.memref_slice %arg9[%dma_wait3A_801, %dma_wait3A_802] : memref<200x32xf32, #tpu.memory_space<vmem_shared>> -> memref<200x32xf32, #tpu.memory_space<vmem_shared>>
    tpu.wait_indirect_dma semaphore(%arg29 : memref<!tpu.dma_semaphore, #tpu.memory_space<semaphore_mem>>) src(%dma_wait3A_803 : memref<200x32xf32, #tpu.memory_space<vmem_shared>>) dst(%arg13 : memref<200x32xf32, #tpu.memory_space<vmem>>)
    %add3A_804 = arith.constant 19 : i32
    %add3A_805 = arith.addi %mul3A_4, %add3A_804 : i32
    %dma_start3A_806 = arith.constant 0 : i32
    %dma_start3A_807 = arith.constant 0 : i32
    %dma_start3A_808 = tpu.memref_slice %arg6[%add3A_805, %dma_start3A_806, %dma_start3A_807] : memref<1024x200x32xf32, #tpu.memory_space<hbm>> -> memref<1x200x32xf32, #tpu.memory_space<hbm>>
    %dma_start3A_809 = tpu.memref_squeeze %dma_start3A_808 : memref<1x200x32xf32, #tpu.memory_space<hbm>> -> memref<200x32xf32, #tpu.memory_space<hbm>>
    %dma_start3A_810 = arith.constant 0 : i32
    %dma_start3A_811 = arith.constant 0 : i32
    %dma_start3A_812 = tpu.memref_slice %arg6[%add3A_805, %dma_start3A_810, %dma_start3A_811] : memref<1024x200x32xf32, #tpu.memory_space<hbm>> -> memref<1x200x32xf32, #tpu.memory_space<hbm>>
    %dma_start3A_813 = tpu.memref_squeeze %dma_start3A_812 : memref<1x200x32xf32, #tpu.memory_space<hbm>> -> memref<200x32xf32, #tpu.memory_space<hbm>>
    tpu.enqueue_dma source(%arg13 : memref<200x32xf32, #tpu.memory_space<vmem>>) target(%dma_start3A_813 : memref<200x32xf32, #tpu.memory_space<hbm>>) target_semaphore(%arg37 : memref<!tpu.dma_semaphore, #tpu.memory_space<semaphore_mem>>)
    %dma_wait3A_814 = arith.constant 0 : i32
    %dma_wait3A_815 = arith.constant 0 : i32
    %dma_wait3A_816 = tpu.memref_slice %arg6[%add3A_805, %dma_wait3A_814, %dma_wait3A_815] : memref<1024x200x32xf32, #tpu.memory_space<hbm>> -> memref<1x200x32xf32, #tpu.memory_space<hbm>>
    %dma_wait3A_817 = tpu.memref_squeeze %dma_wait3A_816 : memref<1x200x32xf32, #tpu.memory_space<hbm>> -> memref<200x32xf32, #tpu.memory_space<hbm>>
    %dma_wait3A_818 = arith.constant 0 : i32
    %dma_wait3A_819 = arith.constant 0 : i32
    %dma_wait3A_820 = tpu.memref_slice %arg6[%add3A_805, %dma_wait3A_818, %dma_wait3A_819] : memref<1024x200x32xf32, #tpu.memory_space<hbm>> -> memref<1x200x32xf32, #tpu.memory_space<hbm>>
    %dma_wait3A_821 = tpu.memref_squeeze %dma_wait3A_820 : memref<1x200x32xf32, #tpu.memory_space<hbm>> -> memref<200x32xf32, #tpu.memory_space<hbm>>
    tpu.wait_dma2 semaphore(%arg37 : memref<!tpu.dma_semaphore, #tpu.memory_space<semaphore_mem>>) src(%arg13 : memref<200x32xf32, #tpu.memory_space<vmem>>) dst(%dma_wait3A_821 : memref<200x32xf32, #tpu.memory_space<hbm>>)
    %dma_start3A_822 = arith.constant 27 : i32
    %dma_start3A_823 = arith.constant 0 : i32
    %dma_start3A_824 = tpu.memref_slice %arg7[%dma_start3A_822, %dma_start3A_823] : memref<32x200xi32, #tpu.memory_space<vmem>> -> memref<1x200xi32, #tpu.memory_space<vmem>>
    %dma_start3A_825 = tpu.memref_squeeze %dma_start3A_824 : memref<1x200xi32, #tpu.memory_space<vmem>> -> memref<200xi32, #tpu.memory_space<vmem>>
    %dma_start3A_826 = arith.constant 0 : i32
    %dma_start3A_827 = arith.constant 0 : i32
    %dma_start3A_828 = tpu.memref_slice %arg3[%dma_start3A_826, %dma_start3A_827] : memref<1000000x32xf32, #tpu.memory_space<hbm>> -> memref<1000000x32xf32, #tpu.memory_space<hbm>>
    tpu.enqueue_indirect_dma source(%dma_start3A_828 : memref<1000000x32xf32, #tpu.memory_space<hbm>>) target(%arg13 : memref<200x32xf32, #tpu.memory_space<vmem>>) offsets(%dma_start3A_825 : memref<200xi32, #tpu.memory_space<vmem>>) semaphore(%arg21 : memref<!tpu.dma_semaphore, #tpu.memory_space<semaphore_mem>>)
    %dma_wait3A_829 = arith.constant 21 : i32
    %dma_wait3A_830 = arith.constant 0 : i32
    %dma_wait3A_831 = tpu.memref_slice %arg7[%dma_wait3A_829, %dma_wait3A_830] : memref<32x200xi32, #tpu.memory_space<vmem>> -> memref<1x200xi32, #tpu.memory_space<vmem>>
    %dma_wait3A_832 = tpu.memref_squeeze %dma_wait3A_831 : memref<1x200xi32, #tpu.memory_space<vmem>> -> memref<200xi32, #tpu.memory_space<vmem>>
    %dma_wait3A_833 = arith.constant 0 : i32
    %dma_wait3A_834 = arith.constant 0 : i32
    %dma_wait3A_835 = tpu.memref_slice %arg3[%dma_wait3A_833, %dma_wait3A_834] : memref<1000000x32xf32, #tpu.memory_space<hbm>> -> memref<1000000x32xf32, #tpu.memory_space<hbm>>
    tpu.wait_indirect_dma semaphore(%arg23 : memref<!tpu.dma_semaphore, #tpu.memory_space<semaphore_mem>>) src(%dma_wait3A_835 : memref<1000000x32xf32, #tpu.memory_space<hbm>>) dst(%arg15 : memref<200x32xf32, #tpu.memory_space<vmem>>)
    %dma_start3A_836 = arith.constant 0 : i32
    %dma_start3A_837 = arith.constant 0 : i32
    %dma_start3A_838 = tpu.memref_slice %arg9[%dma_start3A_836, %dma_start3A_837] : memref<200x32xf32, #tpu.memory_space<vmem_shared>> -> memref<200x32xf32, #tpu.memory_space<vmem_shared>>
    tpu.enqueue_indirect_dma source(%dma_start3A_838 : memref<200x32xf32, #tpu.memory_space<vmem_shared>>) target(%arg15 : memref<200x32xf32, #tpu.memory_space<vmem>>) offsets(%arg8 : memref<200xi32, #tpu.memory_space<vmem>>) semaphore(%arg31 : memref<!tpu.dma_semaphore, #tpu.memory_space<semaphore_mem>>) {add = true}
    %dma_wait3A_839 = arith.constant 0 : i32
    %dma_wait3A_840 = arith.constant 0 : i32
    %dma_wait3A_841 = tpu.memref_slice %arg9[%dma_wait3A_839, %dma_wait3A_840] : memref<200x32xf32, #tpu.memory_space<vmem_shared>> -> memref<200x32xf32, #tpu.memory_space<vmem_shared>>
    tpu.wait_indirect_dma semaphore(%arg30 : memref<!tpu.dma_semaphore, #tpu.memory_space<semaphore_mem>>) src(%dma_wait3A_841 : memref<200x32xf32, #tpu.memory_space<vmem_shared>>) dst(%arg14 : memref<200x32xf32, #tpu.memory_space<vmem>>)
    %add3A_842 = arith.constant 20 : i32
    %add3A_843 = arith.addi %mul3A_4, %add3A_842 : i32
    %dma_start3A_844 = arith.constant 0 : i32
    %dma_start3A_845 = arith.constant 0 : i32
    %dma_start3A_846 = tpu.memref_slice %arg6[%add3A_843, %dma_start3A_844, %dma_start3A_845] : memref<1024x200x32xf32, #tpu.memory_space<hbm>> -> memref<1x200x32xf32, #tpu.memory_space<hbm>>
    %dma_start3A_847 = tpu.memref_squeeze %dma_start3A_846 : memref<1x200x32xf32, #tpu.memory_space<hbm>> -> memref<200x32xf32, #tpu.memory_space<hbm>>
    %dma_start3A_848 = arith.constant 0 : i32
    %dma_start3A_849 = arith.constant 0 : i32
    %dma_start3A_850 = tpu.memref_slice %arg6[%add3A_843, %dma_start3A_848, %dma_start3A_849] : memref<1024x200x32xf32, #tpu.memory_space<hbm>> -> memref<1x200x32xf32, #tpu.memory_space<hbm>>
    %dma_start3A_851 = tpu.memref_squeeze %dma_start3A_850 : memref<1x200x32xf32, #tpu.memory_space<hbm>> -> memref<200x32xf32, #tpu.memory_space<hbm>>
    tpu.enqueue_dma source(%arg14 : memref<200x32xf32, #tpu.memory_space<vmem>>) target(%dma_start3A_851 : memref<200x32xf32, #tpu.memory_space<hbm>>) target_semaphore(%arg38 : memref<!tpu.dma_semaphore, #tpu.memory_space<semaphore_mem>>)
    %dma_wait3A_852 = arith.constant 0 : i32
    %dma_wait3A_853 = arith.constant 0 : i32
    %dma_wait3A_854 = tpu.memref_slice %arg6[%add3A_843, %dma_wait3A_852, %dma_wait3A_853] : memref<1024x200x32xf32, #tpu.memory_space<hbm>> -> memref<1x200x32xf32, #tpu.memory_space<hbm>>
    %dma_wait3A_855 = tpu.memref_squeeze %dma_wait3A_854 : memref<1x200x32xf32, #tpu.memory_space<hbm>> -> memref<200x32xf32, #tpu.memory_space<hbm>>
    %dma_wait3A_856 = arith.constant 0 : i32
    %dma_wait3A_857 = arith.constant 0 : i32
    %dma_wait3A_858 = tpu.memref_slice %arg6[%add3A_843, %dma_wait3A_856, %dma_wait3A_857] : memref<1024x200x32xf32, #tpu.memory_space<hbm>> -> memref<1x200x32xf32, #tpu.memory_space<hbm>>
    %dma_wait3A_859 = tpu.memref_squeeze %dma_wait3A_858 : memref<1x200x32xf32, #tpu.memory_space<hbm>> -> memref<200x32xf32, #tpu.memory_space<hbm>>
    tpu.wait_dma2 semaphore(%arg38 : memref<!tpu.dma_semaphore, #tpu.memory_space<semaphore_mem>>) src(%arg14 : memref<200x32xf32, #tpu.memory_space<vmem>>) dst(%dma_wait3A_859 : memref<200x32xf32, #tpu.memory_space<hbm>>)
    %dma_start3A_860 = arith.constant 28 : i32
    %dma_start3A_861 = arith.constant 0 : i32
    %dma_start3A_862 = tpu.memref_slice %arg7[%dma_start3A_860, %dma_start3A_861] : memref<32x200xi32, #tpu.memory_space<vmem>> -> memref<1x200xi32, #tpu.memory_space<vmem>>
    %dma_start3A_863 = tpu.memref_squeeze %dma_start3A_862 : memref<1x200xi32, #tpu.memory_space<vmem>> -> memref<200xi32, #tpu.memory_space<vmem>>
    %dma_start3A_864 = arith.constant 0 : i32
    %dma_start3A_865 = arith.constant 0 : i32
    %dma_start3A_866 = tpu.memref_slice %arg3[%dma_start3A_864, %dma_start3A_865] : memref<1000000x32xf32, #tpu.memory_space<hbm>> -> memref<1000000x32xf32, #tpu.memory_space<hbm>>
    tpu.enqueue_indirect_dma source(%dma_start3A_866 : memref<1000000x32xf32, #tpu.memory_space<hbm>>) target(%arg14 : memref<200x32xf32, #tpu.memory_space<vmem>>) offsets(%dma_start3A_863 : memref<200xi32, #tpu.memory_space<vmem>>) semaphore(%arg22 : memref<!tpu.dma_semaphore, #tpu.memory_space<semaphore_mem>>)
    %dma_wait3A_867 = arith.constant 22 : i32
    %dma_wait3A_868 = arith.constant 0 : i32
    %dma_wait3A_869 = tpu.memref_slice %arg7[%dma_wait3A_867, %dma_wait3A_868] : memref<32x200xi32, #tpu.memory_space<vmem>> -> memref<1x200xi32, #tpu.memory_space<vmem>>
    %dma_wait3A_870 = tpu.memref_squeeze %dma_wait3A_869 : memref<1x200xi32, #tpu.memory_space<vmem>> -> memref<200xi32, #tpu.memory_space<vmem>>
    %dma_wait3A_871 = arith.constant 0 : i32
    %dma_wait3A_872 = arith.constant 0 : i32
    %dma_wait3A_873 = tpu.memref_slice %arg3[%dma_wait3A_871, %dma_wait3A_872] : memref<1000000x32xf32, #tpu.memory_space<hbm>> -> memref<1000000x32xf32, #tpu.memory_space<hbm>>
    tpu.wait_indirect_dma semaphore(%arg24 : memref<!tpu.dma_semaphore, #tpu.memory_space<semaphore_mem>>) src(%dma_wait3A_873 : memref<1000000x32xf32, #tpu.memory_space<hbm>>) dst(%arg16 : memref<200x32xf32, #tpu.memory_space<vmem>>)
    %dma_start3A_874 = arith.constant 0 : i32
    %dma_start3A_875 = arith.constant 0 : i32
    %dma_start3A_876 = tpu.memref_slice %arg9[%dma_start3A_874, %dma_start3A_875] : memref<200x32xf32, #tpu.memory_space<vmem_shared>> -> memref<200x32xf32, #tpu.memory_space<vmem_shared>>
    tpu.enqueue_indirect_dma source(%dma_start3A_876 : memref<200x32xf32, #tpu.memory_space<vmem_shared>>) target(%arg16 : memref<200x32xf32, #tpu.memory_space<vmem>>) offsets(%arg8 : memref<200xi32, #tpu.memory_space<vmem>>) semaphore(%arg32 : memref<!tpu.dma_semaphore, #tpu.memory_space<semaphore_mem>>) {add = true}
    %dma_wait3A_877 = arith.constant 0 : i32
    %dma_wait3A_878 = arith.constant 0 : i32
    %dma_wait3A_879 = tpu.memref_slice %arg9[%dma_wait3A_877, %dma_wait3A_878] : memref<200x32xf32, #tpu.memory_space<vmem_shared>> -> memref<200x32xf32, #tpu.memory_space<vmem_shared>>
    tpu.wait_indirect_dma semaphore(%arg31 : memref<!tpu.dma_semaphore, #tpu.memory_space<semaphore_mem>>) src(%dma_wait3A_879 : memref<200x32xf32, #tpu.memory_space<vmem_shared>>) dst(%arg15 : memref<200x32xf32, #tpu.memory_space<vmem>>)
    %add3A_880 = arith.constant 21 : i32
    %add3A_881 = arith.addi %mul3A_4, %add3A_880 : i32
    %dma_start3A_882 = arith.constant 0 : i32
    %dma_start3A_883 = arith.constant 0 : i32
    %dma_start3A_884 = tpu.memref_slice %arg6[%add3A_881, %dma_start3A_882, %dma_start3A_883] : memref<1024x200x32xf32, #tpu.memory_space<hbm>> -> memref<1x200x32xf32, #tpu.memory_space<hbm>>
    %dma_start3A_885 = tpu.memref_squeeze %dma_start3A_884 : memref<1x200x32xf32, #tpu.memory_space<hbm>> -> memref<200x32xf32, #tpu.memory_space<hbm>>
    %dma_start3A_886 = arith.constant 0 : i32
    %dma_start3A_887 = arith.constant 0 : i32
    %dma_start3A_888 = tpu.memref_slice %arg6[%add3A_881, %dma_start3A_886, %dma_start3A_887] : memref<1024x200x32xf32, #tpu.memory_space<hbm>> -> memref<1x200x32xf32, #tpu.memory_space<hbm>>
    %dma_start3A_889 = tpu.memref_squeeze %dma_start3A_888 : memref<1x200x32xf32, #tpu.memory_space<hbm>> -> memref<200x32xf32, #tpu.memory_space<hbm>>
    tpu.enqueue_dma source(%arg15 : memref<200x32xf32, #tpu.memory_space<vmem>>) target(%dma_start3A_889 : memref<200x32xf32, #tpu.memory_space<hbm>>) target_semaphore(%arg39 : memref<!tpu.dma_semaphore, #tpu.memory_space<semaphore_mem>>)
    %dma_wait3A_890 = arith.constant 0 : i32
    %dma_wait3A_891 = arith.constant 0 : i32
    %dma_wait3A_892 = tpu.memref_slice %arg6[%add3A_881, %dma_wait3A_890, %dma_wait3A_891] : memref<1024x200x32xf32, #tpu.memory_space<hbm>> -> memref<1x200x32xf32, #tpu.memory_space<hbm>>
    %dma_wait3A_893 = tpu.memref_squeeze %dma_wait3A_892 : memref<1x200x32xf32, #tpu.memory_space<hbm>> -> memref<200x32xf32, #tpu.memory_space<hbm>>
    %dma_wait3A_894 = arith.constant 0 : i32
    %dma_wait3A_895 = arith.constant 0 : i32
    %dma_wait3A_896 = tpu.memref_slice %arg6[%add3A_881, %dma_wait3A_894, %dma_wait3A_895] : memref<1024x200x32xf32, #tpu.memory_space<hbm>> -> memref<1x200x32xf32, #tpu.memory_space<hbm>>
    %dma_wait3A_897 = tpu.memref_squeeze %dma_wait3A_896 : memref<1x200x32xf32, #tpu.memory_space<hbm>> -> memref<200x32xf32, #tpu.memory_space<hbm>>
    tpu.wait_dma2 semaphore(%arg39 : memref<!tpu.dma_semaphore, #tpu.memory_space<semaphore_mem>>) src(%arg15 : memref<200x32xf32, #tpu.memory_space<vmem>>) dst(%dma_wait3A_897 : memref<200x32xf32, #tpu.memory_space<hbm>>)
    %dma_start3A_898 = arith.constant 29 : i32
    %dma_start3A_899 = arith.constant 0 : i32
    %dma_start3A_900 = tpu.memref_slice %arg7[%dma_start3A_898, %dma_start3A_899] : memref<32x200xi32, #tpu.memory_space<vmem>> -> memref<1x200xi32, #tpu.memory_space<vmem>>
    %dma_start3A_901 = tpu.memref_squeeze %dma_start3A_900 : memref<1x200xi32, #tpu.memory_space<vmem>> -> memref<200xi32, #tpu.memory_space<vmem>>
    %dma_start3A_902 = arith.constant 0 : i32
    %dma_start3A_903 = arith.constant 0 : i32
    %dma_start3A_904 = tpu.memref_slice %arg3[%dma_start3A_902, %dma_start3A_903] : memref<1000000x32xf32, #tpu.memory_space<hbm>> -> memref<1000000x32xf32, #tpu.memory_space<hbm>>
    tpu.enqueue_indirect_dma source(%dma_start3A_904 : memref<1000000x32xf32, #tpu.memory_space<hbm>>) target(%arg15 : memref<200x32xf32, #tpu.memory_space<vmem>>) offsets(%dma_start3A_901 : memref<200xi32, #tpu.memory_space<vmem>>) semaphore(%arg23 : memref<!tpu.dma_semaphore, #tpu.memory_space<semaphore_mem>>)
    %dma_wait3A_905 = arith.constant 23 : i32
    %dma_wait3A_906 = arith.constant 0 : i32
    %dma_wait3A_907 = tpu.memref_slice %arg7[%dma_wait3A_905, %dma_wait3A_906] : memref<32x200xi32, #tpu.memory_space<vmem>> -> memref<1x200xi32, #tpu.memory_space<vmem>>
    %dma_wait3A_908 = tpu.memref_squeeze %dma_wait3A_907 : memref<1x200xi32, #tpu.memory_space<vmem>> -> memref<200xi32, #tpu.memory_space<vmem>>
    %dma_wait3A_909 = arith.constant 0 : i32
    %dma_wait3A_910 = arith.constant 0 : i32
    %dma_wait3A_911 = tpu.memref_slice %arg3[%dma_wait3A_909, %dma_wait3A_910] : memref<1000000x32xf32, #tpu.memory_space<hbm>> -> memref<1000000x32xf32, #tpu.memory_space<hbm>>
    tpu.wait_indirect_dma semaphore(%arg25 : memref<!tpu.dma_semaphore, #tpu.memory_space<semaphore_mem>>) src(%dma_wait3A_911 : memref<1000000x32xf32, #tpu.memory_space<hbm>>) dst(%arg17 : memref<200x32xf32, #tpu.memory_space<vmem>>)
    %dma_start3A_912 = arith.constant 0 : i32
    %dma_start3A_913 = arith.constant 0 : i32
    %dma_start3A_914 = tpu.memref_slice %arg9[%dma_start3A_912, %dma_start3A_913] : memref<200x32xf32, #tpu.memory_space<vmem_shared>> -> memref<200x32xf32, #tpu.memory_space<vmem_shared>>
    tpu.enqueue_indirect_dma source(%dma_start3A_914 : memref<200x32xf32, #tpu.memory_space<vmem_shared>>) target(%arg17 : memref<200x32xf32, #tpu.memory_space<vmem>>) offsets(%arg8 : memref<200xi32, #tpu.memory_space<vmem>>) semaphore(%arg33 : memref<!tpu.dma_semaphore, #tpu.memory_space<semaphore_mem>>) {add = true}
    %dma_wait3A_915 = arith.constant 0 : i32
    %dma_wait3A_916 = arith.constant 0 : i32
    %dma_wait3A_917 = tpu.memref_slice %arg9[%dma_wait3A_915, %dma_wait3A_916] : memref<200x32xf32, #tpu.memory_space<vmem_shared>> -> memref<200x32xf32, #tpu.memory_space<vmem_shared>>
    tpu.wait_indirect_dma semaphore(%arg32 : memref<!tpu.dma_semaphore, #tpu.memory_space<semaphore_mem>>) src(%dma_wait3A_917 : memref<200x32xf32, #tpu.memory_space<vmem_shared>>) dst(%arg16 : memref<200x32xf32, #tpu.memory_space<vmem>>)
    %add3A_918 = arith.constant 22 : i32
    %add3A_919 = arith.addi %mul3A_4, %add3A_918 : i32
    %dma_start3A_920 = arith.constant 0 : i32
    %dma_start3A_921 = arith.constant 0 : i32
    %dma_start3A_922 = tpu.memref_slice %arg6[%add3A_919, %dma_start3A_920, %dma_start3A_921] : memref<1024x200x32xf32, #tpu.memory_space<hbm>> -> memref<1x200x32xf32, #tpu.memory_space<hbm>>
    %dma_start3A_923 = tpu.memref_squeeze %dma_start3A_922 : memref<1x200x32xf32, #tpu.memory_space<hbm>> -> memref<200x32xf32, #tpu.memory_space<hbm>>
    %dma_start3A_924 = arith.constant 0 : i32
    %dma_start3A_925 = arith.constant 0 : i32
    %dma_start3A_926 = tpu.memref_slice %arg6[%add3A_919, %dma_start3A_924, %dma_start3A_925] : memref<1024x200x32xf32, #tpu.memory_space<hbm>> -> memref<1x200x32xf32, #tpu.memory_space<hbm>>
    %dma_start3A_927 = tpu.memref_squeeze %dma_start3A_926 : memref<1x200x32xf32, #tpu.memory_space<hbm>> -> memref<200x32xf32, #tpu.memory_space<hbm>>
    tpu.enqueue_dma source(%arg16 : memref<200x32xf32, #tpu.memory_space<vmem>>) target(%dma_start3A_927 : memref<200x32xf32, #tpu.memory_space<hbm>>) target_semaphore(%arg40 : memref<!tpu.dma_semaphore, #tpu.memory_space<semaphore_mem>>)
    %dma_wait3A_928 = arith.constant 0 : i32
    %dma_wait3A_929 = arith.constant 0 : i32
    %dma_wait3A_930 = tpu.memref_slice %arg6[%add3A_919, %dma_wait3A_928, %dma_wait3A_929] : memref<1024x200x32xf32, #tpu.memory_space<hbm>> -> memref<1x200x32xf32, #tpu.memory_space<hbm>>
    %dma_wait3A_931 = tpu.memref_squeeze %dma_wait3A_930 : memref<1x200x32xf32, #tpu.memory_space<hbm>> -> memref<200x32xf32, #tpu.memory_space<hbm>>
    %dma_wait3A_932 = arith.constant 0 : i32
    %dma_wait3A_933 = arith.constant 0 : i32
    %dma_wait3A_934 = tpu.memref_slice %arg6[%add3A_919, %dma_wait3A_932, %dma_wait3A_933] : memref<1024x200x32xf32, #tpu.memory_space<hbm>> -> memref<1x200x32xf32, #tpu.memory_space<hbm>>
    %dma_wait3A_935 = tpu.memref_squeeze %dma_wait3A_934 : memref<1x200x32xf32, #tpu.memory_space<hbm>> -> memref<200x32xf32, #tpu.memory_space<hbm>>
    tpu.wait_dma2 semaphore(%arg40 : memref<!tpu.dma_semaphore, #tpu.memory_space<semaphore_mem>>) src(%arg16 : memref<200x32xf32, #tpu.memory_space<vmem>>) dst(%dma_wait3A_935 : memref<200x32xf32, #tpu.memory_space<hbm>>)
    %dma_start3A_936 = arith.constant 30 : i32
    %dma_start3A_937 = arith.constant 0 : i32
    %dma_start3A_938 = tpu.memref_slice %arg7[%dma_start3A_936, %dma_start3A_937] : memref<32x200xi32, #tpu.memory_space<vmem>> -> memref<1x200xi32, #tpu.memory_space<vmem>>
    %dma_start3A_939 = tpu.memref_squeeze %dma_start3A_938 : memref<1x200xi32, #tpu.memory_space<vmem>> -> memref<200xi32, #tpu.memory_space<vmem>>
    %dma_start3A_940 = arith.constant 0 : i32
    %dma_start3A_941 = arith.constant 0 : i32
    %dma_start3A_942 = tpu.memref_slice %arg3[%dma_start3A_940, %dma_start3A_941] : memref<1000000x32xf32, #tpu.memory_space<hbm>> -> memref<1000000x32xf32, #tpu.memory_space<hbm>>
    tpu.enqueue_indirect_dma source(%dma_start3A_942 : memref<1000000x32xf32, #tpu.memory_space<hbm>>) target(%arg16 : memref<200x32xf32, #tpu.memory_space<vmem>>) offsets(%dma_start3A_939 : memref<200xi32, #tpu.memory_space<vmem>>) semaphore(%arg24 : memref<!tpu.dma_semaphore, #tpu.memory_space<semaphore_mem>>)
    %dma_wait3A_943 = arith.constant 24 : i32
    %dma_wait3A_944 = arith.constant 0 : i32
    %dma_wait3A_945 = tpu.memref_slice %arg7[%dma_wait3A_943, %dma_wait3A_944] : memref<32x200xi32, #tpu.memory_space<vmem>> -> memref<1x200xi32, #tpu.memory_space<vmem>>
    %dma_wait3A_946 = tpu.memref_squeeze %dma_wait3A_945 : memref<1x200xi32, #tpu.memory_space<vmem>> -> memref<200xi32, #tpu.memory_space<vmem>>
    %dma_wait3A_947 = arith.constant 0 : i32
    %dma_wait3A_948 = arith.constant 0 : i32
    %dma_wait3A_949 = tpu.memref_slice %arg3[%dma_wait3A_947, %dma_wait3A_948] : memref<1000000x32xf32, #tpu.memory_space<hbm>> -> memref<1000000x32xf32, #tpu.memory_space<hbm>>
    tpu.wait_indirect_dma semaphore(%arg18 : memref<!tpu.dma_semaphore, #tpu.memory_space<semaphore_mem>>) src(%dma_wait3A_949 : memref<1000000x32xf32, #tpu.memory_space<hbm>>) dst(%arg10 : memref<200x32xf32, #tpu.memory_space<vmem>>)
    %dma_start3A_950 = arith.constant 0 : i32
    %dma_start3A_951 = arith.constant 0 : i32
    %dma_start3A_952 = tpu.memref_slice %arg9[%dma_start3A_950, %dma_start3A_951] : memref<200x32xf32, #tpu.memory_space<vmem_shared>> -> memref<200x32xf32, #tpu.memory_space<vmem_shared>>
    tpu.enqueue_indirect_dma source(%dma_start3A_952 : memref<200x32xf32, #tpu.memory_space<vmem_shared>>) target(%arg10 : memref<200x32xf32, #tpu.memory_space<vmem>>) offsets(%arg8 : memref<200xi32, #tpu.memory_space<vmem>>) semaphore(%arg26 : memref<!tpu.dma_semaphore, #tpu.memory_space<semaphore_mem>>) {add = true}
    %dma_wait3A_953 = arith.constant 0 : i32
    %dma_wait3A_954 = arith.constant 0 : i32
    %dma_wait3A_955 = tpu.memref_slice %arg9[%dma_wait3A_953, %dma_wait3A_954] : memref<200x32xf32, #tpu.memory_space<vmem_shared>> -> memref<200x32xf32, #tpu.memory_space<vmem_shared>>
    tpu.wait_indirect_dma semaphore(%arg33 : memref<!tpu.dma_semaphore, #tpu.memory_space<semaphore_mem>>) src(%dma_wait3A_955 : memref<200x32xf32, #tpu.memory_space<vmem_shared>>) dst(%arg17 : memref<200x32xf32, #tpu.memory_space<vmem>>)
    %add3A_956 = arith.constant 23 : i32
    %add3A_957 = arith.addi %mul3A_4, %add3A_956 : i32
    %dma_start3A_958 = arith.constant 0 : i32
    %dma_start3A_959 = arith.constant 0 : i32
    %dma_start3A_960 = tpu.memref_slice %arg6[%add3A_957, %dma_start3A_958, %dma_start3A_959] : memref<1024x200x32xf32, #tpu.memory_space<hbm>> -> memref<1x200x32xf32, #tpu.memory_space<hbm>>
    %dma_start3A_961 = tpu.memref_squeeze %dma_start3A_960 : memref<1x200x32xf32, #tpu.memory_space<hbm>> -> memref<200x32xf32, #tpu.memory_space<hbm>>
    %dma_start3A_962 = arith.constant 0 : i32
    %dma_start3A_963 = arith.constant 0 : i32
    %dma_start3A_964 = tpu.memref_slice %arg6[%add3A_957, %dma_start3A_962, %dma_start3A_963] : memref<1024x200x32xf32, #tpu.memory_space<hbm>> -> memref<1x200x32xf32, #tpu.memory_space<hbm>>
    %dma_start3A_965 = tpu.memref_squeeze %dma_start3A_964 : memref<1x200x32xf32, #tpu.memory_space<hbm>> -> memref<200x32xf32, #tpu.memory_space<hbm>>
    tpu.enqueue_dma source(%arg17 : memref<200x32xf32, #tpu.memory_space<vmem>>) target(%dma_start3A_965 : memref<200x32xf32, #tpu.memory_space<hbm>>) target_semaphore(%arg41 : memref<!tpu.dma_semaphore, #tpu.memory_space<semaphore_mem>>)
    %dma_wait3A_966 = arith.constant 0 : i32
    %dma_wait3A_967 = arith.constant 0 : i32
    %dma_wait3A_968 = tpu.memref_slice %arg6[%add3A_957, %dma_wait3A_966, %dma_wait3A_967] : memref<1024x200x32xf32, #tpu.memory_space<hbm>> -> memref<1x200x32xf32, #tpu.memory_space<hbm>>
    %dma_wait3A_969 = tpu.memref_squeeze %dma_wait3A_968 : memref<1x200x32xf32, #tpu.memory_space<hbm>> -> memref<200x32xf32, #tpu.memory_space<hbm>>
    %dma_wait3A_970 = arith.constant 0 : i32
    %dma_wait3A_971 = arith.constant 0 : i32
    %dma_wait3A_972 = tpu.memref_slice %arg6[%add3A_957, %dma_wait3A_970, %dma_wait3A_971] : memref<1024x200x32xf32, #tpu.memory_space<hbm>> -> memref<1x200x32xf32, #tpu.memory_space<hbm>>
    %dma_wait3A_973 = tpu.memref_squeeze %dma_wait3A_972 : memref<1x200x32xf32, #tpu.memory_space<hbm>> -> memref<200x32xf32, #tpu.memory_space<hbm>>
    tpu.wait_dma2 semaphore(%arg41 : memref<!tpu.dma_semaphore, #tpu.memory_space<semaphore_mem>>) src(%arg17 : memref<200x32xf32, #tpu.memory_space<vmem>>) dst(%dma_wait3A_973 : memref<200x32xf32, #tpu.memory_space<hbm>>)
    %dma_start3A_974 = arith.constant 31 : i32
    %dma_start3A_975 = arith.constant 0 : i32
    %dma_start3A_976 = tpu.memref_slice %arg7[%dma_start3A_974, %dma_start3A_975] : memref<32x200xi32, #tpu.memory_space<vmem>> -> memref<1x200xi32, #tpu.memory_space<vmem>>
    %dma_start3A_977 = tpu.memref_squeeze %dma_start3A_976 : memref<1x200xi32, #tpu.memory_space<vmem>> -> memref<200xi32, #tpu.memory_space<vmem>>
    %dma_start3A_978 = arith.constant 0 : i32
    %dma_start3A_979 = arith.constant 0 : i32
    %dma_start3A_980 = tpu.memref_slice %arg3[%dma_start3A_978, %dma_start3A_979] : memref<1000000x32xf32, #tpu.memory_space<hbm>> -> memref<1000000x32xf32, #tpu.memory_space<hbm>>
    tpu.enqueue_indirect_dma source(%dma_start3A_980 : memref<1000000x32xf32, #tpu.memory_space<hbm>>) target(%arg17 : memref<200x32xf32, #tpu.memory_space<vmem>>) offsets(%dma_start3A_977 : memref<200xi32, #tpu.memory_space<vmem>>) semaphore(%arg25 : memref<!tpu.dma_semaphore, #tpu.memory_space<semaphore_mem>>)
    %dma_wait3A_981 = arith.constant 25 : i32
    %dma_wait3A_982 = arith.constant 0 : i32
    %dma_wait3A_983 = tpu.memref_slice %arg7[%dma_wait3A_981, %dma_wait3A_982] : memref<32x200xi32, #tpu.memory_space<vmem>> -> memref<1x200xi32, #tpu.memory_space<vmem>>
    %dma_wait3A_984 = tpu.memref_squeeze %dma_wait3A_983 : memref<1x200xi32, #tpu.memory_space<vmem>> -> memref<200xi32, #tpu.memory_space<vmem>>
    %dma_wait3A_985 = arith.constant 0 : i32
    %dma_wait3A_986 = arith.constant 0 : i32
    %dma_wait3A_987 = tpu.memref_slice %arg3[%dma_wait3A_985, %dma_wait3A_986] : memref<1000000x32xf32, #tpu.memory_space<hbm>> -> memref<1000000x32xf32, #tpu.memory_space<hbm>>
    tpu.wait_indirect_dma semaphore(%arg19 : memref<!tpu.dma_semaphore, #tpu.memory_space<semaphore_mem>>) src(%dma_wait3A_987 : memref<1000000x32xf32, #tpu.memory_space<hbm>>) dst(%arg11 : memref<200x32xf32, #tpu.memory_space<vmem>>)
    %dma_start3A_988 = arith.constant 0 : i32
    %dma_start3A_989 = arith.constant 0 : i32
    %dma_start3A_990 = tpu.memref_slice %arg9[%dma_start3A_988, %dma_start3A_989] : memref<200x32xf32, #tpu.memory_space<vmem_shared>> -> memref<200x32xf32, #tpu.memory_space<vmem_shared>>
    tpu.enqueue_indirect_dma source(%dma_start3A_990 : memref<200x32xf32, #tpu.memory_space<vmem_shared>>) target(%arg11 : memref<200x32xf32, #tpu.memory_space<vmem>>) offsets(%arg8 : memref<200xi32, #tpu.memory_space<vmem>>) semaphore(%arg27 : memref<!tpu.dma_semaphore, #tpu.memory_space<semaphore_mem>>) {add = true}
    %dma_wait3A_991 = arith.constant 0 : i32
    %dma_wait3A_992 = arith.constant 0 : i32
    %dma_wait3A_993 = tpu.memref_slice %arg9[%dma_wait3A_991, %dma_wait3A_992] : memref<200x32xf32, #tpu.memory_space<vmem_shared>> -> memref<200x32xf32, #tpu.memory_space<vmem_shared>>
    tpu.wait_indirect_dma semaphore(%arg26 : memref<!tpu.dma_semaphore, #tpu.memory_space<semaphore_mem>>) src(%dma_wait3A_993 : memref<200x32xf32, #tpu.memory_space<vmem_shared>>) dst(%arg10 : memref<200x32xf32, #tpu.memory_space<vmem>>)
    %add3A_994 = arith.constant 24 : i32
    %add3A_995 = arith.addi %mul3A_4, %add3A_994 : i32
    %dma_start3A_996 = arith.constant 0 : i32
    %dma_start3A_997 = arith.constant 0 : i32
    %dma_start3A_998 = tpu.memref_slice %arg6[%add3A_995, %dma_start3A_996, %dma_start3A_997] : memref<1024x200x32xf32, #tpu.memory_space<hbm>> -> memref<1x200x32xf32, #tpu.memory_space<hbm>>
    %dma_start3A_999 = tpu.memref_squeeze %dma_start3A_998 : memref<1x200x32xf32, #tpu.memory_space<hbm>> -> memref<200x32xf32, #tpu.memory_space<hbm>>
    %dma_start3A_1000 = arith.constant 0 : i32
    %dma_start3A_1001 = arith.constant 0 : i32
    %dma_start3A_1002 = tpu.memref_slice %arg6[%add3A_995, %dma_start3A_1000, %dma_start3A_1001] : memref<1024x200x32xf32, #tpu.memory_space<hbm>> -> memref<1x200x32xf32, #tpu.memory_space<hbm>>
    %dma_start3A_1003 = tpu.memref_squeeze %dma_start3A_1002 : memref<1x200x32xf32, #tpu.memory_space<hbm>> -> memref<200x32xf32, #tpu.memory_space<hbm>>
    tpu.enqueue_dma source(%arg10 : memref<200x32xf32, #tpu.memory_space<vmem>>) target(%dma_start3A_1003 : memref<200x32xf32, #tpu.memory_space<hbm>>) target_semaphore(%arg34 : memref<!tpu.dma_semaphore, #tpu.memory_space<semaphore_mem>>)
    %dma_wait3A_1004 = arith.constant 26 : i32
    %dma_wait3A_1005 = arith.constant 0 : i32
    %dma_wait3A_1006 = tpu.memref_slice %arg7[%dma_wait3A_1004, %dma_wait3A_1005] : memref<32x200xi32, #tpu.memory_space<vmem>> -> memref<1x200xi32, #tpu.memory_space<vmem>>
    %dma_wait3A_1007 = tpu.memref_squeeze %dma_wait3A_1006 : memref<1x200xi32, #tpu.memory_space<vmem>> -> memref<200xi32, #tpu.memory_space<vmem>>
    %dma_wait3A_1008 = arith.constant 0 : i32
    %dma_wait3A_1009 = arith.constant 0 : i32
    %dma_wait3A_1010 = tpu.memref_slice %arg3[%dma_wait3A_1008, %dma_wait3A_1009] : memref<1000000x32xf32, #tpu.memory_space<hbm>> -> memref<1000000x32xf32, #tpu.memory_space<hbm>>
    tpu.wait_indirect_dma semaphore(%arg20 : memref<!tpu.dma_semaphore, #tpu.memory_space<semaphore_mem>>) src(%dma_wait3A_1010 : memref<1000000x32xf32, #tpu.memory_space<hbm>>) dst(%arg12 : memref<200x32xf32, #tpu.memory_space<vmem>>)
    %dma_start3A_1011 = arith.constant 0 : i32
    %dma_start3A_1012 = arith.constant 0 : i32
    %dma_start3A_1013 = tpu.memref_slice %arg9[%dma_start3A_1011, %dma_start3A_1012] : memref<200x32xf32, #tpu.memory_space<vmem_shared>> -> memref<200x32xf32, #tpu.memory_space<vmem_shared>>
    tpu.enqueue_indirect_dma source(%dma_start3A_1013 : memref<200x32xf32, #tpu.memory_space<vmem_shared>>) target(%arg12 : memref<200x32xf32, #tpu.memory_space<vmem>>) offsets(%arg8 : memref<200xi32, #tpu.memory_space<vmem>>) semaphore(%arg28 : memref<!tpu.dma_semaphore, #tpu.memory_space<semaphore_mem>>) {add = true}
    %dma_wait3A_1014 = arith.constant 0 : i32
    %dma_wait3A_1015 = arith.constant 0 : i32
    %dma_wait3A_1016 = tpu.memref_slice %arg9[%dma_wait3A_1014, %dma_wait3A_1015] : memref<200x32xf32, #tpu.memory_space<vmem_shared>> -> memref<200x32xf32, #tpu.memory_space<vmem_shared>>
    tpu.wait_indirect_dma semaphore(%arg27 : memref<!tpu.dma_semaphore, #tpu.memory_space<semaphore_mem>>) src(%dma_wait3A_1016 : memref<200x32xf32, #tpu.memory_space<vmem_shared>>) dst(%arg11 : memref<200x32xf32, #tpu.memory_space<vmem>>)
    %add3A_1017 = arith.constant 25 : i32
    %add3A_1018 = arith.addi %mul3A_4, %add3A_1017 : i32
    %dma_start3A_1019 = arith.constant 0 : i32
    %dma_start3A_1020 = arith.constant 0 : i32
    %dma_start3A_1021 = tpu.memref_slice %arg6[%add3A_1018, %dma_start3A_1019, %dma_start3A_1020] : memref<1024x200x32xf32, #tpu.memory_space<hbm>> -> memref<1x200x32xf32, #tpu.memory_space<hbm>>
    %dma_start3A_1022 = tpu.memref_squeeze %dma_start3A_1021 : memref<1x200x32xf32, #tpu.memory_space<hbm>> -> memref<200x32xf32, #tpu.memory_space<hbm>>
    %dma_start3A_1023 = arith.constant 0 : i32
    %dma_start3A_1024 = arith.constant 0 : i32
    %dma_start3A_1025 = tpu.memref_slice %arg6[%add3A_1018, %dma_start3A_1023, %dma_start3A_1024] : memref<1024x200x32xf32, #tpu.memory_space<hbm>> -> memref<1x200x32xf32, #tpu.memory_space<hbm>>
    %dma_start3A_1026 = tpu.memref_squeeze %dma_start3A_1025 : memref<1x200x32xf32, #tpu.memory_space<hbm>> -> memref<200x32xf32, #tpu.memory_space<hbm>>
    tpu.enqueue_dma source(%arg11 : memref<200x32xf32, #tpu.memory_space<vmem>>) target(%dma_start3A_1026 : memref<200x32xf32, #tpu.memory_space<hbm>>) target_semaphore(%arg35 : memref<!tpu.dma_semaphore, #tpu.memory_space<semaphore_mem>>)
    %dma_wait3A_1027 = arith.constant 27 : i32
    %dma_wait3A_1028 = arith.constant 0 : i32
    %dma_wait3A_1029 = tpu.memref_slice %arg7[%dma_wait3A_1027, %dma_wait3A_1028] : memref<32x200xi32, #tpu.memory_space<vmem>> -> memref<1x200xi32, #tpu.memory_space<vmem>>
    %dma_wait3A_1030 = tpu.memref_squeeze %dma_wait3A_1029 : memref<1x200xi32, #tpu.memory_space<vmem>> -> memref<200xi32, #tpu.memory_space<vmem>>
    %dma_wait3A_1031 = arith.constant 0 : i32
    %dma_wait3A_1032 = arith.constant 0 : i32
    %dma_wait3A_1033 = tpu.memref_slice %arg3[%dma_wait3A_1031, %dma_wait3A_1032] : memref<1000000x32xf32, #tpu.memory_space<hbm>> -> memref<1000000x32xf32, #tpu.memory_space<hbm>>
    tpu.wait_indirect_dma semaphore(%arg21 : memref<!tpu.dma_semaphore, #tpu.memory_space<semaphore_mem>>) src(%dma_wait3A_1033 : memref<1000000x32xf32, #tpu.memory_space<hbm>>) dst(%arg13 : memref<200x32xf32, #tpu.memory_space<vmem>>)
    %dma_start3A_1034 = arith.constant 0 : i32
    %dma_start3A_1035 = arith.constant 0 : i32
    %dma_start3A_1036 = tpu.memref_slice %arg9[%dma_start3A_1034, %dma_start3A_1035] : memref<200x32xf32, #tpu.memory_space<vmem_shared>> -> memref<200x32xf32, #tpu.memory_space<vmem_shared>>
    tpu.enqueue_indirect_dma source(%dma_start3A_1036 : memref<200x32xf32, #tpu.memory_space<vmem_shared>>) target(%arg13 : memref<200x32xf32, #tpu.memory_space<vmem>>) offsets(%arg8 : memref<200xi32, #tpu.memory_space<vmem>>) semaphore(%arg29 : memref<!tpu.dma_semaphore, #tpu.memory_space<semaphore_mem>>) {add = true}
    %dma_wait3A_1037 = arith.constant 0 : i32
    %dma_wait3A_1038 = arith.constant 0 : i32
    %dma_wait3A_1039 = tpu.memref_slice %arg9[%dma_wait3A_1037, %dma_wait3A_1038] : memref<200x32xf32, #tpu.memory_space<vmem_shared>> -> memref<200x32xf32, #tpu.memory_space<vmem_shared>>
    tpu.wait_indirect_dma semaphore(%arg28 : memref<!tpu.dma_semaphore, #tpu.memory_space<semaphore_mem>>) src(%dma_wait3A_1039 : memref<200x32xf32, #tpu.memory_space<vmem_shared>>) dst(%arg12 : memref<200x32xf32, #tpu.memory_space<vmem>>)
    %add3A_1040 = arith.constant 26 : i32
    %add3A_1041 = arith.addi %mul3A_4, %add3A_1040 : i32
    %dma_start3A_1042 = arith.constant 0 : i32
    %dma_start3A_1043 = arith.constant 0 : i32
    %dma_start3A_1044 = tpu.memref_slice %arg6[%add3A_1041, %dma_start3A_1042, %dma_start3A_1043] : memref<1024x200x32xf32, #tpu.memory_space<hbm>> -> memref<1x200x32xf32, #tpu.memory_space<hbm>>
    %dma_start3A_1045 = tpu.memref_squeeze %dma_start3A_1044 : memref<1x200x32xf32, #tpu.memory_space<hbm>> -> memref<200x32xf32, #tpu.memory_space<hbm>>
    %dma_start3A_1046 = arith.constant 0 : i32
    %dma_start3A_1047 = arith.constant 0 : i32
    %dma_start3A_1048 = tpu.memref_slice %arg6[%add3A_1041, %dma_start3A_1046, %dma_start3A_1047] : memref<1024x200x32xf32, #tpu.memory_space<hbm>> -> memref<1x200x32xf32, #tpu.memory_space<hbm>>
    %dma_start3A_1049 = tpu.memref_squeeze %dma_start3A_1048 : memref<1x200x32xf32, #tpu.memory_space<hbm>> -> memref<200x32xf32, #tpu.memory_space<hbm>>
    tpu.enqueue_dma source(%arg12 : memref<200x32xf32, #tpu.memory_space<vmem>>) target(%dma_start3A_1049 : memref<200x32xf32, #tpu.memory_space<hbm>>) target_semaphore(%arg36 : memref<!tpu.dma_semaphore, #tpu.memory_space<semaphore_mem>>)
    %dma_wait3A_1050 = arith.constant 28 : i32
    %dma_wait3A_1051 = arith.constant 0 : i32
    %dma_wait3A_1052 = tpu.memref_slice %arg7[%dma_wait3A_1050, %dma_wait3A_1051] : memref<32x200xi32, #tpu.memory_space<vmem>> -> memref<1x200xi32, #tpu.memory_space<vmem>>
    %dma_wait3A_1053 = tpu.memref_squeeze %dma_wait3A_1052 : memref<1x200xi32, #tpu.memory_space<vmem>> -> memref<200xi32, #tpu.memory_space<vmem>>
    %dma_wait3A_1054 = arith.constant 0 : i32
    %dma_wait3A_1055 = arith.constant 0 : i32
    %dma_wait3A_1056 = tpu.memref_slice %arg3[%dma_wait3A_1054, %dma_wait3A_1055] : memref<1000000x32xf32, #tpu.memory_space<hbm>> -> memref<1000000x32xf32, #tpu.memory_space<hbm>>
    tpu.wait_indirect_dma semaphore(%arg22 : memref<!tpu.dma_semaphore, #tpu.memory_space<semaphore_mem>>) src(%dma_wait3A_1056 : memref<1000000x32xf32, #tpu.memory_space<hbm>>) dst(%arg14 : memref<200x32xf32, #tpu.memory_space<vmem>>)
    %dma_start3A_1057 = arith.constant 0 : i32
    %dma_start3A_1058 = arith.constant 0 : i32
    %dma_start3A_1059 = tpu.memref_slice %arg9[%dma_start3A_1057, %dma_start3A_1058] : memref<200x32xf32, #tpu.memory_space<vmem_shared>> -> memref<200x32xf32, #tpu.memory_space<vmem_shared>>
    tpu.enqueue_indirect_dma source(%dma_start3A_1059 : memref<200x32xf32, #tpu.memory_space<vmem_shared>>) target(%arg14 : memref<200x32xf32, #tpu.memory_space<vmem>>) offsets(%arg8 : memref<200xi32, #tpu.memory_space<vmem>>) semaphore(%arg30 : memref<!tpu.dma_semaphore, #tpu.memory_space<semaphore_mem>>) {add = true}
    %dma_wait3A_1060 = arith.constant 0 : i32
    %dma_wait3A_1061 = arith.constant 0 : i32
    %dma_wait3A_1062 = tpu.memref_slice %arg9[%dma_wait3A_1060, %dma_wait3A_1061] : memref<200x32xf32, #tpu.memory_space<vmem_shared>> -> memref<200x32xf32, #tpu.memory_space<vmem_shared>>
    tpu.wait_indirect_dma semaphore(%arg29 : memref<!tpu.dma_semaphore, #tpu.memory_space<semaphore_mem>>) src(%dma_wait3A_1062 : memref<200x32xf32, #tpu.memory_space<vmem_shared>>) dst(%arg13 : memref<200x32xf32, #tpu.memory_space<vmem>>)
    %add3A_1063 = arith.constant 27 : i32
    %add3A_1064 = arith.addi %mul3A_4, %add3A_1063 : i32
    %dma_start3A_1065 = arith.constant 0 : i32
    %dma_start3A_1066 = arith.constant 0 : i32
    %dma_start3A_1067 = tpu.memref_slice %arg6[%add3A_1064, %dma_start3A_1065, %dma_start3A_1066] : memref<1024x200x32xf32, #tpu.memory_space<hbm>> -> memref<1x200x32xf32, #tpu.memory_space<hbm>>
    %dma_start3A_1068 = tpu.memref_squeeze %dma_start3A_1067 : memref<1x200x32xf32, #tpu.memory_space<hbm>> -> memref<200x32xf32, #tpu.memory_space<hbm>>
    %dma_start3A_1069 = arith.constant 0 : i32
    %dma_start3A_1070 = arith.constant 0 : i32
    %dma_start3A_1071 = tpu.memref_slice %arg6[%add3A_1064, %dma_start3A_1069, %dma_start3A_1070] : memref<1024x200x32xf32, #tpu.memory_space<hbm>> -> memref<1x200x32xf32, #tpu.memory_space<hbm>>
    %dma_start3A_1072 = tpu.memref_squeeze %dma_start3A_1071 : memref<1x200x32xf32, #tpu.memory_space<hbm>> -> memref<200x32xf32, #tpu.memory_space<hbm>>
    tpu.enqueue_dma source(%arg13 : memref<200x32xf32, #tpu.memory_space<vmem>>) target(%dma_start3A_1072 : memref<200x32xf32, #tpu.memory_space<hbm>>) target_semaphore(%arg37 : memref<!tpu.dma_semaphore, #tpu.memory_space<semaphore_mem>>)
    %dma_wait3A_1073 = arith.constant 29 : i32
    %dma_wait3A_1074 = arith.constant 0 : i32
    %dma_wait3A_1075 = tpu.memref_slice %arg7[%dma_wait3A_1073, %dma_wait3A_1074] : memref<32x200xi32, #tpu.memory_space<vmem>> -> memref<1x200xi32, #tpu.memory_space<vmem>>
    %dma_wait3A_1076 = tpu.memref_squeeze %dma_wait3A_1075 : memref<1x200xi32, #tpu.memory_space<vmem>> -> memref<200xi32, #tpu.memory_space<vmem>>
    %dma_wait3A_1077 = arith.constant 0 : i32
    %dma_wait3A_1078 = arith.constant 0 : i32
    %dma_wait3A_1079 = tpu.memref_slice %arg3[%dma_wait3A_1077, %dma_wait3A_1078] : memref<1000000x32xf32, #tpu.memory_space<hbm>> -> memref<1000000x32xf32, #tpu.memory_space<hbm>>
    tpu.wait_indirect_dma semaphore(%arg23 : memref<!tpu.dma_semaphore, #tpu.memory_space<semaphore_mem>>) src(%dma_wait3A_1079 : memref<1000000x32xf32, #tpu.memory_space<hbm>>) dst(%arg15 : memref<200x32xf32, #tpu.memory_space<vmem>>)
    %dma_start3A_1080 = arith.constant 0 : i32
    %dma_start3A_1081 = arith.constant 0 : i32
    %dma_start3A_1082 = tpu.memref_slice %arg9[%dma_start3A_1080, %dma_start3A_1081] : memref<200x32xf32, #tpu.memory_space<vmem_shared>> -> memref<200x32xf32, #tpu.memory_space<vmem_shared>>
    tpu.enqueue_indirect_dma source(%dma_start3A_1082 : memref<200x32xf32, #tpu.memory_space<vmem_shared>>) target(%arg15 : memref<200x32xf32, #tpu.memory_space<vmem>>) offsets(%arg8 : memref<200xi32, #tpu.memory_space<vmem>>) semaphore(%arg31 : memref<!tpu.dma_semaphore, #tpu.memory_space<semaphore_mem>>) {add = true}
    %dma_wait3A_1083 = arith.constant 0 : i32
    %dma_wait3A_1084 = arith.constant 0 : i32
    %dma_wait3A_1085 = tpu.memref_slice %arg9[%dma_wait3A_1083, %dma_wait3A_1084] : memref<200x32xf32, #tpu.memory_space<vmem_shared>> -> memref<200x32xf32, #tpu.memory_space<vmem_shared>>
    tpu.wait_indirect_dma semaphore(%arg30 : memref<!tpu.dma_semaphore, #tpu.memory_space<semaphore_mem>>) src(%dma_wait3A_1085 : memref<200x32xf32, #tpu.memory_space<vmem_shared>>) dst(%arg14 : memref<200x32xf32, #tpu.memory_space<vmem>>)
    %add3A_1086 = arith.constant 28 : i32
    %add3A_1087 = arith.addi %mul3A_4, %add3A_1086 : i32
    %dma_start3A_1088 = arith.constant 0 : i32
    %dma_start3A_1089 = arith.constant 0 : i32
    %dma_start3A_1090 = tpu.memref_slice %arg6[%add3A_1087, %dma_start3A_1088, %dma_start3A_1089] : memref<1024x200x32xf32, #tpu.memory_space<hbm>> -> memref<1x200x32xf32, #tpu.memory_space<hbm>>
    %dma_start3A_1091 = tpu.memref_squeeze %dma_start3A_1090 : memref<1x200x32xf32, #tpu.memory_space<hbm>> -> memref<200x32xf32, #tpu.memory_space<hbm>>
    %dma_start3A_1092 = arith.constant 0 : i32
    %dma_start3A_1093 = arith.constant 0 : i32
    %dma_start3A_1094 = tpu.memref_slice %arg6[%add3A_1087, %dma_start3A_1092, %dma_start3A_1093] : memref<1024x200x32xf32, #tpu.memory_space<hbm>> -> memref<1x200x32xf32, #tpu.memory_space<hbm>>
    %dma_start3A_1095 = tpu.memref_squeeze %dma_start3A_1094 : memref<1x200x32xf32, #tpu.memory_space<hbm>> -> memref<200x32xf32, #tpu.memory_space<hbm>>
    tpu.enqueue_dma source(%arg14 : memref<200x32xf32, #tpu.memory_space<vmem>>) target(%dma_start3A_1095 : memref<200x32xf32, #tpu.memory_space<hbm>>) target_semaphore(%arg38 : memref<!tpu.dma_semaphore, #tpu.memory_space<semaphore_mem>>)
    %dma_wait3A_1096 = arith.constant 30 : i32
    %dma_wait3A_1097 = arith.constant 0 : i32
    %dma_wait3A_1098 = tpu.memref_slice %arg7[%dma_wait3A_1096, %dma_wait3A_1097] : memref<32x200xi32, #tpu.memory_space<vmem>> -> memref<1x200xi32, #tpu.memory_space<vmem>>
    %dma_wait3A_1099 = tpu.memref_squeeze %dma_wait3A_1098 : memref<1x200xi32, #tpu.memory_space<vmem>> -> memref<200xi32, #tpu.memory_space<vmem>>
    %dma_wait3A_1100 = arith.constant 0 : i32
    %dma_wait3A_1101 = arith.constant 0 : i32
    %dma_wait3A_1102 = tpu.memref_slice %arg3[%dma_wait3A_1100, %dma_wait3A_1101] : memref<1000000x32xf32, #tpu.memory_space<hbm>> -> memref<1000000x32xf32, #tpu.memory_space<hbm>>
    tpu.wait_indirect_dma semaphore(%arg24 : memref<!tpu.dma_semaphore, #tpu.memory_space<semaphore_mem>>) src(%dma_wait3A_1102 : memref<1000000x32xf32, #tpu.memory_space<hbm>>) dst(%arg16 : memref<200x32xf32, #tpu.memory_space<vmem>>)
    %dma_start3A_1103 = arith.constant 0 : i32
    %dma_start3A_1104 = arith.constant 0 : i32
    %dma_start3A_1105 = tpu.memref_slice %arg9[%dma_start3A_1103, %dma_start3A_1104] : memref<200x32xf32, #tpu.memory_space<vmem_shared>> -> memref<200x32xf32, #tpu.memory_space<vmem_shared>>
    tpu.enqueue_indirect_dma source(%dma_start3A_1105 : memref<200x32xf32, #tpu.memory_space<vmem_shared>>) target(%arg16 : memref<200x32xf32, #tpu.memory_space<vmem>>) offsets(%arg8 : memref<200xi32, #tpu.memory_space<vmem>>) semaphore(%arg32 : memref<!tpu.dma_semaphore, #tpu.memory_space<semaphore_mem>>) {add = true}
    %dma_wait3A_1106 = arith.constant 0 : i32
    %dma_wait3A_1107 = arith.constant 0 : i32
    %dma_wait3A_1108 = tpu.memref_slice %arg9[%dma_wait3A_1106, %dma_wait3A_1107] : memref<200x32xf32, #tpu.memory_space<vmem_shared>> -> memref<200x32xf32, #tpu.memory_space<vmem_shared>>
    tpu.wait_indirect_dma semaphore(%arg31 : memref<!tpu.dma_semaphore, #tpu.memory_space<semaphore_mem>>) src(%dma_wait3A_1108 : memref<200x32xf32, #tpu.memory_space<vmem_shared>>) dst(%arg15 : memref<200x32xf32, #tpu.memory_space<vmem>>)
    %add3A_1109 = arith.constant 29 : i32
    %add3A_1110 = arith.addi %mul3A_4, %add3A_1109 : i32
    %dma_start3A_1111 = arith.constant 0 : i32
    %dma_start3A_1112 = arith.constant 0 : i32
    %dma_start3A_1113 = tpu.memref_slice %arg6[%add3A_1110, %dma_start3A_1111, %dma_start3A_1112] : memref<1024x200x32xf32, #tpu.memory_space<hbm>> -> memref<1x200x32xf32, #tpu.memory_space<hbm>>
    %dma_start3A_1114 = tpu.memref_squeeze %dma_start3A_1113 : memref<1x200x32xf32, #tpu.memory_space<hbm>> -> memref<200x32xf32, #tpu.memory_space<hbm>>
    %dma_start3A_1115 = arith.constant 0 : i32
    %dma_start3A_1116 = arith.constant 0 : i32
    %dma_start3A_1117 = tpu.memref_slice %arg6[%add3A_1110, %dma_start3A_1115, %dma_start3A_1116] : memref<1024x200x32xf32, #tpu.memory_space<hbm>> -> memref<1x200x32xf32, #tpu.memory_space<hbm>>
    %dma_start3A_1118 = tpu.memref_squeeze %dma_start3A_1117 : memref<1x200x32xf32, #tpu.memory_space<hbm>> -> memref<200x32xf32, #tpu.memory_space<hbm>>
    tpu.enqueue_dma source(%arg15 : memref<200x32xf32, #tpu.memory_space<vmem>>) target(%dma_start3A_1118 : memref<200x32xf32, #tpu.memory_space<hbm>>) target_semaphore(%arg39 : memref<!tpu.dma_semaphore, #tpu.memory_space<semaphore_mem>>)
    %dma_wait3A_1119 = arith.constant 31 : i32
    %dma_wait3A_1120 = arith.constant 0 : i32
    %dma_wait3A_1121 = tpu.memref_slice %arg7[%dma_wait3A_1119, %dma_wait3A_1120] : memref<32x200xi32, #tpu.memory_space<vmem>> -> memref<1x200xi32, #tpu.memory_space<vmem>>
    %dma_wait3A_1122 = tpu.memref_squeeze %dma_wait3A_1121 : memref<1x200xi32, #tpu.memory_space<vmem>> -> memref<200xi32, #tpu.memory_space<vmem>>
    %dma_wait3A_1123 = arith.constant 0 : i32
    %dma_wait3A_1124 = arith.constant 0 : i32
    %dma_wait3A_1125 = tpu.memref_slice %arg3[%dma_wait3A_1123, %dma_wait3A_1124] : memref<1000000x32xf32, #tpu.memory_space<hbm>> -> memref<1000000x32xf32, #tpu.memory_space<hbm>>
    tpu.wait_indirect_dma semaphore(%arg25 : memref<!tpu.dma_semaphore, #tpu.memory_space<semaphore_mem>>) src(%dma_wait3A_1125 : memref<1000000x32xf32, #tpu.memory_space<hbm>>) dst(%arg17 : memref<200x32xf32, #tpu.memory_space<vmem>>)
    %dma_start3A_1126 = arith.constant 0 : i32
    %dma_start3A_1127 = arith.constant 0 : i32
    %dma_start3A_1128 = tpu.memref_slice %arg9[%dma_start3A_1126, %dma_start3A_1127] : memref<200x32xf32, #tpu.memory_space<vmem_shared>> -> memref<200x32xf32, #tpu.memory_space<vmem_shared>>
    tpu.enqueue_indirect_dma source(%dma_start3A_1128 : memref<200x32xf32, #tpu.memory_space<vmem_shared>>) target(%arg17 : memref<200x32xf32, #tpu.memory_space<vmem>>) offsets(%arg8 : memref<200xi32, #tpu.memory_space<vmem>>) semaphore(%arg33 : memref<!tpu.dma_semaphore, #tpu.memory_space<semaphore_mem>>) {add = true}
    %dma_wait3A_1129 = arith.constant 0 : i32
    %dma_wait3A_1130 = arith.constant 0 : i32
    %dma_wait3A_1131 = tpu.memref_slice %arg9[%dma_wait3A_1129, %dma_wait3A_1130] : memref<200x32xf32, #tpu.memory_space<vmem_shared>> -> memref<200x32xf32, #tpu.memory_space<vmem_shared>>
    tpu.wait_indirect_dma semaphore(%arg32 : memref<!tpu.dma_semaphore, #tpu.memory_space<semaphore_mem>>) src(%dma_wait3A_1131 : memref<200x32xf32, #tpu.memory_space<vmem_shared>>) dst(%arg16 : memref<200x32xf32, #tpu.memory_space<vmem>>)
    %add3A_1132 = arith.constant 30 : i32
    %add3A_1133 = arith.addi %mul3A_4, %add3A_1132 : i32
    %dma_start3A_1134 = arith.constant 0 : i32
    %dma_start3A_1135 = arith.constant 0 : i32
    %dma_start3A_1136 = tpu.memref_slice %arg6[%add3A_1133, %dma_start3A_1134, %dma_start3A_1135] : memref<1024x200x32xf32, #tpu.memory_space<hbm>> -> memref<1x200x32xf32, #tpu.memory_space<hbm>>
    %dma_start3A_1137 = tpu.memref_squeeze %dma_start3A_1136 : memref<1x200x32xf32, #tpu.memory_space<hbm>> -> memref<200x32xf32, #tpu.memory_space<hbm>>
    %dma_start3A_1138 = arith.constant 0 : i32
    %dma_start3A_1139 = arith.constant 0 : i32
    %dma_start3A_1140 = tpu.memref_slice %arg6[%add3A_1133, %dma_start3A_1138, %dma_start3A_1139] : memref<1024x200x32xf32, #tpu.memory_space<hbm>> -> memref<1x200x32xf32, #tpu.memory_space<hbm>>
    %dma_start3A_1141 = tpu.memref_squeeze %dma_start3A_1140 : memref<1x200x32xf32, #tpu.memory_space<hbm>> -> memref<200x32xf32, #tpu.memory_space<hbm>>
    tpu.enqueue_dma source(%arg16 : memref<200x32xf32, #tpu.memory_space<vmem>>) target(%dma_start3A_1141 : memref<200x32xf32, #tpu.memory_space<hbm>>) target_semaphore(%arg40 : memref<!tpu.dma_semaphore, #tpu.memory_space<semaphore_mem>>)
    %dma_wait3A_1142 = arith.constant 0 : i32
    %dma_wait3A_1143 = arith.constant 0 : i32
    %dma_wait3A_1144 = tpu.memref_slice %arg9[%dma_wait3A_1142, %dma_wait3A_1143] : memref<200x32xf32, #tpu.memory_space<vmem_shared>> -> memref<200x32xf32, #tpu.memory_space<vmem_shared>>
    tpu.wait_indirect_dma semaphore(%arg33 : memref<!tpu.dma_semaphore, #tpu.memory_space<semaphore_mem>>) src(%dma_wait3A_1144 : memref<200x32xf32, #tpu.memory_space<vmem_shared>>) dst(%arg17 : memref<200x32xf32, #tpu.memory_space<vmem>>)
    %add3A_1145 = arith.constant 31 : i32
    %add3A_1146 = arith.addi %mul3A_4, %add3A_1145 : i32
    %dma_start3A_1147 = arith.constant 0 : i32
    %dma_start3A_1148 = arith.constant 0 : i32
    %dma_start3A_1149 = tpu.memref_slice %arg6[%add3A_1146, %dma_start3A_1147, %dma_start3A_1148] : memref<1024x200x32xf32, #tpu.memory_space<hbm>> -> memref<1x200x32xf32, #tpu.memory_space<hbm>>
    %dma_start3A_1150 = tpu.memref_squeeze %dma_start3A_1149 : memref<1x200x32xf32, #tpu.memory_space<hbm>> -> memref<200x32xf32, #tpu.memory_space<hbm>>
    %dma_start3A_1151 = arith.constant 0 : i32
    %dma_start3A_1152 = arith.constant 0 : i32
    %dma_start3A_1153 = tpu.memref_slice %arg6[%add3A_1146, %dma_start3A_1151, %dma_start3A_1152] : memref<1024x200x32xf32, #tpu.memory_space<hbm>> -> memref<1x200x32xf32, #tpu.memory_space<hbm>>
    %dma_start3A_1154 = tpu.memref_squeeze %dma_start3A_1153 : memref<1x200x32xf32, #tpu.memory_space<hbm>> -> memref<200x32xf32, #tpu.memory_space<hbm>>
    tpu.enqueue_dma source(%arg17 : memref<200x32xf32, #tpu.memory_space<vmem>>) target(%dma_start3A_1154 : memref<200x32xf32, #tpu.memory_space<hbm>>) target_semaphore(%arg41 : memref<!tpu.dma_semaphore, #tpu.memory_space<semaphore_mem>>)
    %dma_wait3A_1155 = arith.constant 0 : i32
    %dma_wait3A_1156 = arith.constant 0 : i32
    %dma_wait3A_1157 = tpu.memref_slice %arg6[%add3A_995, %dma_wait3A_1155, %dma_wait3A_1156] : memref<1024x200x32xf32, #tpu.memory_space<hbm>> -> memref<1x200x32xf32, #tpu.memory_space<hbm>>
    %dma_wait3A_1158 = tpu.memref_squeeze %dma_wait3A_1157 : memref<1x200x32xf32, #tpu.memory_space<hbm>> -> memref<200x32xf32, #tpu.memory_space<hbm>>
    %dma_wait3A_1159 = arith.constant 0 : i32
    %dma_wait3A_1160 = arith.constant 0 : i32
    %dma_wait3A_1161 = tpu.memref_slice %arg6[%add3A_995, %dma_wait3A_1159, %dma_wait3A_1160] : memref<1024x200x32xf32, #tpu.memory_space<hbm>> -> memref<1x200x32xf32, #tpu.memory_space<hbm>>
    %dma_wait3A_1162 = tpu.memref_squeeze %dma_wait3A_1161 : memref<1x200x32xf32, #tpu.memory_space<hbm>> -> memref<200x32xf32, #tpu.memory_space<hbm>>
    tpu.wait_dma2 semaphore(%arg34 : memref<!tpu.dma_semaphore, #tpu.memory_space<semaphore_mem>>) src(%arg10 : memref<200x32xf32, #tpu.memory_space<vmem>>) dst(%dma_wait3A_1162 : memref<200x32xf32, #tpu.memory_space<hbm>>)
    %dma_wait3A_1163 = arith.constant 0 : i32
    %dma_wait3A_1164 = arith.constant 0 : i32
    %dma_wait3A_1165 = tpu.memref_slice %arg6[%add3A_1018, %dma_wait3A_1163, %dma_wait3A_1164] : memref<1024x200x32xf32, #tpu.memory_space<hbm>> -> memref<1x200x32xf32, #tpu.memory_space<hbm>>
    %dma_wait3A_1166 = tpu.memref_squeeze %dma_wait3A_1165 : memref<1x200x32xf32, #tpu.memory_space<hbm>> -> memref<200x32xf32, #tpu.memory_space<hbm>>
    %dma_wait3A_1167 = arith.constant 0 : i32
    %dma_wait3A_1168 = arith.constant 0 : i32
    %dma_wait3A_1169 = tpu.memref_slice %arg6[%add3A_1018, %dma_wait3A_1167, %dma_wait3A_1168] : memref<1024x200x32xf32, #tpu.memory_space<hbm>> -> memref<1x200x32xf32, #tpu.memory_space<hbm>>
    %dma_wait3A_1170 = tpu.memref_squeeze %dma_wait3A_1169 : memref<1x200x32xf32, #tpu.memory_space<hbm>> -> memref<200x32xf32, #tpu.memory_space<hbm>>
    tpu.wait_dma2 semaphore(%arg35 : memref<!tpu.dma_semaphore, #tpu.memory_space<semaphore_mem>>) src(%arg11 : memref<200x32xf32, #tpu.memory_space<vmem>>) dst(%dma_wait3A_1170 : memref<200x32xf32, #tpu.memory_space<hbm>>)
    %dma_wait3A_1171 = arith.constant 0 : i32
    %dma_wait3A_1172 = arith.constant 0 : i32
    %dma_wait3A_1173 = tpu.memref_slice %arg6[%add3A_1041, %dma_wait3A_1171, %dma_wait3A_1172] : memref<1024x200x32xf32, #tpu.memory_space<hbm>> -> memref<1x200x32xf32, #tpu.memory_space<hbm>>
    %dma_wait3A_1174 = tpu.memref_squeeze %dma_wait3A_1173 : memref<1x200x32xf32, #tpu.memory_space<hbm>> -> memref<200x32xf32, #tpu.memory_space<hbm>>
    %dma_wait3A_1175 = arith.constant 0 : i32
    %dma_wait3A_1176 = arith.constant 0 : i32
    %dma_wait3A_1177 = tpu.memref_slice %arg6[%add3A_1041, %dma_wait3A_1175, %dma_wait3A_1176] : memref<1024x200x32xf32, #tpu.memory_space<hbm>> -> memref<1x200x32xf32, #tpu.memory_space<hbm>>
    %dma_wait3A_1178 = tpu.memref_squeeze %dma_wait3A_1177 : memref<1x200x32xf32, #tpu.memory_space<hbm>> -> memref<200x32xf32, #tpu.memory_space<hbm>>
    tpu.wait_dma2 semaphore(%arg36 : memref<!tpu.dma_semaphore, #tpu.memory_space<semaphore_mem>>) src(%arg12 : memref<200x32xf32, #tpu.memory_space<vmem>>) dst(%dma_wait3A_1178 : memref<200x32xf32, #tpu.memory_space<hbm>>)
    %dma_wait3A_1179 = arith.constant 0 : i32
    %dma_wait3A_1180 = arith.constant 0 : i32
    %dma_wait3A_1181 = tpu.memref_slice %arg6[%add3A_1064, %dma_wait3A_1179, %dma_wait3A_1180] : memref<1024x200x32xf32, #tpu.memory_space<hbm>> -> memref<1x200x32xf32, #tpu.memory_space<hbm>>
    %dma_wait3A_1182 = tpu.memref_squeeze %dma_wait3A_1181 : memref<1x200x32xf32, #tpu.memory_space<hbm>> -> memref<200x32xf32, #tpu.memory_space<hbm>>
    %dma_wait3A_1183 = arith.constant 0 : i32
    %dma_wait3A_1184 = arith.constant 0 : i32
    %dma_wait3A_1185 = tpu.memref_slice %arg6[%add3A_1064, %dma_wait3A_1183, %dma_wait3A_1184] : memref<1024x200x32xf32, #tpu.memory_space<hbm>> -> memref<1x200x32xf32, #tpu.memory_space<hbm>>
    %dma_wait3A_1186 = tpu.memref_squeeze %dma_wait3A_1185 : memref<1x200x32xf32, #tpu.memory_space<hbm>> -> memref<200x32xf32, #tpu.memory_space<hbm>>
    tpu.wait_dma2 semaphore(%arg37 : memref<!tpu.dma_semaphore, #tpu.memory_space<semaphore_mem>>) src(%arg13 : memref<200x32xf32, #tpu.memory_space<vmem>>) dst(%dma_wait3A_1186 : memref<200x32xf32, #tpu.memory_space<hbm>>)
    %dma_wait3A_1187 = arith.constant 0 : i32
    %dma_wait3A_1188 = arith.constant 0 : i32
    %dma_wait3A_1189 = tpu.memref_slice %arg6[%add3A_1087, %dma_wait3A_1187, %dma_wait3A_1188] : memref<1024x200x32xf32, #tpu.memory_space<hbm>> -> memref<1x200x32xf32, #tpu.memory_space<hbm>>
    %dma_wait3A_1190 = tpu.memref_squeeze %dma_wait3A_1189 : memref<1x200x32xf32, #tpu.memory_space<hbm>> -> memref<200x32xf32, #tpu.memory_space<hbm>>
    %dma_wait3A_1191 = arith.constant 0 : i32
    %dma_wait3A_1192 = arith.constant 0 : i32
    %dma_wait3A_1193 = tpu.memref_slice %arg6[%add3A_1087, %dma_wait3A_1191, %dma_wait3A_1192] : memref<1024x200x32xf32, #tpu.memory_space<hbm>> -> memref<1x200x32xf32, #tpu.memory_space<hbm>>
    %dma_wait3A_1194 = tpu.memref_squeeze %dma_wait3A_1193 : memref<1x200x32xf32, #tpu.memory_space<hbm>> -> memref<200x32xf32, #tpu.memory_space<hbm>>
    tpu.wait_dma2 semaphore(%arg38 : memref<!tpu.dma_semaphore, #tpu.memory_space<semaphore_mem>>) src(%arg14 : memref<200x32xf32, #tpu.memory_space<vmem>>) dst(%dma_wait3A_1194 : memref<200x32xf32, #tpu.memory_space<hbm>>)
    %dma_wait3A_1195 = arith.constant 0 : i32
    %dma_wait3A_1196 = arith.constant 0 : i32
    %dma_wait3A_1197 = tpu.memref_slice %arg6[%add3A_1110, %dma_wait3A_1195, %dma_wait3A_1196] : memref<1024x200x32xf32, #tpu.memory_space<hbm>> -> memref<1x200x32xf32, #tpu.memory_space<hbm>>
    %dma_wait3A_1198 = tpu.memref_squeeze %dma_wait3A_1197 : memref<1x200x32xf32, #tpu.memory_space<hbm>> -> memref<200x32xf32, #tpu.memory_space<hbm>>
    %dma_wait3A_1199 = arith.constant 0 : i32
    %dma_wait3A_1200 = arith.constant 0 : i32
    %dma_wait3A_1201 = tpu.memref_slice %arg6[%add3A_1110, %dma_wait3A_1199, %dma_wait3A_1200] : memref<1024x200x32xf32, #tpu.memory_space<hbm>> -> memref<1x200x32xf32, #tpu.memory_space<hbm>>
    %dma_wait3A_1202 = tpu.memref_squeeze %dma_wait3A_1201 : memref<1x200x32xf32, #tpu.memory_space<hbm>> -> memref<200x32xf32, #tpu.memory_space<hbm>>
    tpu.wait_dma2 semaphore(%arg39 : memref<!tpu.dma_semaphore, #tpu.memory_space<semaphore_mem>>) src(%arg15 : memref<200x32xf32, #tpu.memory_space<vmem>>) dst(%dma_wait3A_1202 : memref<200x32xf32, #tpu.memory_space<hbm>>)
    %dma_wait3A_1203 = arith.constant 0 : i32
    %dma_wait3A_1204 = arith.constant 0 : i32
    %dma_wait3A_1205 = tpu.memref_slice %arg6[%add3A_1133, %dma_wait3A_1203, %dma_wait3A_1204] : memref<1024x200x32xf32, #tpu.memory_space<hbm>> -> memref<1x200x32xf32, #tpu.memory_space<hbm>>
    %dma_wait3A_1206 = tpu.memref_squeeze %dma_wait3A_1205 : memref<1x200x32xf32, #tpu.memory_space<hbm>> -> memref<200x32xf32, #tpu.memory_space<hbm>>
    %dma_wait3A_1207 = arith.constant 0 : i32
    %dma_wait3A_1208 = arith.constant 0 : i32
    %dma_wait3A_1209 = tpu.memref_slice %arg6[%add3A_1133, %dma_wait3A_1207, %dma_wait3A_1208] : memref<1024x200x32xf32, #tpu.memory_space<hbm>> -> memref<1x200x32xf32, #tpu.memory_space<hbm>>
    %dma_wait3A_1210 = tpu.memref_squeeze %dma_wait3A_1209 : memref<1x200x32xf32, #tpu.memory_space<hbm>> -> memref<200x32xf32, #tpu.memory_space<hbm>>
    tpu.wait_dma2 semaphore(%arg40 : memref<!tpu.dma_semaphore, #tpu.memory_space<semaphore_mem>>) src(%arg16 : memref<200x32xf32, #tpu.memory_space<vmem>>) dst(%dma_wait3A_1210 : memref<200x32xf32, #tpu.memory_space<hbm>>)
    %dma_wait3A_1211 = arith.constant 0 : i32
    %dma_wait3A_1212 = arith.constant 0 : i32
    %dma_wait3A_1213 = tpu.memref_slice %arg6[%add3A_1146, %dma_wait3A_1211, %dma_wait3A_1212] : memref<1024x200x32xf32, #tpu.memory_space<hbm>> -> memref<1x200x32xf32, #tpu.memory_space<hbm>>
    %dma_wait3A_1214 = tpu.memref_squeeze %dma_wait3A_1213 : memref<1x200x32xf32, #tpu.memory_space<hbm>> -> memref<200x32xf32, #tpu.memory_space<hbm>>
    %dma_wait3A_1215 = arith.constant 0 : i32
    %dma_wait3A_1216 = arith.constant 0 : i32
    %dma_wait3A_1217 = tpu.memref_slice %arg6[%add3A_1146, %dma_wait3A_1215, %dma_wait3A_1216] : memref<1024x200x32xf32, #tpu.memory_space<hbm>> -> memref<1x200x32xf32, #tpu.memory_space<hbm>>
    %dma_wait3A_1218 = tpu.memref_squeeze %dma_wait3A_1217 : memref<1x200x32xf32, #tpu.memory_space<hbm>> -> memref<200x32xf32, #tpu.memory_space<hbm>>
    tpu.wait_dma2 semaphore(%arg41 : memref<!tpu.dma_semaphore, #tpu.memory_space<semaphore_mem>>) src(%arg17 : memref<200x32xf32, #tpu.memory_space<vmem>>) dst(%dma_wait3A_1218 : memref<200x32xf32, #tpu.memory_space<hbm>>)
    return
  }
}

</mosaic_0001>

<sc_bundles>
// kernel: kernel.3.cloned.1.call-start
scs
__scs_entry_jumppad:
0x0: {  	(pc) =	sbr.rel $0x88, $3  }
0x1: {  	(tag) =	ssettag $0x0;
	lr =	simm.s32 $0x1  }
0x2: {  	[smem:$0x3F9E] =	sst lr;
	_ =	strace $0xD0000000  }
0x3: {  	_ = 	snop  }
0x4: {  	_ = 	snop  }
0x5: {  	_ = 	snop  }
0x6: {  	_ = 	snop  }
0x7: {  	_ = 	snop  }
__scs_overlays_trampoline_lowered:
0x8: {  	[smem:$0x3FAD] =	sst s0  }
0x9: {  	[smem:$0x3FAE] =	sst s1  }
0xa: {  	[smem:$0x3FAF] =	sst s2  }
0xb: {  	[smem:$0x3FB0] =	sst s3  }
0xc: {  	[smem:$0x3FB1] =	sst s4  }
0xd: {  	[smem:$0x3FB2] =	sst s5  }
0xe: {  	[smem:$0x3FB3] =	sst s6  }
0xf: {  	[smem:$0x3FB4] =	sst s7  }
0x10: {  	[smem:$0x3FB5] =	sst s8  }
0x11: {  	[smem:$0x3FB6] =	sst s9;
	s0 =	simm.s32 @!p0 $0x0  }
0x12: {  	s1 =	sld [smem:$0x3F9C];
	s0 =	simm.s32 @p0 $0x1  }
0x13: {  	[smem:$0x3FB7] =	sst s0;
	s0 =	simm.s32 @!p1 $0x0  }
0x14: {  	s2 =	sld [smem:$0x3F9B];
	s0 =	simm.s32 @p1 $0x1  }
0x15: {  	[smem:$0x3FB8] =	sst s0;
	s0 =	simm.s32 @!p2 $0x0  }
0x16: {  	s3 =	sld [smem:$0x3FDB];
	s0 =	simm.s32 @p2 $0x1  }
0x17: {  	s4 =	simm.s32 $0x1BF5;
	[smem:$0x3FBA] =	sst s0  }
0x18: {  	s0 =	sld [smem:$0x3F9D];
	_ =	swait.ge [sflag:s4], $0x0  }
0x19: {  	s7 =	sld [smem:$0x3F9E]  }
0x1a: {  	s8 =	sadd.s32 $0xFFFFE003, lr  }
0x1b: {  	s9 =	sadd.s32 $0xFFFFFEF7, lr;
	s5 =	simm.s32 $0xFFFFFFFF;
	p2 =	slt.u32 s8, $0xFFFFF086  }
0x1c: {  	p1 =	slt.u32 s9, $0xF7A;
	s5 =	simm.s32 @!p2 $0x0  }
0x1d: {  	s5 =	simm.s32 @p1 $0x1;
	p0 =	seq.s32 s7, s2  }
0x1e: {  	s7 =	smul.u32 @!p0 $0xF7A, s2;
	p2 =	seq.s32 @!p0 s5, $0x0  }
0x1f: {  	s9 =	smul.u32 $0xF7A, s1;
	s8 =	simm.s32 @!p0 $0x1BF5;
	p2 =	por !p2, p0  }
0x20: {  	[sflag:s8] =	ssyncset.s32 @!p0 $0xFFFFF086;
	s6 =	sadd.s32 @!p0 s3, s7;
	s7 =	simm.s32 @!p0 $0x108  }
0x21: {  	s3 =	sadd.s32 s3, s9;
	s6 =	sadd.s32 @!p0 $0x88, s6;
	s7 =	simm.s32 @p2 $0x1082  }
0x22: {  	[simem:s7], [sflag:s8] =	dma.local @!p0 [hbm:s6], $0xF7A  }
0x23: {  	s9 =	sor.u32 $0xD0000000, s2;
	s6 =	simm.s32 $0x108;
	_ =	swait.ge @!p0 [sflag:s8], $0x0  }
0x24: {  	s3 =	sadd.s32 $0x88, s3;
	s6 =	simm.s32 @!p1 $0x1082;
	[sflag:s4] =	ssyncset.s32 $0xFFFFF086  }
0x25: {  	[simem:s6], [sflag:s4] =	dma.local [hbm:s3], $0xF7A  }
0x26: {  	[smem:$0x3F9E] =	sst s1;
	(tag) =	ssettag s2;
	_ =	strace s9  }
0x27: {  	s1 =	sld [smem:$0x3FAE]  }
0x28: {  	s2 =	sld [smem:$0x3FAF]  }
0x29: {  	s4 =	sld [smem:$0x3FB1]  }
0x2a: {  	p0 =	seq.s32 s5, $0x0;
	s5 =	sld [smem:$0x3FB2]  }
0x2b: {  	s6 =	sld [smem:$0x3FB3]  }
0x2c: {  	s7 =	sld [smem:$0x3FB4]  }
0x2d: {  	s3 =	simm.s32 $0x108;
	s8 =	sld [smem:$0x3FB5]  }
0x2e: {  	s3 =	simm.s32 @!p0 $0x1082;
	s9 =	sld [smem:$0x3FB6]  }
0x2f: {  	lr =	sadd.s32 s0, s3;
	s0 =	sld [smem:$0x3FAD]  }
0x30: {  	s3 =	sld [smem:$0x3FB0]  }
0x31: {  	[smem:$0x3FB9] =	sst s10  }
0x32: {  	s10 =	sld [smem:$0x3FB7];
	_ =	sdelay $0x3  }
0x33: {  	p0 =	seq.s32 s10, $0x1;
	s10 =	sld [smem:$0x3FB9];
	_ =	sdelay $0x3  }
0x34: {  	[smem:$0x3FB9] =	sst s10  }
0x35: {  	s10 =	sld [smem:$0x3FB8];
	_ =	sdelay $0x3  }
0x36: {  	p1 =	seq.s32 s10, $0x1;
	s10 =	sld [smem:$0x3FB9];
	_ =	sdelay $0x3  }
0x37: {  	[smem:$0x3FB9] =	sst s10  }
0x38: {  	s10 =	sld [smem:$0x3FBA]  }
0x39: {  	_ = 	snop;
	(pc) =	sbr.ind lr, $3  }
0x3a: {  	_ = 	snop  }
0x3b: {  	_ = 	snop  }
0x3c: {  	p2 =	seq.s32 s10, $0x1;
	s10 =	sld [smem:$0x3FB9]  }
0x3d: {  	_ =	shalt  }
0x3e: {  	_ =	shalt  }
0x3f: {  	_ =	shalt  }
0x40: {  	_ =	shalt  }
0x41: {  	_ =	shalt  }
0x42: {  	_ =	shalt  }
0x43: {  	_ =	shalt  }
0x44: {  	_ =	shalt  }
0x45: {  	_ =	shalt  }
0x46: {  	_ =	shalt  }
0x47: {  	_ =	shalt  }
0x48: {  	_ =	shalt  }
0x49: {  	_ =	shalt  }
0x4a: {  	_ =	shalt  }
0x4b: {  	_ =	shalt  }
0x4c: {  	_ =	shalt  }
0x4d: {  	_ =	shalt  }
0x4e: {  	_ =	shalt  }
0x4f: {  	_ =	shalt  }
0x50: {  	_ =	shalt  }
0x51: {  	_ =	shalt  }
0x52: {  	_ =	shalt  }
0x53: {  	_ =	shalt  }
0x54: {  	_ =	shalt  }
0x55: {  	_ =	shalt  }
0x56: {  	_ =	shalt  }
0x57: {  	_ =	shalt  }
0x58: {  	_ =	shalt  }
0x59: {  	_ =	shalt  }
0x5a: {  	_ =	shalt  }
0x5b: {  	_ =	shalt  }
0x5c: {  	_ =	shalt  }
0x5d: {  	_ =	shalt  }
0x5e: {  	_ =	shalt  }
0x5f: {  	_ =	shalt  }
0x60: {  	_ =	shalt  }
0x61: {  	_ =	shalt  }
0x62: {  	_ =	shalt  }
0x63: {  	_ =	shalt  }
0x64: {  	_ =	shalt  }
0x65: {  	_ =	shalt  }
0x66: {  	_ =	shalt  }
0x67: {  	_ =	shalt  }
0x68: {  	_ =	shalt  }
0x69: {  	_ =	shalt  }
0x6a: {  	_ =	shalt  }
0x6b: {  	_ =	shalt  }
0x6c: {  	_ =	shalt  }
0x6d: {  	_ =	shalt  }
0x6e: {  	_ =	shalt  }
0x6f: {  	_ =	shalt  }
0x70: {  	_ =	shalt  }
0x71: {  	_ =	shalt  }
0x72: {  	_ =	shalt  }
0x73: {  	_ =	shalt  }
0x74: {  	_ =	shalt  }
0x75: {  	_ =	shalt  }
0x76: {  	_ =	shalt  }
0x77: {  	_ =	shalt  }
0x78: {  	_ =	shalt  }
0x79: {  	_ =	shalt  }
0x7a: {  	_ =	shalt  }
0x7b: {  	_ =	shalt  }
0x7c: {  	_ =	shalt  }
0x7d: {  	_ =	shalt  }
0x7e: {  	_ =	shalt  }
0x7f: {  	_ =	shalt  }
0x80: {  	_ =	shalt  }
0x81: {  	_ =	shalt  }
0x82: {  	_ =	shalt  }
0x83: {  	_ =	shalt  }
0x84: {  	_ =	shalt  }
0x85: {  	_ =	shalt  }
0x86: {  	_ =	shalt  }
0x87: {  	_ =	shalt  }
.Lfunc_end0:
.L_simem_size_0:
called_computation_lowered:
.L_overlay_start_0:
0x88: {  	s2 =	sld [smem:$0x3FD9]  }
0x89: {  	s3 =	sld [smem:$0x3FFE];
	_ =	sdelay $0x1  }
0x8a: {  	s1 =	srdreg.scid  }
0x8b: {  	s0 =	sand.u32 $0x1, s1  }
0x8c: {  	s17 =	sshll.u32 s0, $0xA;
	s2 =	sadd.s32 s3, s2  }
0x8d: {  	s2 =	sadd.s32 s2, s17  }
0x8e: {  	[smem:$0x3FC5] =	sst s2  }
0x8f: {  	_ = 	snop  }
0x90: {  	s2 =	sld [smem:$0x3FD0];
	(tm) =	ssettm $0x1  }
0x91: {  	s18 =	sld [smem:$0x3FFB];
	_ =	sdelay $0x3  }
0x92: {  	_ =	strace s18  }
0x93: {  	s3 =	sld [smem:$0x3FFC];
	_ =	sdelay $0x3  }
0x94: {  	_ =	strace s3  }
0x95: {  	s3 =	sld [smem:$0x3FFD];
	_ =	sdelay $0x3  }
0x96: {  	_ =	strace s3  }
0x97: {  	_ =	strace $0x8FFFFFFF  }
0x98: {  	s19 =	sld [smem:$0x3FDB];
	_ =	sdelay $0x1  }
0x99: {  	s4 =	simm.s32 $_scs_section_size  }
0x9a: {  	s5 =	simm.s32 $_size__tile_overlayer_lowered;
	s6 =	simm.s32 $_tile_overlayer_lowered  }
0x9b: {  	s22 =	simm.s32 $0x1BFF;
	s21 =	sshll.u32 s6, $0x1;
	s3 =	sadd.s32 s4, s19  }
0x9c: {  	s7 =	simm.s32 $0x0;
	s20 =	sshll.u32 s5, $0x1;
	s5 =	sadd.s32 s21, s3  }
0x9d: {  	[timem:s7], [sflag:s22] =	dma.local [hbm:s5], s20  }
0x9e: {  	_ =	swait.ge [sflag:s22], s20  }
0x9f: {  	s4 =	ssub.s32 $0x0, s20;
	[sflag:s22] =	ssyncset.done $0x0  }
0xa0: {  	[sflag:s22] =	ssyncadd.s32 s4;
	_ =	sdelay $0x1  }
0xa1: {  	s23 =	simm.s32 $0x1B8B  }
0xa2: {  	_ =	swait.ge [sflag:s23], $0x1  }
0xa3: {  	[sflag:s23] =	ssyncset.done $0x0  }
0xa4: {  	s25 =	simm.s32 $0x1B8E;
	s24 =	sld [smem:$0x3FFE];
	[sflag:s23] =	ssyncadd.s32 $0xFFFFFFFF  }
0xa5: {  	s26 =	simm.s32 $execute0_lowered;
	[smem:$0x3FD2] =	sst s25  }
0xa6: {  	s5 =	sshll.u32 s26, $0x1;
	_ =	strace $0x80000046;
	[dreg:$0x1] =	wrdreg $0xFFFFFFFF  }
0xa7: {  	s28 =	simm.s32 $_size_execute0_lowered;
	s3 =	sadd.s32 s3, s5;
	[dreg:$0x0] =	wrdreg $0x0  }
0xa8: {  	s5 =	sshll.u32 s28, $0x1;
	[dreg:$0x2] =	wrdreg s3  }
0xa9: {  	[dreg:$0x3] =	wrdreg s5  }
0xaa: {  	[dreg:$0x4] =	wrdreg $0xC0  }
0xab: {  	_ =	task [dreg:s7], $0x5FFFF  }
0xac: {  	[dreg:$0x1] =	wrdreg $0xFFFFFFFF  }
0xad: {  	[dreg:$0x0] =	wrdreg $0x60  }
0xae: {  	[dreg:$0x2] =	wrdreg s24  }
0xaf: {  	[dreg:$0x3] =	wrdreg s2  }
0xb0: {  	[dreg:$0x4] =	wrdreg $0x19C80  }
0xb1: {  	[dreg:$0x5] =	wrdreg $0x9  }
0xb2: {  	_ =	task.clear_ibuf [dreg:s7], $0x6FFFF;
	_ =	strace $0x90000046  }
0xb3: {  	s29 =	simm.s32 $0x9;
	_ =	strace $0x80000048  }
0xb4: {  	_ =	swait.ge [sflag:s29], $0x1  }
0xb5: {  	[sflag:s29] =	ssyncadd.s32 $0xFFFFFFFF  }
0xb6: {  	_ =	strace $0x90000048  }
0xb7: {  	_ =	sfence  }
0xb8: {  	s30 =	sld [smem:$0x0];
	_ =	sdelay $0x2  }
0xb9: {  	s31 =	sshll.u32 s1, $0xD;
	s1 =	sshrl.u32 s1, $0x2  }
0xba: {  	s3 =	sand.u32 $0x4000, s31;
	s1 =	sadd.s32 s1, s30  }
0xbb: {  	s0 =	sor.u32 s3, s0;
	s1 =	sshll.u32 s1, $0x11  }
0xbc: {  	s0 =	sor.u32 s1, s0  }
0xbd: {  	s0 =	sadd.s32 $0x8F2B, s0  }
0xbe: {  	[sflag:s0] =	ssyncadd.remote.s32 $0x1  }
0xbf: {  	_ =	sfence.sel $0xFFFF  }
0xc0: {  	[dreg:$0x0] =	wrdreg $0xFFFFFFFF;
	(pc) =	sbr.abs _section_cstart, $3  }
0xc1: {  	[dreg:$0x1] =	wrdreg $0xFFFFFFFF  }
0xc2: {  	_ =	task.clear_ibuf [dreg:s7], $0x2FFFF;
	_ =	strace $0x9FFFFFFF  }
0xc3: {  	(tm) =	ssettm $0x7FFFFFFF  }
tec
execute0_lowered:
.L_overlay_start_1:
0x0: {  	(tag) =	ssettag $0x1  }
0x1: {  	s1 =	srdreg.scid  }
0x2: {  	s0 =	rddreg [dreg:$0x0];
	s2 =	stileid.u32;
	s1 =	sand.u32 $0x1, s1  }
0x3: {  	s4 =	rddreg [dreg:$0x1];
	s6 =	sshll.u32 s2, $0x5;
	s5 =	sshll.u32 s1, $0x9  }
0x4: {  	s24 =	rddreg [dreg:$0x2];
	s22 =	simm.s32 $0x0;
	s5 =	sor.u32 s6, s5  }
0x5: {  	[smem:$0x7FF] =	sst s22;
	s6 =	smul.u32 $0x19, s5  }
0x6: {  	s7 =	sadd.s32 $0x6C00, s0;
	s16 =	sadd.s32 $0x7000, s0;
	s8 =	smul.u32 $0x320, s5  }
0x7: {  	_ =	strace $0x80000047;
	[dreg:$0x4] =	wrdreg s7;
	s5 =	smul.u32 $0x1900, s5  }
0x8: {  	[dreg:$0x5] =	wrdreg s16;
	s6 =	sadd.s32 s6, s0;
	s17 =	sadd.s32 s4, s8  }
0x9: {  	s5 =	sshrl.u32 s5, $0x3;
	s6 =	sadd.s32 $0x800, s6;
	[smem:$0x7D9] =	sst s17  }
0xa: {  	s18 =	sadd.s32 $0x320, s17;
	s4 =	sadd.s32 s4, s5;
	[dreg:$0x6] =	wrdreg s6  }
0xb: {  	[dreg:$0x7] =	wrdreg s18;
	s5 =	sadd.s32 $0x640, s4  }
0xc: {  	s19 =	sadd.s32 $0x960, s4;
	[dreg:$0x8] =	wrdreg s5  }
0xd: {  	s20 =	sadd.s32 $0xC80, s4;
	[dreg:$0x9] =	wrdreg s19  }
0xe: {  	s21 =	sadd.s32 $0xFA0, s4;
	[dreg:$0xa] =	wrdreg s20  }
0xf: {  	s23 =	sadd.s32 $0x12C0, s4;
	[dreg:$0xb] =	wrdreg s21  }
0x10: {  	s25 =	sadd.s32 $0x15E0, s4;
	[dreg:$0xc] =	wrdreg s23  }
0x11: {  	s26 =	sadd.s32 $0x1900, s4;
	[dreg:$0xd] =	wrdreg s25  }
0x12: {  	s28 =	sadd.s32 $0x1C20, s4;
	[dreg:$0xe] =	wrdreg s26  }
0x13: {  	s29 =	sadd.s32 $0x1F40, s4;
	[dreg:$0xf] =	wrdreg s28  }
0x14: {  	s30 =	sadd.s32 $0x2260, s4;
	[dreg:$0x10] =	wrdreg s29  }
0x15: {  	s31 =	sadd.s32 $0x2580, s4;
	[dreg:$0x11] =	wrdreg s30  }
0x16: {  	s2 =	sadd.s32 $0x28A0, s4;
	[dreg:$0x12] =	wrdreg s31  }
0x17: {  	s3 =	sadd.s32 $0x2BC0, s4;
	[dreg:$0x13] =	wrdreg s2  }
0x18: {  	s6 =	sadd.s32 $0x2EE0, s4;
	[dreg:$0x14] =	wrdreg s3  }
0x19: {  	s7 =	sadd.s32 $0x3200, s4;
	[dreg:$0x15] =	wrdreg s6  }
0x1a: {  	s8 =	sadd.s32 $0x3520, s4;
	[dreg:$0x16] =	wrdreg s7  }
0x1b: {  	s9 =	sadd.s32 $0x3840, s4;
	[dreg:$0x17] =	wrdreg s8  }
0x1c: {  	s10 =	sadd.s32 $0x3B60, s4;
	[dreg:$0x18] =	wrdreg s9  }
0x1d: {  	s11 =	sadd.s32 $0x3E80, s4;
	[dreg:$0x19] =	wrdreg s10  }
0x1e: {  	s12 =	sadd.s32 $0x41A0, s4;
	[dreg:$0x1a] =	wrdreg s11  }
0x1f: {  	s13 =	sadd.s32 $0x44C0, s4;
	[dreg:$0x1b] =	wrdreg s12  }
0x20: {  	s14 =	sadd.s32 $0x47E0, s4;
	[dreg:$0x1c] =	wrdreg s13  }
0x21: {  	s15 =	sadd.s32 $0x4B00, s4;
	[dreg:$0x1d] =	wrdreg s14  }
0x22: {  	s16 =	sadd.s32 $0x4E20, s4;
	[dreg:$0x1e] =	wrdreg s15  }
0x23: {  	s17 =	sadd.s32 $0x5140, s4;
	[dreg:$0x1f] =	wrdreg s16  }
0x24: {  	s18 =	sadd.s32 $0x5460, s4;
	[smem:$0x7DA] =	sst s17  }
0x25: {  	[smem:$0x7DB] =	sst s18;
	s19 =	sadd.s32 $0x5780, s4  }
0x26: {  	s20 =	sadd.s32 $0x5AA0, s4;
	[smem:$0x7DC] =	sst s19  }
0x27: {  	s21 =	sadd.s32 $0x5DC0, s4;
	[smem:$0x7DD] =	sst s20  }
0x28: {  	s4 =	sadd.s32 $0x60E0, s4;
	[smem:$0x7DE] =	sst s21  }
0x29: {  	s23 =	simm.s32 $0x190;
	[smem:$0x7DF] =	sst s4  }
0x2a: {  	s25 =	simm.s32 $0x258;
	[smem:$0x7E0] =	sst s23  }
0x2b: {  	s26 =	simm.s32 $0x320;
	[smem:$0x7E1] =	sst s25  }
0x2c: {  	s28 =	simm.s32 $0x3E8;
	[smem:$0x7E2] =	sst s26  }
0x2d: {  	s29 =	simm.s32 $0x4B0;
	[smem:$0x7E3] =	sst s28  }
0x2e: {  	s30 =	simm.s32 $0x578;
	[smem:$0x7E4] =	sst s29  }
0x2f: {  	s31 =	simm.s32 $0x640;
	[smem:$0x7E5] =	sst s30  }
0x30: {  	s2 =	simm.s32 $0x708;
	[smem:$0x7E6] =	sst s31  }
0x31: {  	s3 =	simm.s32 $0x7D0;
	[smem:$0x7E7] =	sst s2  }
0x32: {  	s5 =	simm.s32 $0x960;
	[smem:$0x7E8] =	sst s3  }
0x33: {  	s7 =	simm.s32 $0xA28;
	[smem:$0x7EA] =	sst s5  }
0x34: {  	s8 =	simm.s32 $0xAF0;
	[smem:$0x7EB] =	sst s7  }
0x35: {  	s9 =	simm.s32 $0xBB8;
	[smem:$0x7EC] =	sst s8  }
0x36: {  	s10 =	simm.s32 $0xC80;
	[smem:$0x7ED] =	sst s9  }
0x37: {  	s11 =	simm.s32 $0xD48;
	[smem:$0x7EE] =	sst s10  }
0x38: {  	s13 =	simm.s32 $0xE10;
	[smem:$0x7EF] =	sst s11  }
0x39: {  	s14 =	simm.s32 $0xED8;
	[smem:$0x7F0] =	sst s13  }
0x3a: {  	s15 =	simm.s32 $0xFA0;
	[smem:$0x7F1] =	sst s14  }
0x3b: {  	s16 =	simm.s32 $0x1068;
	[smem:$0x7F2] =	sst s15  }
0x3c: {  	p0 =	por $0x0, $0x0;
	s17 =	simm.s32 $0x1130;
	[smem:$0x7F3] =	sst s16  }
0x3d: {  	s1 =	ssub.s32 $0x2, s1;
	s18 =	simm.s32 $0x11F8;
	[smem:$0x7F4] =	sst s17  }
0x3e: {  	s6 =	sshrl.u32 s1, $0x1;
	s12 =	simm.s32 $0x19;
	[smem:$0x7F5] =	sst s18  }
0x3f: {  	s19 =	sadd.s32 $0xF42C00, s0;
	s4 =	simm.s32 $0x898;
	s13 =	rddreg [dreg:$0x6]  }
0x40: {  	s1 =	ssub.s32 s1, s6;
	s20 =	simm.s32 $0x12C0;
	[smem:$0x7E9] =	sst s4  }
0x41: {  	s5 =	simm.s32 $0xC8;
	s21 =	simm.s32 $0x1388;
	[smem:$0x7F6] =	sst s20  }
0x42: {  	s25 =	simm.s32 $0x1450;
	s1 =	smax.u32 s1, $0x1;
	[smem:$0x7F7] =	sst s21  }
0x43: {  	s26 =	simm.s32 $0x1518;
	[smem:$0x7F8] =	sst s25;
	p1 =	sne.s32 s1, $0x1  }
.Ltmp0:
0x44: {  	s28 =	simm.s32 $0x15E0;
	[smem:$0x7F9] =	sst s26;
	(pc) =	sbr.rel @!p1 .LBB2_1-.Ltmp0, $4  }
0x45: {  	s3 =	simm.s32 $0x1B58;
	s29 =	simm.s32 $0x16A8;
	[smem:$0x7FA] =	sst s28  }
0x46: {  	s2 =	simm.s32 $0x3458;
	s30 =	simm.s32 $0x1770;
	[smem:$0x7FB] =	sst s29  }
0x47: {  	s23 =	simm.s32 $0xB158;
	s31 =	simm.s32 $0x1838;
	[smem:$0x7FC] =	sst s30  }
0x48: {  	s4 =	simm.s32 $0x1900;
	[smem:$0x7FD] =	sst s31;
	s0 =	sadd.s32 $0xFFFFFFFF, s1  }
0x49: {  	[tilespmem:s22], [sflag:$0x19] =	stream.linear.gather [hbm4b:s13+s22], $0x1900, $0x38;
	[tilespmem:$0xE358] =	vst v63  }
0x4a: {  	_ =	swait.ge [sflag:s12], $0x1900  }
0x4b: {  	[sflag:s12] =	ssyncset.done $0x0  }
0x4c: {  	s25 =	rddreg [dreg:$0x5];
	[sflag:s12] =	ssyncadd.s32 $0xFFFFE700  }
0x4d: {  	[tilespmem:s4], [sflag:$0x19] =	stream.linear.gather [hbm4b:s25+s22], $0xC8, $0x38;
	[tilespmem:$0xE358] =	vst v63  }
0x4e: {  	_ =	swait.ge [sflag:s12], $0xC8  }
0x4f: {  	s28 =	stileid.u32;
	s29 =	sshrl.u32 s24, $0x3;
	s26 =	rddreg [dreg:$0x4]  }
0x50: {  	[sflag:s12] =	ssyncset.done $0x0;
	s12 =	sshll.u32 s28, $0x6;
	[smem:$0x7D8] =	sst s0  }
0x51: {  	s1 =	simm.s32 $0x19;
	[smem:$0x7D7] =	sst s29;
	s9 =	sor.u32 $0x1C19, s12  }
0x52: {  	[sflag:s1] =	ssyncadd.s32 $0xFFFFFF38;
	[smem:$0x7D6] =	sst s9  }
0x53: {  	[spmem:s29], [sflag:s9] =	dma.local [hbm:s26], $0x320  }
0x54: {  	_ =	swait.ge [sflag:s1], $0x320  }
0x55: {  	[sflag:s1] =	ssyncset.done $0x0  }
0x56: {  	[sflag:s1] =	ssyncadd.s32 $0xFFFFFCE0  }
0x57: {  	[tilespmem:s3], [sflag:$0x1] =	stream.indirect.gather [hbm4b:s19+s5], $0x20, s22, s5, $0xb8;
	[tilespmem:$0xE358] =	vst v63  }
0x58: {  	s0 =	sld [smem:$0x7E0]  }
0x59: {  	[tilespmem:s2], [sflag:$0x2] =	stream.indirect.gather [hbm4b:s19+s5], $0x20, s5, s5, $0xb8;
	[tilespmem:$0xE358] =	vst v63  }
0x5a: {  	s6 =	simm.s32 $0x4D58;
	s1 =	sld [smem:$0x7E1]  }
0x5b: {  	[tilespmem:s6], [sflag:$0x3] =	stream.indirect.gather [hbm4b:s19+s5], $0x20, s0, s5, $0xb8;
	[tilespmem:$0xE358] =	vst v63  }
0x5c: {  	s8 =	simm.s32 $0x6658;
	s7 =	sld [smem:$0x7E2]  }
0x5d: {  	[tilespmem:s8], [sflag:$0x4] =	stream.indirect.gather [hbm4b:s19+s5], $0x20, s1, s5, $0xb8;
	[tilespmem:$0xE358] =	vst v63  }
0x5e: {  	s11 =	simm.s32 $0x7F58;
	s10 =	sld [smem:$0x7E3]  }
0x5f: {  	[tilespmem:s11], [sflag:$0x5] =	stream.indirect.gather [hbm4b:s19+s5], $0x20, s7, s5, $0xb8;
	[tilespmem:$0xE358] =	vst v63  }
0x60: {  	s15 =	simm.s32 $0x9858;
	s14 =	sld [smem:$0x7E4]  }
0x61: {  	[tilespmem:s15], [sflag:$0x6] =	stream.indirect.gather [hbm4b:s19+s5], $0x20, s10, s5, $0xb8;
	[tilespmem:$0xE358] =	vst v63  }
0x62: {  	s18 =	simm.s32 $0x1  }
0x63: {  	[tilespmem:s23], [sflag:$0x7] =	stream.indirect.gather [hbm4b:s19+s5], $0x20, s14, s5, $0xb8;
	[tilespmem:$0xE358] =	vst v63  }
0x64: {  	_ =	swait.ge [sflag:s18], $0x1900  }
0x65: {  	[sflag:s18] =	ssyncset.done $0x0  }
0x66: {  	s16 =	sld [smem:$0x7E5];
	[sflag:s18] =	ssyncadd.s32 $0xFFFFE700  }
0x67: {  	[tilespmem:s3], [sflag:$0x9] =	stream.indirect.gather.add.f32 [spmem:s24], $0x20, s4, s5, $0xb8;
	[tilespmem:$0xE358] =	vst v63  }
0x68: {  	s17 =	simm.s32 $0xCA58;
	s25 =	simm.s32 $0x2  }
0x69: {  	[tilespmem:s17], [sflag:$0x8] =	stream.indirect.gather [hbm4b:s19+s5], $0x20, s16, s5, $0xb8;
	[tilespmem:$0xE358] =	vst v63  }
0x6a: {  	_ =	swait.ge [sflag:s25], $0x1900  }
0x6b: {  	[sflag:s25] =	ssyncset.done $0x0  }
0x6c: {  	s26 =	simm.s32 $0x9;
	[sflag:s25] =	ssyncadd.s32 $0xFFFFE700  }
0x6d: {  	[tilespmem:s2], [sflag:$0xA] =	stream.indirect.gather.add.f32 [spmem:s24], $0x20, s4, s5, $0xb8;
	[tilespmem:$0xE358] =	vst v63  }
0x6e: {  	_ =	swait.ge [sflag:s26], $0x1900  }
0x6f: {  	s20 =	sld [smem:$0x7D9]  }
0x70: {  	[sflag:s26] =	ssyncset.done $0x0  }
0x71: {  	s28 =	simm.s32 $0x11;
	[sflag:s26] =	ssyncadd.s32 $0xFFFFE700  }
0x72: {  	[hbm4b:s20+s22] =	stream.linear.scatter [tilespmem:s3], [sflag:$0x11], $0x1900, $0x38;
	[tilespmem:$0xE358] =	vst v63  }
0x73: {  	_ =	swait.ge [sflag:s28], $0x1900  }
0x74: {  	s29 =	sld [smem:$0x7E6]  }
0x75: {  	[sflag:s28] =	ssyncset.done $0x0  }
0x76: {  	s20 =	simm.s32 $0x3;
	[sflag:s28] =	ssyncadd.s32 $0xFFFFE700  }
0x77: {  	[tilespmem:s3], [sflag:$0x1] =	stream.indirect.gather [hbm4b:s19+s5], $0x20, s29, s5, $0xb8;
	[tilespmem:$0xE358] =	vst v63  }
0x78: {  	_ =	swait.ge [sflag:s20], $0x1900  }
0x79: {  	[sflag:s20] =	ssyncset.done $0x0  }
0x7a: {  	s9 =	simm.s32 $0x4D58;
	s17 =	simm.s32 $0xA;
	[sflag:s20] =	ssyncadd.s32 $0xFFFFE700  }
0x7b: {  	[tilespmem:s9], [sflag:$0xB] =	stream.indirect.gather.add.f32 [spmem:s24], $0x20, s4, s5, $0xb8;
	[tilespmem:$0xE358] =	vst v63  }
0x7c: {  	_ =	swait.ge [sflag:s17], $0x1900  }
0x7d: {  	[sflag:s17] =	ssyncset.done $0x0  }
0x7e: {  	s8 =	simm.s32 $0x12;
	s7 =	rddreg [dreg:$0x7];
	[sflag:s17] =	ssyncadd.s32 $0xFFFFE700  }
0x7f: {  	[hbm4b:s7+s22] =	stream.linear.scatter [tilespmem:s2], [sflag:$0x12], $0x1900, $0x38;
	[tilespmem:$0xE358] =	vst v63  }
0x80: {  	_ =	swait.ge [sflag:s8], $0x1900  }
0x81: {  	s10 =	sld [smem:$0x7E7]  }
0x82: {  	[sflag:s8] =	ssyncset.done $0x0  }
0x83: {  	s16 =	simm.s32 $0x4;
	[sflag:s8] =	ssyncadd.s32 $0xFFFFE700  }
0x84: {  	[tilespmem:s2], [sflag:$0x2] =	stream.indirect.gather [hbm4b:s19+s5], $0x20, s10, s5, $0xb8;
	[tilespmem:$0xE358] =	vst v63  }
0x85: {  	_ =	swait.ge [sflag:s16], $0x1900  }
0x86: {  	[sflag:s16] =	ssyncset.done $0x0  }
0x87: {  	s21 =	simm.s32 $0x6658;
	s14 =	simm.s32 $0xB;
	[sflag:s16] =	ssyncadd.s32 $0xFFFFE700  }
0x88: {  	[tilespmem:s21], [sflag:$0xC] =	stream.indirect.gather.add.f32 [spmem:s24], $0x20, s4, s5, $0xb8;
	[tilespmem:$0xE358] =	vst v63  }
0x89: {  	_ =	swait.ge [sflag:s14], $0x1900  }
0x8a: {  	[sflag:s14] =	ssyncset.done $0x0  }
0x8b: {  	s12 =	simm.s32 $0x13;
	s11 =	rddreg [dreg:$0x8];
	[sflag:s14] =	ssyncadd.s32 $0xFFFFE700  }
0x8c: {  	[hbm4b:s11+s22] =	stream.linear.scatter [tilespmem:s9], [sflag:$0x13], $0x1900, $0x38;
	[tilespmem:$0xE358] =	vst v63  }
0x8d: {  	_ =	swait.ge [sflag:s12], $0x1900  }
0x8e: {  	s13 =	sld [smem:$0x7E8]  }
0x8f: {  	[sflag:s12] =	ssyncset.done $0x0  }
0x90: {  	s11 =	simm.s32 $0x5;
	[sflag:s12] =	ssyncadd.s32 $0xFFFFE700  }
0x91: {  	[tilespmem:s9], [sflag:$0x3] =	stream.indirect.gather [hbm4b:s19+s5], $0x20, s13, s5, $0xb8;
	[tilespmem:$0xE358] =	vst v63  }
0x92: {  	_ =	swait.ge [sflag:s11], $0x1900  }
0x93: {  	[sflag:s11] =	ssyncset.done $0x0  }
0x94: {  	s6 =	simm.s32 $0x7F58;
	s13 =	simm.s32 $0xC;
	[sflag:s11] =	ssyncadd.s32 $0xFFFFE700  }
0x95: {  	[tilespmem:s6], [sflag:$0xD] =	stream.indirect.gather.add.f32 [spmem:s24], $0x20, s4, s5, $0xb8;
	[tilespmem:$0xE358] =	vst v63  }
0x96: {  	_ =	swait.ge [sflag:s13], $0x1900  }
0x97: {  	[sflag:s13] =	ssyncset.done $0x0  }
0x98: {  	s28 =	simm.s32 $0x14;
	s15 =	rddreg [dreg:$0x9];
	[sflag:s13] =	ssyncadd.s32 $0xFFFFE700  }
0x99: {  	[hbm4b:s15+s22] =	stream.linear.scatter [tilespmem:s21], [sflag:$0x14], $0x1900, $0x38;
	[tilespmem:$0xE358] =	vst v63  }
0x9a: {  	_ =	swait.ge [sflag:s28], $0x1900  }
0x9b: {  	s29 =	sld [smem:$0x7E9]  }
0x9c: {  	[sflag:s28] =	ssyncset.done $0x0  }
0x9d: {  	s10 =	simm.s32 $0x6;
	[sflag:s28] =	ssyncadd.s32 $0xFFFFE700  }
0x9e: {  	[tilespmem:s21], [sflag:$0x4] =	stream.indirect.gather [hbm4b:s19+s5], $0x20, s29, s5, $0xb8;
	[tilespmem:$0xE358] =	vst v63  }
0x9f: {  	_ =	swait.ge [sflag:s10], $0x1900  }
0xa0: {  	[sflag:s10] =	ssyncset.done $0x0  }
0xa1: {  	s1 =	simm.s32 $0x9858;
	s29 =	simm.s32 $0xD;
	[sflag:s10] =	ssyncadd.s32 $0xFFFFE700  }
0xa2: {  	[tilespmem:s1], [sflag:$0xE] =	stream.indirect.gather.add.f32 [spmem:s24], $0x20, s4, s5, $0xb8;
	[tilespmem:$0xE358] =	vst v63  }
0xa3: {  	_ =	swait.ge [sflag:s29], $0x1900  }
0xa4: {  	[sflag:s29] =	ssyncset.done $0x0  }
0xa5: {  	s28 =	simm.s32 $0x15;
	s2 =	rddreg [dreg:$0xa];
	[sflag:s29] =	ssyncadd.s32 $0xFFFFE700  }
0xa6: {  	[hbm4b:s2+s22] =	stream.linear.scatter [tilespmem:s6], [sflag:$0x15], $0x1900, $0x38;
	[tilespmem:$0xE358] =	vst v63  }
0xa7: {  	_ =	swait.ge [sflag:s28], $0x1900  }
0xa8: {  	s3 =	sld [smem:$0x7EA]  }
0xa9: {  	[sflag:s28] =	ssyncset.done $0x0  }
0xaa: {  	[sflag:s28] =	ssyncadd.s32 $0xFFFFE700  }
0xab: {  	[tilespmem:s6], [sflag:$0x5] =	stream.indirect.gather [hbm4b:s19+s5], $0x20, s3, s5, $0xb8;
	[tilespmem:$0xE358] =	vst v63  }
0xac: {  	s3 =	smov.u32 s24;
	s24 =	simm.s32 $0x7  }
0xad: {  	_ =	swait.ge [sflag:s24], $0x1900  }
0xae: {  	[sflag:s24] =	ssyncset.done $0x0  }
0xaf: {  	s30 =	simm.s32 $0xE;
	[sflag:s24] =	ssyncadd.s32 $0xFFFFE700  }
0xb0: {  	[tilespmem:s23], [sflag:$0xF] =	stream.indirect.gather.add.f32 [spmem:s3], $0x20, s4, s5, $0xb8;
	[tilespmem:$0xE358] =	vst v63  }
0xb1: {  	_ =	swait.ge [sflag:s30], $0x1900  }
0xb2: {  	s31 =	simm.s32 $0x16;
	[sflag:s30] =	ssyncset.done $0x0  }
0xb3: {  	s7 =	simm.s32 $0x9858;
	s6 =	rddreg [dreg:$0xb];
	[sflag:s30] =	ssyncadd.s32 $0xFFFFE700  }
0xb4: {  	[hbm4b:s6+s22] =	stream.linear.scatter [tilespmem:s7], [sflag:$0x16], $0x1900, $0x38;
	[tilespmem:$0xE358] =	vst v63  }
0xb5: {  	_ =	swait.ge [sflag:s31], $0x1900  }
0xb6: {  	s8 =	sld [smem:$0x7EB]  }
0xb7: {  	[sflag:s31] =	ssyncset.done $0x0  }
0xb8: {  	[sflag:s31] =	ssyncadd.s32 $0xFFFFE700  }
0xb9: {  	[tilespmem:s7], [sflag:$0x6] =	stream.indirect.gather [hbm4b:s19+s5], $0x20, s8, s5, $0xb8;
	[tilespmem:$0xE358] =	vst v63  }
0xba: {  	s7 =	simm.s32 $0x8  }
0xbb: {  	_ =	swait.ge [sflag:s7], $0x1900  }
0xbc: {  	[sflag:s7] =	ssyncset.done $0x0  }
0xbd: {  	s1 =	simm.s32 $0xCA58;
	s8 =	simm.s32 $0xF;
	[sflag:s7] =	ssyncadd.s32 $0xFFFFE700  }
0xbe: {  	[tilespmem:s1], [sflag:$0x10] =	stream.indirect.gather.add.f32 [spmem:s3], $0x20, s4, s5, $0xb8;
	[tilespmem:$0xE358] =	vst v63  }
0xbf: {  	_ =	swait.ge [sflag:s8], $0x1900  }
0xc0: {  	[sflag:s8] =	ssyncset.done $0x0  }
0xc1: {  	s15 =	rddreg [dreg:$0xc];
	[sflag:s8] =	ssyncadd.s32 $0xFFFFE700  }
0xc2: {  	[hbm4b:s15+s22] =	stream.linear.scatter [tilespmem:s23], [sflag:$0x17], $0x1900, $0x38;
	[tilespmem:$0xE358] =	vst v63  }
0xc3: {  	s15 =	simm.s32 $0x17  }
0xc4: {  	_ =	swait.ge [sflag:s15], $0x1900  }
0xc5: {  	s6 =	sld [smem:$0x7EC]  }
0xc6: {  	[sflag:s15] =	ssyncset.done $0x0  }
0xc7: {  	s23 =	simm.s32 $0xB158;
	[sflag:s15] =	ssyncadd.s32 $0xFFFFE700  }
0xc8: {  	[tilespmem:s23], [sflag:$0x7] =	stream.indirect.gather [hbm4b:s19+s5], $0x20, s6, s5, $0xb8;
	[tilespmem:$0xE358] =	vst v63  }
0xc9: {  	_ =	swait.ge [sflag:s18], $0x1900  }
0xca: {  	[sflag:s18] =	ssyncset.done $0x0  }
0xcb: {  	s12 =	simm.s32 $0x10;
	s23 =	simm.s32 $0x1B58;
	[sflag:s18] =	ssyncadd.s32 $0xFFFFE700  }
0xcc: {  	[tilespmem:s23], [sflag:$0x9] =	stream.indirect.gather.add.f32 [spmem:s3], $0x20, s4, s5, $0xb8;
	[tilespmem:$0xE358] =	vst v63  }
0xcd: {  	_ =	swait.ge [sflag:s12], $0x1900  }
0xce: {  	[sflag:s12] =	ssyncset.done $0x0  }
0xcf: {  	s6 =	rddreg [dreg:$0xd];
	[sflag:s12] =	ssyncadd.s32 $0xFFFFE700;
	s12 =	simm.s32 $0x18  }
0xd0: {  	[hbm4b:s6+s22] =	stream.linear.scatter [tilespmem:s1], [sflag:$0x18], $0x1900, $0x38;
	[tilespmem:$0xE358] =	vst v63  }
0xd1: {  	_ =	swait.ge [sflag:s12], $0x1900  }
0xd2: {  	s6 =	sld [smem:$0x7ED]  }
0xd3: {  	[sflag:s12] =	ssyncset.done $0x0  }
0xd4: {  	[sflag:s12] =	ssyncadd.s32 $0xFFFFE700  }
0xd5: {  	[tilespmem:s1], [sflag:$0x8] =	stream.indirect.gather [hbm4b:s19+s5], $0x20, s6, s5, $0xb8;
	[tilespmem:$0xE358] =	vst v63  }
0xd6: {  	_ =	swait.ge [sflag:s25], $0x1900  }
0xd7: {  	[sflag:s25] =	ssyncset.done $0x0  }
0xd8: {  	s2 =	simm.s32 $0x3458;
	[sflag:s25] =	ssyncadd.s32 $0xFFFFE700  }
0xd9: {  	[tilespmem:s2], [sflag:$0xA] =	stream.indirect.gather.add.f32 [spmem:s3], $0x20, s4, s5, $0xb8;
	[tilespmem:$0xE358] =	vst v63  }
0xda: {  	_ =	swait.ge [sflag:s26], $0x1900  }
0xdb: {  	[sflag:s26] =	ssyncset.done $0x0  }
0xdc: {  	s12 =	simm.s32 $0x11;
	s6 =	rddreg [dreg:$0xe];
	[sflag:s26] =	ssyncadd.s32 $0xFFFFE700  }
0xdd: {  	[hbm4b:s6+s22] =	stream.linear.scatter [tilespmem:s23], [sflag:$0x11], $0x1900, $0x38;
	[tilespmem:$0xE358] =	vst v63  }
0xde: {  	_ =	swait.ge [sflag:s12], $0x1900  }
0xdf: {  	s1 =	sld [smem:$0x7EE]  }
0xe0: {  	[sflag:s12] =	ssyncset.done $0x0  }
0xe1: {  	[sflag:s12] =	ssyncadd.s32 $0xFFFFE700  }
0xe2: {  	[tilespmem:s23], [sflag:$0x1] =	stream.indirect.gather [hbm4b:s19+s5], $0x20, s1, s5, $0xb8;
	[tilespmem:$0xE358] =	vst v63  }
0xe3: {  	_ =	swait.ge [sflag:s20], $0x1900  }
0xe4: {  	[sflag:s20] =	ssyncset.done $0x0  }
0xe5: {  	[sflag:s20] =	ssyncadd.s32 $0xFFFFE700  }
0xe6: {  	[tilespmem:s9], [sflag:$0xB] =	stream.indirect.gather.add.f32 [spmem:s3], $0x20, s4, s5, $0xb8;
	[tilespmem:$0xE358] =	vst v63  }
0xe7: {  	_ =	swait.ge [sflag:s17], $0x1900  }
0xe8: {  	[sflag:s17] =	ssyncset.done $0x0  }
0xe9: {  	s12 =	simm.s32 $0x12;
	s6 =	rddreg [dreg:$0xf];
	[sflag:s17] =	ssyncadd.s32 $0xFFFFE700  }
0xea: {  	[hbm4b:s6+s22] =	stream.linear.scatter [tilespmem:s2], [sflag:$0x12], $0x1900, $0x38;
	[tilespmem:$0xE358] =	vst v63  }
0xeb: {  	_ =	swait.ge [sflag:s12], $0x1900  }
0xec: {  	s23 =	sld [smem:$0x7EF]  }
0xed: {  	[sflag:s12] =	ssyncset.done $0x0  }
0xee: {  	[sflag:s12] =	ssyncadd.s32 $0xFFFFE700  }
0xef: {  	[tilespmem:s2], [sflag:$0x2] =	stream.indirect.gather [hbm4b:s19+s5], $0x20, s23, s5, $0xb8;
	[tilespmem:$0xE358] =	vst v63  }
0xf0: {  	_ =	swait.ge [sflag:s16], $0x1900  }
0xf1: {  	[sflag:s16] =	ssyncset.done $0x0  }
0xf2: {  	[sflag:s16] =	ssyncadd.s32 $0xFFFFE700  }
0xf3: {  	[tilespmem:s21], [sflag:$0xC] =	stream.indirect.gather.add.f32 [spmem:s3], $0x20, s4, s5, $0xb8;
	[tilespmem:$0xE358] =	vst v63  }
0xf4: {  	_ =	swait.ge [sflag:s14], $0x1900  }
0xf5: {  	[sflag:s14] =	ssyncset.done $0x0  }
0xf6: {  	s2 =	simm.s32 $0x13;
	s1 =	rddreg [dreg:$0x10];
	[sflag:s14] =	ssyncadd.s32 $0xFFFFE700  }
0xf7: {  	[hbm4b:s1+s22] =	stream.linear.scatter [tilespmem:s9], [sflag:$0x13], $0x1900, $0x38;
	[tilespmem:$0xE358] =	vst v63  }
0xf8: {  	_ =	swait.ge [sflag:s2], $0x1900  }
0xf9: {  	s6 =	sld [smem:$0x7F0]  }
0xfa: {  	[sflag:s2] =	ssyncset.done $0x0  }
0xfb: {  	[sflag:s2] =	ssyncadd.s32 $0xFFFFE700  }
0xfc: {  	[tilespmem:s9], [sflag:$0x3] =	stream.indirect.gather [hbm4b:s19+s5], $0x20, s6, s5, $0xb8;
	[tilespmem:$0xE358] =	vst v63  }
0xfd: {  	_ =	swait.ge [sflag:s11], $0x1900  }
0xfe: {  	[sflag:s11] =	ssyncset.done $0x0  }
0xff: {  	s23 =	simm.s32 $0x7F58;
	[sflag:s11] =	ssyncadd.s32 $0xFFFFE700  }
0x100: {  	[tilespmem:s23], [sflag:$0xD] =	stream.indirect.gather.add.f32 [spmem:s3], $0x20, s4, s5, $0xb8;
	[tilespmem:$0xE358] =	vst v63  }
0x101: {  	_ =	swait.ge [sflag:s13], $0x1900  }
0x102: {  	[sflag:s13] =	ssyncset.done $0x0  }
0x103: {  	s2 =	simm.s32 $0x14;
	s1 =	rddreg [dreg:$0x11];
	[sflag:s13] =	ssyncadd.s32 $0xFFFFE700  }
0x104: {  	[hbm4b:s1+s22] =	stream.linear.scatter [tilespmem:s21], [sflag:$0x14], $0x1900, $0x38;
	[tilespmem:$0xE358] =	vst v63  }
0x105: {  	_ =	swait.ge [sflag:s2], $0x1900  }
0x106: {  	s6 =	sld [smem:$0x7F1]  }
0x107: {  	[sflag:s2] =	ssyncset.done $0x0  }
0x108: {  	[sflag:s2] =	ssyncadd.s32 $0xFFFFE700  }
0x109: {  	[tilespmem:s21], [sflag:$0x4] =	stream.indirect.gather [hbm4b:s19+s5], $0x20, s6, s5, $0xb8;
	[tilespmem:$0xE358] =	vst v63  }
0x10a: {  	_ =	swait.ge [sflag:s10], $0x1900  }
0x10b: {  	[sflag:s10] =	ssyncset.done $0x0  }
0x10c: {  	s1 =	simm.s32 $0x9858;
	[sflag:s10] =	ssyncadd.s32 $0xFFFFE700  }
0x10d: {  	[tilespmem:s1], [sflag:$0xE] =	stream.indirect.gather.add.f32 [spmem:s3], $0x20, s4, s5, $0xb8;
	[tilespmem:$0xE358] =	vst v63  }
0x10e: {  	_ =	swait.ge [sflag:s29], $0x1900  }
0x10f: {  	[sflag:s29] =	ssyncset.done $0x0  }
0x110: {  	s9 =	rddreg [dreg:$0x12];
	[sflag:s29] =	ssyncadd.s32 $0xFFFFE700  }
0x111: {  	[hbm4b:s9+s22] =	stream.linear.scatter [tilespmem:s23], [sflag:$0x15], $0x1900, $0x38;
	[tilespmem:$0xE358] =	vst v63  }
0x112: {  	_ =	swait.ge [sflag:s28], $0x1900  }
0x113: {  	s21 =	sld [smem:$0x7F2]  }
0x114: {  	[sflag:s28] =	ssyncset.done $0x0  }
0x115: {  	[sflag:s28] =	ssyncadd.s32 $0xFFFFE700  }
0x116: {  	[tilespmem:s23], [sflag:$0x5] =	stream.indirect.gather [hbm4b:s19+s5], $0x20, s21, s5, $0xb8;
	[tilespmem:$0xE358] =	vst v63  }
0x117: {  	_ =	swait.ge [sflag:s24], $0x1900  }
0x118: {  	[sflag:s24] =	ssyncset.done $0x0  }
0x119: {  	s23 =	simm.s32 $0xB158;
	[sflag:s24] =	ssyncadd.s32 $0xFFFFE700  }
0x11a: {  	[tilespmem:s23], [sflag:$0xF] =	stream.indirect.gather.add.f32 [spmem:s3], $0x20, s4, s5, $0xb8;
	[tilespmem:$0xE358] =	vst v63  }
0x11b: {  	_ =	swait.ge [sflag:s30], $0x1900  }
0x11c: {  	[sflag:s30] =	ssyncset.done $0x0  }
0x11d: {  	s2 =	rddreg [dreg:$0x13];
	[sflag:s30] =	ssyncadd.s32 $0xFFFFE700  }
0x11e: {  	[hbm4b:s2+s22] =	stream.linear.scatter [tilespmem:s1], [sflag:$0x16], $0x1900, $0x38;
	[tilespmem:$0xE358] =	vst v63  }
0x11f: {  	_ =	swait.ge [sflag:s31], $0x1900  }
0x120: {  	s6 =	sld [smem:$0x7F3]  }
0x121: {  	[sflag:s31] =	ssyncset.done $0x0  }
0x122: {  	[sflag:s31] =	ssyncadd.s32 $0xFFFFE700  }
0x123: {  	[tilespmem:s1], [sflag:$0x6] =	stream.indirect.gather [hbm4b:s19+s5], $0x20, s6, s5, $0xb8;
	[tilespmem:$0xE358] =	vst v63  }
0x124: {  	_ =	swait.ge [sflag:s7], $0x1900  }
0x125: {  	[sflag:s7] =	ssyncset.done $0x0  }
0x126: {  	s1 =	simm.s32 $0xCA58;
	[sflag:s7] =	ssyncadd.s32 $0xFFFFE700  }
0x127: {  	[tilespmem:s1], [sflag:$0x10] =	stream.indirect.gather.add.f32 [spmem:s3], $0x20, s4, s5, $0xb8;
	[tilespmem:$0xE358] =	vst v63  }
0x128: {  	_ =	swait.ge [sflag:s8], $0x1900  }
0x129: {  	[sflag:s8] =	ssyncset.done $0x0  }
0x12a: {  	s9 =	rddreg [dreg:$0x14];
	[sflag:s8] =	ssyncadd.s32 $0xFFFFE700  }
0x12b: {  	[hbm4b:s9+s22] =	stream.linear.scatter [tilespmem:s23], [sflag:$0x17], $0x1900, $0x38;
	[tilespmem:$0xE358] =	vst v63  }
0x12c: {  	_ =	swait.ge [sflag:s15], $0x1900  }
0x12d: {  	s21 =	sld [smem:$0x7F4]  }
0x12e: {  	[sflag:s15] =	ssyncset.done $0x0  }
0x12f: {  	[sflag:s15] =	ssyncadd.s32 $0xFFFFE700  }
0x130: {  	[tilespmem:s23], [sflag:$0x7] =	stream.indirect.gather [hbm4b:s19+s5], $0x20, s21, s5, $0xb8;
	[tilespmem:$0xE358] =	vst v63  }
0x131: {  	_ =	swait.ge [sflag:s18], $0x1900  }
0x132: {  	[sflag:s18] =	ssyncset.done $0x0  }
0x133: {  	s6 =	simm.s32 $0x1B58;
	s23 =	simm.s32 $0x10;
	[sflag:s18] =	ssyncadd.s32 $0xFFFFE700  }
0x134: {  	[tilespmem:s6], [sflag:$0x9] =	stream.indirect.gather.add.f32 [spmem:s3], $0x20, s4, s5, $0xb8;
	[tilespmem:$0xE358] =	vst v63  }
0x135: {  	_ =	swait.ge [sflag:s23], $0x1900  }
0x136: {  	[sflag:s23] =	ssyncset.done $0x0  }
0x137: {  	s21 =	simm.s32 $0x18;
	s2 =	rddreg [dreg:$0x15];
	[sflag:s23] =	ssyncadd.s32 $0xFFFFE700  }
0x138: {  	[hbm4b:s2+s22] =	stream.linear.scatter [tilespmem:s1], [sflag:$0x18], $0x1900, $0x38;
	[tilespmem:$0xE358] =	vst v63  }
0x139: {  	_ =	swait.ge [sflag:s21], $0x1900  }
0x13a: {  	s0 =	sld [smem:$0x7F5]  }
0x13b: {  	[sflag:s21] =	ssyncset.done $0x0  }
0x13c: {  	s23 =	simm.s32 $0xCA58;
	[sflag:s21] =	ssyncadd.s32 $0xFFFFE700  }
0x13d: {  	[tilespmem:s23], [sflag:$0x8] =	stream.indirect.gather [hbm4b:s19+s5], $0x20, s0, s5, $0xb8;
	[tilespmem:$0xE358] =	vst v63  }
0x13e: {  	_ =	swait.ge [sflag:s25], $0x1900  }
0x13f: {  	[sflag:s25] =	ssyncset.done $0x0  }
0x140: {  	s2 =	simm.s32 $0x3458;
	[sflag:s25] =	ssyncadd.s32 $0xFFFFE700  }
0x141: {  	[tilespmem:s2], [sflag:$0xA] =	stream.indirect.gather.add.f32 [spmem:s3], $0x20, s4, s5, $0xb8;
	[tilespmem:$0xE358] =	vst v63  }
0x142: {  	_ =	swait.ge [sflag:s26], $0x1900  }
0x143: {  	[sflag:s26] =	ssyncset.done $0x0  }
0x144: {  	s12 =	simm.s32 $0x11;
	s1 =	rddreg [dreg:$0x16];
	[sflag:s26] =	ssyncadd.s32 $0xFFFFE700  }
0x145: {  	[hbm4b:s1+s22] =	stream.linear.scatter [tilespmem:s6], [sflag:$0x11], $0x1900, $0x38;
	[tilespmem:$0xE358] =	vst v63  }
0x146: {  	_ =	swait.ge [sflag:s12], $0x1900  }
0x147: {  	s21 =	sld [smem:$0x7F6]  }
0x148: {  	[sflag:s12] =	ssyncset.done $0x0  }
0x149: {  	[sflag:s12] =	ssyncadd.s32 $0xFFFFE700  }
0x14a: {  	[tilespmem:s6], [sflag:$0x1] =	stream.indirect.gather [hbm4b:s19+s5], $0x20, s21, s5, $0xb8;
	[tilespmem:$0xE358] =	vst v63  }
0x14b: {  	_ =	swait.ge [sflag:s20], $0x1900  }
0x14c: {  	[sflag:s20] =	ssyncset.done $0x0  }
0x14d: {  	s6 =	simm.s32 $0x4D58;
	[sflag:s20] =	ssyncadd.s32 $0xFFFFE700  }
0x14e: {  	[tilespmem:s6], [sflag:$0xB] =	stream.indirect.gather.add.f32 [spmem:s3], $0x20, s4, s5, $0xb8;
	[tilespmem:$0xE358] =	vst v63  }
0x14f: {  	_ =	swait.ge [sflag:s17], $0x1900  }
0x150: {  	[sflag:s17] =	ssyncset.done $0x0  }
0x151: {  	s21 =	simm.s32 $0x12;
	s1 =	rddreg [dreg:$0x17];
	[sflag:s17] =	ssyncadd.s32 $0xFFFFE700  }
0x152: {  	[hbm4b:s1+s22] =	stream.linear.scatter [tilespmem:s2], [sflag:$0x12], $0x1900, $0x38;
	[tilespmem:$0xE358] =	vst v63  }
0x153: {  	_ =	swait.ge [sflag:s21], $0x1900  }
0x154: {  	s1 =	sld [smem:$0x7F7]  }
0x155: {  	[sflag:s21] =	ssyncset.done $0x0  }
0x156: {  	[sflag:s21] =	ssyncadd.s32 $0xFFFFE700  }
0x157: {  	[tilespmem:s2], [sflag:$0x2] =	stream.indirect.gather [hbm4b:s19+s5], $0x20, s1, s5, $0xb8;
	[tilespmem:$0xE358] =	vst v63  }
0x158: {  	_ =	swait.ge [sflag:s16], $0x1900  }
0x159: {  	[sflag:s16] =	ssyncset.done $0x0  }
0x15a: {  	s0 =	simm.s32 $0x6658;
	[sflag:s16] =	ssyncadd.s32 $0xFFFFE700  }
0x15b: {  	[tilespmem:s0], [sflag:$0xC] =	stream.indirect.gather.add.f32 [spmem:s3], $0x20, s4, s5, $0xb8;
	[tilespmem:$0xE358] =	vst v63  }
0x15c: {  	_ =	swait.ge [sflag:s14], $0x1900  }
0x15d: {  	[sflag:s14] =	ssyncset.done $0x0  }
0x15e: {  	s21 =	simm.s32 $0x13;
	s2 =	rddreg [dreg:$0x18];
	[sflag:s14] =	ssyncadd.s32 $0xFFFFE700  }
0x15f: {  	[hbm4b:s2+s22] =	stream.linear.scatter [tilespmem:s6], [sflag:$0x13], $0x1900, $0x38;
	[tilespmem:$0xE358] =	vst v63  }
0x160: {  	_ =	swait.ge [sflag:s21], $0x1900  }
0x161: {  	s1 =	sld [smem:$0x7F8]  }
0x162: {  	[sflag:s21] =	ssyncset.done $0x0  }
0x163: {  	[sflag:s21] =	ssyncadd.s32 $0xFFFFE700  }
0x164: {  	[tilespmem:s6], [sflag:$0x3] =	stream.indirect.gather [hbm4b:s19+s5], $0x20, s1, s5, $0xb8;
	[tilespmem:$0xE358] =	vst v63  }
0x165: {  	_ =	swait.ge [sflag:s11], $0x1900  }
0x166: {  	[sflag:s11] =	ssyncset.done $0x0  }
0x167: {  	s1 =	simm.s32 $0x7F58;
	[sflag:s11] =	ssyncadd.s32 $0xFFFFE700  }
0x168: {  	[tilespmem:s1], [sflag:$0xD] =	stream.indirect.gather.add.f32 [spmem:s3], $0x20, s4, s5, $0xb8;
	[tilespmem:$0xE358] =	vst v63  }
0x169: {  	_ =	swait.ge [sflag:s13], $0x1900  }
0x16a: {  	[sflag:s13] =	ssyncset.done $0x0  }
0x16b: {  	s2 =	simm.s32 $0x14;
	s21 =	rddreg [dreg:$0x19];
	[sflag:s13] =	ssyncadd.s32 $0xFFFFE700  }
0x16c: {  	[hbm4b:s21+s22] =	stream.linear.scatter [tilespmem:s0], [sflag:$0x14], $0x1900, $0x38;
	[tilespmem:$0xE358] =	vst v63  }
0x16d: {  	_ =	swait.ge [sflag:s2], $0x1900  }
0x16e: {  	s6 =	sld [smem:$0x7F9]  }
0x16f: {  	[sflag:s2] =	ssyncset.done $0x0  }
0x170: {  	[sflag:s2] =	ssyncadd.s32 $0xFFFFE700  }
0x171: {  	[tilespmem:s0], [sflag:$0x4] =	stream.indirect.gather [hbm4b:s19+s5], $0x20, s6, s5, $0xb8;
	[tilespmem:$0xE358] =	vst v63  }
0x172: {  	_ =	swait.ge [sflag:s10], $0x1900  }
0x173: {  	[sflag:s10] =	ssyncset.done $0x0  }
0x174: {  	s0 =	simm.s32 $0x9858;
	[sflag:s10] =	ssyncadd.s32 $0xFFFFE700  }
0x175: {  	[tilespmem:s0], [sflag:$0xE] =	stream.indirect.gather.add.f32 [spmem:s3], $0x20, s4, s5, $0xb8;
	[tilespmem:$0xE358] =	vst v63  }
0x176: {  	_ =	swait.ge [sflag:s29], $0x1900  }
0x177: {  	[sflag:s29] =	ssyncset.done $0x0  }
0x178: {  	s2 =	rddreg [dreg:$0x1a];
	[sflag:s29] =	ssyncadd.s32 $0xFFFFE700  }
0x179: {  	[hbm4b:s2+s22] =	stream.linear.scatter [tilespmem:s1], [sflag:$0x15], $0x1900, $0x38;
	[tilespmem:$0xE358] =	vst v63  }
0x17a: {  	_ =	swait.ge [sflag:s28], $0x1900  }
0x17b: {  	s6 =	sld [smem:$0x7FA]  }
0x17c: {  	[sflag:s28] =	ssyncset.done $0x0  }
0x17d: {  	[sflag:s28] =	ssyncadd.s32 $0xFFFFE700  }
0x17e: {  	[tilespmem:s1], [sflag:$0x5] =	stream.indirect.gather [hbm4b:s19+s5], $0x20, s6, s5, $0xb8;
	[tilespmem:$0xE358] =	vst v63  }
0x17f: {  	_ =	swait.ge [sflag:s24], $0x1900  }
0x180: {  	[sflag:s24] =	ssyncset.done $0x0  }
0x181: {  	s1 =	simm.s32 $0xB158;
	[sflag:s24] =	ssyncadd.s32 $0xFFFFE700  }
0x182: {  	[tilespmem:s1], [sflag:$0xF] =	stream.indirect.gather.add.f32 [spmem:s3], $0x20, s4, s5, $0xb8;
	[tilespmem:$0xE358] =	vst v63  }
0x183: {  	_ =	swait.ge [sflag:s30], $0x1900  }
0x184: {  	[sflag:s30] =	ssyncset.done $0x0  }
0x185: {  	s2 =	rddreg [dreg:$0x1b];
	[sflag:s30] =	ssyncadd.s32 $0xFFFFE700  }
0x186: {  	[hbm4b:s2+s22] =	stream.linear.scatter [tilespmem:s0], [sflag:$0x16], $0x1900, $0x38;
	[tilespmem:$0xE358] =	vst v63  }
0x187: {  	_ =	swait.ge [sflag:s31], $0x1900  }
0x188: {  	s2 =	sld [smem:$0x7FB]  }
0x189: {  	[sflag:s31] =	ssyncset.done $0x0  }
0x18a: {  	[sflag:s31] =	ssyncadd.s32 $0xFFFFE700  }
0x18b: {  	[tilespmem:s0], [sflag:$0x6] =	stream.indirect.gather [hbm4b:s19+s5], $0x20, s2, s5, $0xb8;
	[tilespmem:$0xE358] =	vst v63  }
0x18c: {  	_ =	swait.ge [sflag:s7], $0x1900  }
0x18d: {  	[sflag:s7] =	ssyncset.done $0x0  }
0x18e: {  	[sflag:s7] =	ssyncadd.s32 $0xFFFFE700  }
0x18f: {  	[tilespmem:s23], [sflag:$0x10] =	stream.indirect.gather.add.f32 [spmem:s3], $0x20, s4, s5, $0xb8;
	[tilespmem:$0xE358] =	vst v63  }
0x190: {  	_ =	swait.ge [sflag:s8], $0x1900  }
0x191: {  	[sflag:s8] =	ssyncset.done $0x0  }
0x192: {  	s0 =	rddreg [dreg:$0x1c];
	[sflag:s8] =	ssyncadd.s32 $0xFFFFE700  }
0x193: {  	[hbm4b:s0+s22] =	stream.linear.scatter [tilespmem:s1], [sflag:$0x17], $0x1900, $0x38;
	[tilespmem:$0xE358] =	vst v63  }
0x194: {  	_ =	swait.ge [sflag:s15], $0x1900  }
0x195: {  	s0 =	sld [smem:$0x7FC]  }
0x196: {  	[sflag:s15] =	ssyncset.done $0x0  }
0x197: {  	[sflag:s15] =	ssyncadd.s32 $0xFFFFE700  }
0x198: {  	[tilespmem:s1], [sflag:$0x7] =	stream.indirect.gather [hbm4b:s19+s5], $0x20, s0, s5, $0xb8;
	[tilespmem:$0xE358] =	vst v63  }
0x199: {  	_ =	swait.ge [sflag:s18], $0x1900  }
0x19a: {  	[sflag:s18] =	ssyncset.done $0x0  }
0x19b: {  	s9 =	simm.s32 $0x10;
	[sflag:s18] =	ssyncadd.s32 $0xFFFFE700;
	s18 =	simm.s32 $0x1B58  }
0x19c: {  	[tilespmem:s18], [sflag:$0x9] =	stream.indirect.gather.add.f32 [spmem:s3], $0x20, s4, s5, $0xb8;
	[tilespmem:$0xE358] =	vst v63  }
0x19d: {  	_ =	swait.ge [sflag:s9], $0x1900  }
0x19e: {  	[sflag:s9] =	ssyncset.done $0x0  }
0x19f: {  	s1 =	rddreg [dreg:$0x1d];
	[sflag:s9] =	ssyncadd.s32 $0xFFFFE700  }
0x1a0: {  	[hbm4b:s1+s22] =	stream.linear.scatter [tilespmem:s23], [sflag:$0x18], $0x1900, $0x38;
	[tilespmem:$0xE358] =	vst v63  }
0x1a1: {  	s1 =	simm.s32 $0x18  }
0x1a2: {  	_ =	swait.ge [sflag:s1], $0x1900  }
0x1a3: {  	s12 =	sld [smem:$0x7FD]  }
0x1a4: {  	[sflag:s1] =	ssyncset.done $0x0  }
0x1a5: {  	[sflag:s1] =	ssyncadd.s32 $0xFFFFE700  }
0x1a6: {  	[tilespmem:s23], [sflag:$0x8] =	stream.indirect.gather [hbm4b:s19+s5], $0x20, s12, s5, $0xb8;
	[tilespmem:$0xE358] =	vst v63  }
0x1a7: {  	_ =	swait.ge [sflag:s25], $0x1900  }
0x1a8: {  	[sflag:s25] =	ssyncset.done $0x0  }
0x1a9: {  	[sflag:s25] =	ssyncadd.s32 $0xFFFFE700;
	s25 =	simm.s32 $0x3458  }
0x1aa: {  	[tilespmem:s25], [sflag:$0xA] =	stream.indirect.gather.add.f32 [spmem:s3], $0x20, s4, s5, $0xb8;
	[tilespmem:$0xE358] =	vst v63  }
0x1ab: {  	_ =	swait.ge [sflag:s26], $0x1900  }
0x1ac: {  	[sflag:s26] =	ssyncset.done $0x0  }
0x1ad: {  	s12 =	rddreg [dreg:$0x1e];
	[sflag:s26] =	ssyncadd.s32 $0xFFFFE700  }
0x1ae: {  	[hbm4b:s12+s22] =	stream.linear.scatter [tilespmem:s18], [sflag:$0x11], $0x1900, $0x38;
	[tilespmem:$0xE358] =	vst v63  }
0x1af: {  	_ =	swait.ge [sflag:s20], $0x1900  }
0x1b0: {  	[sflag:s20] =	ssyncset.done $0x0  }
0x1b1: {  	s18 =	simm.s32 $0x4D58;
	[sflag:s20] =	ssyncadd.s32 $0xFFFFE700  }
0x1b2: {  	[tilespmem:s18], [sflag:$0xB] =	stream.indirect.gather.add.f32 [spmem:s3], $0x20, s4, s5, $0xb8;
	[tilespmem:$0xE358] =	vst v63  }
0x1b3: {  	_ =	swait.ge [sflag:s17], $0x1900  }
0x1b4: {  	[sflag:s17] =	ssyncset.done $0x0  }
0x1b5: {  	s20 =	rddreg [dreg:$0x1f];
	[sflag:s17] =	ssyncadd.s32 $0xFFFFE700  }
0x1b6: {  	[hbm4b:s20+s22] =	stream.linear.scatter [tilespmem:s25], [sflag:$0x12], $0x1900, $0x38;
	[tilespmem:$0xE358] =	vst v63  }
0x1b7: {  	_ =	swait.ge [sflag:s16], $0x1900  }
0x1b8: {  	[sflag:s16] =	ssyncset.done $0x0  }
0x1b9: {  	s21 =	simm.s32 $0x6658;
	[sflag:s16] =	ssyncadd.s32 $0xFFFFE700  }
0x1ba: {  	[tilespmem:s21], [sflag:$0xC] =	stream.indirect.gather.add.f32 [spmem:s3], $0x20, s4, s5, $0xb8;
	[tilespmem:$0xE358] =	vst v63  }
0x1bb: {  	_ =	swait.ge [sflag:s14], $0x1900  }
0x1bc: {  	s26 =	sld [smem:$0x7DA]  }
0x1bd: {  	[sflag:s14] =	ssyncset.done $0x0  }
0x1be: {  	[sflag:s14] =	ssyncadd.s32 $0xFFFFE700  }
0x1bf: {  	[hbm4b:s26+s22] =	stream.linear.scatter [tilespmem:s18], [sflag:$0x13], $0x1900, $0x38;
	[tilespmem:$0xE358] =	vst v63  }
0x1c0: {  	_ =	swait.ge [sflag:s11], $0x1900  }
0x1c1: {  	[sflag:s11] =	ssyncset.done $0x0  }
0x1c2: {  	s6 =	simm.s32 $0x7F58;
	[sflag:s11] =	ssyncadd.s32 $0xFFFFE700  }
0x1c3: {  	[tilespmem:s6], [sflag:$0xD] =	stream.indirect.gather.add.f32 [spmem:s3], $0x20, s4, s5, $0xb8;
	[tilespmem:$0xE358] =	vst v63  }
0x1c4: {  	_ =	swait.ge [sflag:s13], $0x1900  }
0x1c5: {  	s14 =	sld [smem:$0x7DB]  }
0x1c6: {  	[sflag:s13] =	ssyncset.done $0x0  }
0x1c7: {  	[sflag:s13] =	ssyncadd.s32 $0xFFFFE700  }
0x1c8: {  	[hbm4b:s14+s22] =	stream.linear.scatter [tilespmem:s21], [sflag:$0x14], $0x1900, $0x38;
	[tilespmem:$0xE358] =	vst v63  }
0x1c9: {  	_ =	swait.ge [sflag:s10], $0x1900  }
0x1ca: {  	[sflag:s10] =	ssyncset.done $0x0  }
0x1cb: {  	s2 =	simm.s32 $0x9858;
	[sflag:s10] =	ssyncadd.s32 $0xFFFFE700  }
0x1cc: {  	[tilespmem:s2], [sflag:$0xE] =	stream.indirect.gather.add.f32 [spmem:s3], $0x20, s4, s5, $0xb8;
	[tilespmem:$0xE358] =	vst v63  }
0x1cd: {  	_ =	swait.ge [sflag:s29], $0x1900  }
0x1ce: {  	s16 =	sld [smem:$0x7DC]  }
0x1cf: {  	[sflag:s29] =	ssyncset.done $0x0  }
0x1d0: {  	[sflag:s29] =	ssyncadd.s32 $0xFFFFE700  }
0x1d1: {  	[hbm4b:s16+s22] =	stream.linear.scatter [tilespmem:s6], [sflag:$0x15], $0x1900, $0x38;
	[tilespmem:$0xE358] =	vst v63  }
0x1d2: {  	_ =	swait.ge [sflag:s24], $0x1900  }
0x1d3: {  	[sflag:s24] =	ssyncset.done $0x0  }
0x1d4: {  	s0 =	simm.s32 $0xB158;
	[sflag:s24] =	ssyncadd.s32 $0xFFFFE700  }
0x1d5: {  	[tilespmem:s0], [sflag:$0xF] =	stream.indirect.gather.add.f32 [spmem:s3], $0x20, s4, s5, $0xb8;
	[tilespmem:$0xE358] =	vst v63  }
0x1d6: {  	_ =	swait.ge [sflag:s30], $0x1900  }
0x1d7: {  	s17 =	sld [smem:$0x7DD]  }
0x1d8: {  	[sflag:s30] =	ssyncset.done $0x0  }
0x1d9: {  	[sflag:s30] =	ssyncadd.s32 $0xFFFFE700  }
0x1da: {  	[hbm4b:s17+s22] =	stream.linear.scatter [tilespmem:s2], [sflag:$0x16], $0x1900, $0x38;
	[tilespmem:$0xE358] =	vst v63  }
0x1db: {  	_ =	swait.ge [sflag:s7], $0x1900  }
0x1dc: {  	[sflag:s7] =	ssyncset.done $0x0  }
0x1dd: {  	[sflag:s7] =	ssyncadd.s32 $0xFFFFE700  }
0x1de: {  	[tilespmem:s23], [sflag:$0x10] =	stream.indirect.gather.add.f32 [spmem:s3], $0x20, s4, s5, $0xb8;
	[tilespmem:$0xE358] =	vst v63  }
0x1df: {  	_ =	swait.ge [sflag:s8], $0x1900  }
0x1e0: {  	s18 =	sld [smem:$0x7DE]  }
0x1e1: {  	[sflag:s8] =	ssyncset.done $0x0  }
0x1e2: {  	[sflag:s8] =	ssyncadd.s32 $0xFFFFE700  }
0x1e3: {  	[hbm4b:s18+s22] =	stream.linear.scatter [tilespmem:s0], [sflag:$0x17], $0x1900, $0x38;
	[tilespmem:$0xE358] =	vst v63  }
0x1e4: {  	_ =	swait.ge [sflag:s9], $0x1900  }
0x1e5: {  	s20 =	sld [smem:$0x7DF]  }
0x1e6: {  	[sflag:s9] =	ssyncset.done $0x0  }
0x1e7: {  	s21 =	simm.s32 $0x11;
	[sflag:s9] =	ssyncadd.s32 $0xFFFFE700  }
0x1e8: {  	[hbm4b:s20+s22] =	stream.linear.scatter [tilespmem:s23], [sflag:$0x18], $0x1900, $0x38;
	[tilespmem:$0xE358] =	vst v63  }
0x1e9: {  	_ =	swait.ge [sflag:s21], $0x1900  }
0x1ea: {  	[sflag:s21] =	ssyncset.done $0x0  }
0x1eb: {  	s23 =	simm.s32 $0x12;
	[sflag:s21] =	ssyncadd.s32 $0xFFFFE700  }
0x1ec: {  	_ =	swait.ge [sflag:s23], $0x1900  }
0x1ed: {  	[sflag:s23] =	ssyncset.done $0x0  }
0x1ee: {  	s25 =	simm.s32 $0x13;
	[sflag:s23] =	ssyncadd.s32 $0xFFFFE700  }
0x1ef: {  	_ =	swait.ge [sflag:s25], $0x1900  }
0x1f0: {  	[sflag:s25] =	ssyncset.done $0x0  }
0x1f1: {  	s26 =	simm.s32 $0x14;
	[sflag:s25] =	ssyncadd.s32 $0xFFFFE700  }
0x1f2: {  	_ =	swait.ge [sflag:s26], $0x1900  }
0x1f3: {  	[sflag:s26] =	ssyncset.done $0x0  }
0x1f4: {  	[sflag:s26] =	ssyncadd.s32 $0xFFFFE700  }
0x1f5: {  	_ =	swait.ge [sflag:s28], $0x1900  }
0x1f6: {  	[sflag:s28] =	ssyncset.done $0x0  }
0x1f7: {  	[sflag:s28] =	ssyncadd.s32 $0xFFFFE700  }
0x1f8: {  	_ =	swait.ge [sflag:s31], $0x1900  }
0x1f9: {  	[sflag:s31] =	ssyncset.done $0x0  }
0x1fa: {  	[sflag:s31] =	ssyncadd.s32 $0xFFFFE700  }
0x1fb: {  	_ =	swait.ge [sflag:s15], $0x1900  }
0x1fc: {  	s29 =	sld [smem:$0x7D8];
	_ =	sdelay $0x2  }
0x1fd: {  	p1 =	sne.s32 s29, $0x1  }
.Ltmp1:
0x1fe: {  	p0 =	por $0x1, $0x1;
	(pc) =	sbr.rel @!p1 .LBB2_7-.Ltmp1, $4  }
0x1ff: {  	s1 =	simm.s32 $0x18;
	s14 =	simm.s32 $0x18;
	[sflag:s15] =	ssyncset.done $0x0  }
0x200: {  	s24 =	smov.u32 s3;
	s30 =	simm.s32 $0x1B58;
	[sflag:s15] =	ssyncadd.s32 $0xFFFFE700  }
0x201: {  	s21 =	simm.s32 $0x3458;
	s31 =	simm.s32 $0x10;
	_ =	swait.ge [sflag:s1], $0x1900  }
0x202: {  	s0 =	sadd.s32 $0xFFFFFFFF, s29;
	s13 =	rddreg [dreg:$0x6];
	[sflag:s1] =	ssyncset.done $0x0  }
0x203: {  	s25 =	simm.s32 $0x1900  }
0x204: {  	s29 =	simm.s32 $0x9;
	s20 =	simm.s32 $0x3;
	s11 =	simm.s32 $0xA  }
0x205: {  	s16 =	simm.s32 $0x4;
	s7 =	simm.s32 $0x5;
	s8 =	simm.s32 $0xC  }
0x206: {  	s6 =	simm.s32 $0x6;
	s12 =	simm.s32 $0xD;
	s23 =	simm.s32 $0x16  }
0x207: {  	s28 =	simm.s32 $0x8;
	s26 =	simm.s32 $0xF;
	s17 =	simm.s32 $0x17  }
.LBB2_4:
0x208: {  	s9 =	sadd.s32 $0xFFFFFFFF, s0  }
0x209: {  	[sflag:s14] =	ssyncadd.s32 $0xFFFFE700;
	s10 =	simm.s32 $0x19;
	[smem:$0x7D5] =	sst s9  }
0x20a: {  	[tilespmem:s22], [sflag:$0x19] =	stream.linear.gather [hbm4b:s13+s22], $0x1900, $0x38;
	[tilespmem:$0xE358] =	vst v63  }
0x20b: {  	_ =	swait.ge [sflag:s10], $0x1900  }
0x20c: {  	[sflag:s10] =	ssyncset.done $0x0  }
0x20d: {  	s14 =	rddreg [dreg:$0x5];
	[sflag:s10] =	ssyncadd.s32 $0xFFFFE700  }
0x20e: {  	[tilespmem:s4], [sflag:$0x19] =	stream.linear.gather [hbm4b:s14+s22], $0xC8, $0x38;
	[tilespmem:$0xE358] =	vst v63  }
0x20f: {  	_ =	swait.ge [sflag:s10], $0xC8  }
0x210: {  	s1 =	sld [smem:$0x7D6]  }
0x211: {  	s9 =	sld [smem:$0x7D7]  }
0x212: {  	[sflag:s10] =	ssyncset.done $0x0  }
0x213: {  	s15 =	rddreg [dreg:$0x4];
	[sflag:s10] =	ssyncadd.s32 $0xFFFFFF38  }
0x214: {  	[spmem:s9], [sflag:s1] =	dma.local [hbm:s15], $0x320  }
0x215: {  	_ =	swait.ge [sflag:s10], $0x320  }
0x216: {  	[sflag:s10] =	ssyncset.done $0x0  }
0x217: {  	[sflag:s10] =	ssyncadd.s32 $0xFFFFFCE0  }
0x218: {  	[tilespmem:s30], [sflag:$0x1] =	stream.indirect.gather [hbm4b:s19+s5], $0x20, s22, s5, $0xb8;
	[tilespmem:$0xE358] =	vst v63  }
0x219: {  	s18 =	sld [smem:$0x7E0]  }
0x21a: {  	[tilespmem:s21], [sflag:$0x2] =	stream.indirect.gather [hbm4b:s19+s5], $0x20, s5, s5, $0xb8;
	[tilespmem:$0xE358] =	vst v63  }
0x21b: {  	s22 =	simm.s32 $0x4D58;
	s21 =	sld [smem:$0x7E1]  }
0x21c: {  	[tilespmem:s22], [sflag:$0x3] =	stream.indirect.gather [hbm4b:s19+s5], $0x20, s18, s5, $0xb8;
	[tilespmem:$0xE358] =	vst v63  }
0x21d: {  	s4 =	simm.s32 $0x6658;
	s1 =	sld [smem:$0x7E2]  }
0x21e: {  	[tilespmem:s4], [sflag:$0x4] =	stream.indirect.gather [hbm4b:s19+s5], $0x20, s21, s5, $0xb8;
	[tilespmem:$0xE358] =	vst v63  }
0x21f: {  	s9 =	sld [smem:$0x7E3];
	s10 =	simm.s32 $0x7F58  }
0x220: {  	[tilespmem:s10], [sflag:$0x5] =	stream.indirect.gather [hbm4b:s19+s5], $0x20, s1, s5, $0xb8;
	[tilespmem:$0xE358] =	vst v63  }
0x221: {  	s15 =	sld [smem:$0x7E4];
	s18 =	simm.s32 $0x9858  }
0x222: {  	[tilespmem:s18], [sflag:$0x6] =	stream.indirect.gather [hbm4b:s19+s5], $0x20, s9, s5, $0xb8;
	[tilespmem:$0xE358] =	vst v63  }
0x223: {  	s21 =	simm.s32 $0xB158;
	s18 =	simm.s32 $0x1  }
0x224: {  	[tilespmem:s21], [sflag:$0x7] =	stream.indirect.gather [hbm4b:s19+s5], $0x20, s15, s5, $0xb8;
	[tilespmem:$0xE358] =	vst v63  }
0x225: {  	_ =	swait.ge [sflag:s18], $0x1900  }
0x226: {  	p1 =	sne.s32 s0, $0x1;
	[sflag:s18] =	ssyncset.done $0x0  }
0x227: {  	s31 =	simm.s32 $0x1B58;
	s0 =	sld [smem:$0x7E5];
	[sflag:s18] =	ssyncadd.s32 $0xFFFFE700  }
0x228: {  	[tilespmem:s31], [sflag:$0x9] =	stream.indirect.gather.add.f32 [spmem:s24], $0x20, s25, s5, $0xb8;
	[tilespmem:$0xE358] =	vst v63  }
0x229: {  	s9 =	simm.s32 $0xCA58;
	s15 =	simm.s32 $0x2  }
0x22a: {  	[tilespmem:s9], [sflag:$0x8] =	stream.indirect.gather [hbm4b:s19+s5], $0x20, s0, s5, $0xb8;
	[tilespmem:$0xE358] =	vst v63  }
0x22b: {  	_ =	swait.ge [sflag:s15], $0x1900  }
0x22c: {  	[sflag:s15] =	ssyncset.done $0x0  }
0x22d: {  	s30 =	simm.s32 $0x3458;
	[sflag:s15] =	ssyncadd.s32 $0xFFFFE700  }
0x22e: {  	[tilespmem:s30], [sflag:$0xA] =	stream.indirect.gather.add.f32 [spmem:s24], $0x20, s25, s5, $0xb8;
	[tilespmem:$0xE358] =	vst v63  }
0x22f: {  	_ =	swait.ge [sflag:s29], $0x1900  }
0x230: {  	s10 =	sld [smem:$0x7D9]  }
0x231: {  	[sflag:s29] =	ssyncset.done $0x0  }
0x232: {  	s13 =	simm.s32 $0x11;
	s4 =	simm.s32 $0x0;
	[sflag:s29] =	ssyncadd.s32 $0xFFFFE700  }
0x233: {  	[hbm4b:s10+s4] =	stream.linear.scatter [tilespmem:s31], [sflag:$0x11], $0x1900, $0x38;
	[tilespmem:$0xE358] =	vst v63  }
0x234: {  	_ =	swait.ge [sflag:s13], $0x1900  }
0x235: {  	s9 =	sld [smem:$0x7E6]  }
0x236: {  	[sflag:s13] =	ssyncset.done $0x0  }
0x237: {  	[sflag:s13] =	ssyncadd.s32 $0xFFFFE700  }
0x238: {  	[tilespmem:s31], [sflag:$0x1] =	stream.indirect.gather [hbm4b:s19+s5], $0x20, s9, s5, $0xb8;
	[tilespmem:$0xE358] =	vst v63  }
0x239: {  	_ =	swait.ge [sflag:s20], $0x1900  }
0x23a: {  	[sflag:s20] =	ssyncset.done $0x0  }
0x23b: {  	s2 =	simm.s32 $0x4D58;
	[sflag:s20] =	ssyncadd.s32 $0xFFFFE700  }
0x23c: {  	[tilespmem:s2], [sflag:$0xB] =	stream.indirect.gather.add.f32 [spmem:s24], $0x20, s25, s5, $0xb8;
	[tilespmem:$0xE358] =	vst v63  }
0x23d: {  	_ =	swait.ge [sflag:s11], $0x1900  }
0x23e: {  	[sflag:s11] =	ssyncset.done $0x0  }
0x23f: {  	s13 =	simm.s32 $0x12;
	s10 =	rddreg [dreg:$0x7];
	[sflag:s11] =	ssyncadd.s32 $0xFFFFE700  }
0x240: {  	[hbm4b:s10+s4] =	stream.linear.scatter [tilespmem:s30], [sflag:$0x12], $0x1900, $0x38;
	[tilespmem:$0xE358] =	vst v63  }
0x241: {  	_ =	swait.ge [sflag:s13], $0x1900  }
0x242: {  	s9 =	sld [smem:$0x7E7]  }
0x243: {  	[sflag:s13] =	ssyncset.done $0x0  }
0x244: {  	[sflag:s13] =	ssyncadd.s32 $0xFFFFE700  }
0x245: {  	[tilespmem:s30], [sflag:$0x2] =	stream.indirect.gather [hbm4b:s19+s5], $0x20, s9, s5, $0xb8;
	[tilespmem:$0xE358] =	vst v63  }
0x246: {  	_ =	swait.ge [sflag:s16], $0x1900  }
0x247: {  	[sflag:s16] =	ssyncset.done $0x0  }
0x248: {  	s22 =	simm.s32 $0x6658;
	s9 =	simm.s32 $0xB;
	[sflag:s16] =	ssyncadd.s32 $0xFFFFE700  }
0x249: {  	[tilespmem:s22], [sflag:$0xC] =	stream.indirect.gather.add.f32 [spmem:s24], $0x20, s25, s5, $0xb8;
	[tilespmem:$0xE358] =	vst v63  }
0x24a: {  	_ =	swait.ge [sflag:s9], $0x1900  }
0x24b: {  	[sflag:s9] =	ssyncset.done $0x0  }
0x24c: {  	s13 =	simm.s32 $0x13;
	s10 =	rddreg [dreg:$0x8];
	[sflag:s9] =	ssyncadd.s32 $0xFFFFE700  }
0x24d: {  	[hbm4b:s10+s4] =	stream.linear.scatter [tilespmem:s2], [sflag:$0x13], $0x1900, $0x38;
	[tilespmem:$0xE358] =	vst v63  }
0x24e: {  	_ =	swait.ge [sflag:s13], $0x1900  }
0x24f: {  	s10 =	sld [smem:$0x7E8]  }
0x250: {  	[sflag:s13] =	ssyncset.done $0x0  }
0x251: {  	[sflag:s13] =	ssyncadd.s32 $0xFFFFE700  }
0x252: {  	[tilespmem:s2], [sflag:$0x3] =	stream.indirect.gather [hbm4b:s19+s5], $0x20, s10, s5, $0xb8;
	[tilespmem:$0xE358] =	vst v63  }
0x253: {  	_ =	swait.ge [sflag:s7], $0x1900  }
0x254: {  	[sflag:s7] =	ssyncset.done $0x0  }
0x255: {  	s1 =	simm.s32 $0x7F58;
	[sflag:s7] =	ssyncadd.s32 $0xFFFFE700  }
0x256: {  	[tilespmem:s1], [sflag:$0xD] =	stream.indirect.gather.add.f32 [spmem:s24], $0x20, s25, s5, $0xb8;
	[tilespmem:$0xE358] =	vst v63  }
0x257: {  	_ =	swait.ge [sflag:s8], $0x1900  }
0x258: {  	[sflag:s8] =	ssyncset.done $0x0  }
0x259: {  	s13 =	simm.s32 $0x14;
	s10 =	rddreg [dreg:$0x9];
	[sflag:s8] =	ssyncadd.s32 $0xFFFFE700  }
0x25a: {  	[hbm4b:s10+s4] =	stream.linear.scatter [tilespmem:s22], [sflag:$0x14], $0x1900, $0x38;
	[tilespmem:$0xE358] =	vst v63  }
0x25b: {  	_ =	swait.ge [sflag:s13], $0x1900  }
0x25c: {  	s2 =	sld [smem:$0x7E9]  }
0x25d: {  	[sflag:s13] =	ssyncset.done $0x0  }
0x25e: {  	[sflag:s13] =	ssyncadd.s32 $0xFFFFE700  }
0x25f: {  	[tilespmem:s22], [sflag:$0x4] =	stream.indirect.gather [hbm4b:s19+s5], $0x20, s2, s5, $0xb8;
	[tilespmem:$0xE358] =	vst v63  }
0x260: {  	_ =	swait.ge [sflag:s6], $0x1900  }
0x261: {  	[sflag:s6] =	ssyncset.done $0x0  }
0x262: {  	s14 =	simm.s32 $0x9858;
	[sflag:s6] =	ssyncadd.s32 $0xFFFFE700  }
0x263: {  	[tilespmem:s14], [sflag:$0xE] =	stream.indirect.gather.add.f32 [spmem:s24], $0x20, s25, s5, $0xb8;
	[tilespmem:$0xE358] =	vst v63  }
0x264: {  	_ =	swait.ge [sflag:s12], $0x1900  }
0x265: {  	[sflag:s12] =	ssyncset.done $0x0  }
0x266: {  	s13 =	simm.s32 $0x15;
	s10 =	rddreg [dreg:$0xa];
	[sflag:s12] =	ssyncadd.s32 $0xFFFFE700  }
0x267: {  	[hbm4b:s10+s4] =	stream.linear.scatter [tilespmem:s1], [sflag:$0x15], $0x1900, $0x38;
	[tilespmem:$0xE358] =	vst v63  }
0x268: {  	_ =	swait.ge [sflag:s13], $0x1900  }
0x269: {  	s24 =	sld [smem:$0x7EA]  }
0x26a: {  	[sflag:s13] =	ssyncset.done $0x0  }
0x26b: {  	[sflag:s13] =	ssyncadd.s32 $0xFFFFE700  }
0x26c: {  	[tilespmem:s1], [sflag:$0x5] =	stream.indirect.gather [hbm4b:s19+s5], $0x20, s24, s5, $0xb8;
	[tilespmem:$0xE358] =	vst v63  }
0x26d: {  	s24 =	simm.s32 $0x7  }
0x26e: {  	_ =	swait.ge [sflag:s24], $0x1900  }
0x26f: {  	[sflag:s24] =	ssyncset.done $0x0  }
0x270: {  	s21 =	simm.s32 $0xB158;
	s2 =	simm.s32 $0xE;
	[sflag:s24] =	ssyncadd.s32 $0xFFFFE700  }
0x271: {  	[tilespmem:s21], [sflag:$0xF] =	stream.indirect.gather.add.f32 [spmem:s3], $0x20, s25, s5, $0xb8;
	[tilespmem:$0xE358] =	vst v63  }
0x272: {  	_ =	swait.ge [sflag:s2], $0x1900  }
0x273: {  	[sflag:s2] =	ssyncset.done $0x0  }
0x274: {  	s0 =	rddreg [dreg:$0xb];
	[sflag:s2] =	ssyncadd.s32 $0xFFFFE700  }
0x275: {  	[hbm4b:s0+s4] =	stream.linear.scatter [tilespmem:s14], [sflag:$0x16], $0x1900, $0x38;
	[tilespmem:$0xE358] =	vst v63  }
0x276: {  	_ =	swait.ge [sflag:s23], $0x1900  }
0x277: {  	s10 =	sld [smem:$0x7EB]  }
0x278: {  	[sflag:s23] =	ssyncset.done $0x0  }
0x279: {  	[sflag:s23] =	ssyncadd.s32 $0xFFFFE700  }
0x27a: {  	[tilespmem:s14], [sflag:$0x6] =	stream.indirect.gather [hbm4b:s19+s5], $0x20, s10, s5, $0xb8;
	[tilespmem:$0xE358] =	vst v63  }
0x27b: {  	_ =	swait.ge [sflag:s28], $0x1900  }
0x27c: {  	[sflag:s28] =	ssyncset.done $0x0  }
0x27d: {  	s10 =	simm.s32 $0xCA58;
	[sflag:s28] =	ssyncadd.s32 $0xFFFFE700  }
0x27e: {  	[tilespmem:s10], [sflag:$0x10] =	stream.indirect.gather.add.f32 [spmem:s3], $0x20, s25, s5, $0xb8;
	[tilespmem:$0xE358] =	vst v63  }
0x27f: {  	_ =	swait.ge [sflag:s26], $0x1900  }
0x280: {  	[sflag:s26] =	ssyncset.done $0x0  }
0x281: {  	s0 =	rddreg [dreg:$0xc];
	[sflag:s26] =	ssyncadd.s32 $0xFFFFE700  }
0x282: {  	[hbm4b:s0+s4] =	stream.linear.scatter [tilespmem:s21], [sflag:$0x17], $0x1900, $0x38;
	[tilespmem:$0xE358] =	vst v63  }
0x283: {  	_ =	swait.ge [sflag:s17], $0x1900  }
0x284: {  	s0 =	sld [smem:$0x7EC]  }
0x285: {  	[sflag:s17] =	ssyncset.done $0x0  }
0x286: {  	[sflag:s17] =	ssyncadd.s32 $0xFFFFE700  }
0x287: {  	[tilespmem:s21], [sflag:$0x7] =	stream.indirect.gather [hbm4b:s19+s5], $0x20, s0, s5, $0xb8;
	[tilespmem:$0xE358] =	vst v63  }
0x288: {  	_ =	swait.ge [sflag:s18], $0x1900  }
0x289: {  	[sflag:s18] =	ssyncset.done $0x0  }
0x28a: {  	s21 =	simm.s32 $0x10;
	[sflag:s18] =	ssyncadd.s32 $0xFFFFE700  }
0x28b: {  	[tilespmem:s31], [sflag:$0x9] =	stream.indirect.gather.add.f32 [spmem:s3], $0x20, s25, s5, $0xb8;
	[tilespmem:$0xE358] =	vst v63  }
0x28c: {  	s0 =	simm.s32 $0x10;
	_ =	swait.ge [sflag:s21], $0x1900  }
0x28d: {  	[sflag:s0] =	ssyncset.done $0x0;
	s0 =	simm.s32 $0x10  }
0x28e: {  	s21 =	simm.s32 $0x18;
	s13 =	rddreg [dreg:$0xd];
	[sflag:s0] =	ssyncadd.s32 $0xFFFFE700  }
0x28f: {  	[hbm4b:s13+s4] =	stream.linear.scatter [tilespmem:s10], [sflag:$0x18], $0x1900, $0x38;
	[tilespmem:$0xE358] =	vst v63  }
0x290: {  	_ =	swait.ge [sflag:s21], $0x1900  }
0x291: {  	s0 =	simm.s32 $0x18;
	s13 =	sld [smem:$0x7ED]  }
0x292: {  	[sflag:s0] =	ssyncset.done $0x0;
	s0 =	simm.s32 $0x18  }
0x293: {  	[sflag:s0] =	ssyncadd.s32 $0xFFFFE700  }
0x294: {  	[tilespmem:s10], [sflag:$0x8] =	stream.indirect.gather [hbm4b:s19+s5], $0x20, s13, s5, $0xb8;
	[tilespmem:$0xE358] =	vst v63  }
0x295: {  	_ =	swait.ge [sflag:s15], $0x1900  }
0x296: {  	[sflag:s15] =	ssyncset.done $0x0  }
0x297: {  	[sflag:s15] =	ssyncadd.s32 $0xFFFFE700  }
0x298: {  	[tilespmem:s30], [sflag:$0xA] =	stream.indirect.gather.add.f32 [spmem:s3], $0x20, s25, s5, $0xb8;
	[tilespmem:$0xE358] =	vst v63  }
0x299: {  	_ =	swait.ge [sflag:s29], $0x1900  }
0x29a: {  	[sflag:s29] =	ssyncset.done $0x0  }
0x29b: {  	s0 =	simm.s32 $0x11;
	s21 =	rddreg [dreg:$0xe];
	[sflag:s29] =	ssyncadd.s32 $0xFFFFE700  }
0x29c: {  	[hbm4b:s21+s4] =	stream.linear.scatter [tilespmem:s31], [sflag:$0x11], $0x1900, $0x38;
	[tilespmem:$0xE358] =	vst v63  }
0x29d: {  	_ =	swait.ge [sflag:s0], $0x1900  }
0x29e: {  	s13 =	sld [smem:$0x7EE]  }
0x29f: {  	[sflag:s0] =	ssyncset.done $0x0;
	s0 =	simm.s32 $0x11  }
0x2a0: {  	[sflag:s0] =	ssyncadd.s32 $0xFFFFE700  }
0x2a1: {  	[tilespmem:s31], [sflag:$0x1] =	stream.indirect.gather [hbm4b:s19+s5], $0x20, s13, s5, $0xb8;
	[tilespmem:$0xE358] =	vst v63  }
0x2a2: {  	_ =	swait.ge [sflag:s20], $0x1900  }
0x2a3: {  	[sflag:s20] =	ssyncset.done $0x0  }
0x2a4: {  	s21 =	simm.s32 $0x4D58;
	[sflag:s20] =	ssyncadd.s32 $0xFFFFE700  }
0x2a5: {  	[tilespmem:s21], [sflag:$0xB] =	stream.indirect.gather.add.f32 [spmem:s3], $0x20, s25, s5, $0xb8;
	[tilespmem:$0xE358] =	vst v63  }
0x2a6: {  	_ =	swait.ge [sflag:s11], $0x1900  }
0x2a7: {  	[sflag:s11] =	ssyncset.done $0x0  }
0x2a8: {  	s0 =	rddreg [dreg:$0xf];
	[sflag:s11] =	ssyncadd.s32 $0xFFFFE700  }
0x2a9: {  	[hbm4b:s0+s4] =	stream.linear.scatter [tilespmem:s30], [sflag:$0x12], $0x1900, $0x38;
	[tilespmem:$0xE358] =	vst v63  }
0x2aa: {  	s0 =	simm.s32 $0x12  }
0x2ab: {  	_ =	swait.ge [sflag:s0], $0x1900  }
0x2ac: {  	s13 =	sld [smem:$0x7EF]  }
0x2ad: {  	[sflag:s0] =	ssyncset.done $0x0;
	s0 =	simm.s32 $0x12  }
0x2ae: {  	[sflag:s0] =	ssyncadd.s32 $0xFFFFE700  }
0x2af: {  	[tilespmem:s30], [sflag:$0x2] =	stream.indirect.gather [hbm4b:s19+s5], $0x20, s13, s5, $0xb8;
	[tilespmem:$0xE358] =	vst v63  }
0x2b0: {  	_ =	swait.ge [sflag:s16], $0x1900  }
0x2b1: {  	[sflag:s16] =	ssyncset.done $0x0  }
0x2b2: {  	[sflag:s16] =	ssyncadd.s32 $0xFFFFE700  }
0x2b3: {  	[tilespmem:s22], [sflag:$0xC] =	stream.indirect.gather.add.f32 [spmem:s3], $0x20, s25, s5, $0xb8;
	[tilespmem:$0xE358] =	vst v63  }
0x2b4: {  	_ =	swait.ge [sflag:s9], $0x1900  }
0x2b5: {  	[sflag:s9] =	ssyncset.done $0x0  }
0x2b6: {  	s0 =	rddreg [dreg:$0x10];
	[sflag:s9] =	ssyncadd.s32 $0xFFFFE700  }
0x2b7: {  	[hbm4b:s0+s4] =	stream.linear.scatter [tilespmem:s21], [sflag:$0x13], $0x1900, $0x38;
	[tilespmem:$0xE358] =	vst v63  }
0x2b8: {  	s0 =	simm.s32 $0x13  }
0x2b9: {  	_ =	swait.ge [sflag:s0], $0x1900  }
0x2ba: {  	s13 =	sld [smem:$0x7F0]  }
0x2bb: {  	[sflag:s0] =	ssyncset.done $0x0;
	s0 =	simm.s32 $0x13  }
0x2bc: {  	[sflag:s0] =	ssyncadd.s32 $0xFFFFE700  }
0x2bd: {  	[tilespmem:s21], [sflag:$0x3] =	stream.indirect.gather [hbm4b:s19+s5], $0x20, s13, s5, $0xb8;
	[tilespmem:$0xE358] =	vst v63  }
0x2be: {  	_ =	swait.ge [sflag:s7], $0x1900  }
0x2bf: {  	[sflag:s7] =	ssyncset.done $0x0  }
0x2c0: {  	[sflag:s7] =	ssyncadd.s32 $0xFFFFE700  }
0x2c1: {  	[tilespmem:s1], [sflag:$0xD] =	stream.indirect.gather.add.f32 [spmem:s3], $0x20, s25, s5, $0xb8;
	[tilespmem:$0xE358] =	vst v63  }
0x2c2: {  	_ =	swait.ge [sflag:s8], $0x1900  }
0x2c3: {  	[sflag:s8] =	ssyncset.done $0x0  }
0x2c4: {  	s13 =	simm.s32 $0x14;
	s0 =	rddreg [dreg:$0x11];
	[sflag:s8] =	ssyncadd.s32 $0xFFFFE700  }
0x2c5: {  	[hbm4b:s0+s4] =	stream.linear.scatter [tilespmem:s22], [sflag:$0x14], $0x1900, $0x38;
	[tilespmem:$0xE358] =	vst v63  }
0x2c6: {  	_ =	swait.ge [sflag:s13], $0x1900  }
0x2c7: {  	s21 =	sld [smem:$0x7F1]  }
0x2c8: {  	[sflag:s13] =	ssyncset.done $0x0  }
0x2c9: {  	[sflag:s13] =	ssyncadd.s32 $0xFFFFE700  }
0x2ca: {  	[tilespmem:s22], [sflag:$0x4] =	stream.indirect.gather [hbm4b:s19+s5], $0x20, s21, s5, $0xb8;
	[tilespmem:$0xE358] =	vst v63  }
0x2cb: {  	_ =	swait.ge [sflag:s6], $0x1900  }
0x2cc: {  	[sflag:s6] =	ssyncset.done $0x0  }
0x2cd: {  	[sflag:s6] =	ssyncadd.s32 $0xFFFFE700  }
0x2ce: {  	[tilespmem:s14], [sflag:$0xE] =	stream.indirect.gather.add.f32 [spmem:s3], $0x20, s25, s5, $0xb8;
	[tilespmem:$0xE358] =	vst v63  }
0x2cf: {  	_ =	swait.ge [sflag:s12], $0x1900  }
0x2d0: {  	[sflag:s12] =	ssyncset.done $0x0  }
0x2d1: {  	s22 =	simm.s32 $0x15;
	s21 =	rddreg [dreg:$0x12];
	[sflag:s12] =	ssyncadd.s32 $0xFFFFE700  }
0x2d2: {  	[hbm4b:s21+s4] =	stream.linear.scatter [tilespmem:s1], [sflag:$0x15], $0x1900, $0x38;
	[tilespmem:$0xE358] =	vst v63  }
0x2d3: {  	_ =	swait.ge [sflag:s22], $0x1900  }
0x2d4: {  	s13 =	sld [smem:$0x7F2]  }
0x2d5: {  	[sflag:s22] =	ssyncset.done $0x0;
	s22 =	simm.s32 $0x15  }
0x2d6: {  	[sflag:s22] =	ssyncadd.s32 $0xFFFFE700  }
0x2d7: {  	[tilespmem:s1], [sflag:$0x5] =	stream.indirect.gather [hbm4b:s19+s5], $0x20, s13, s5, $0xb8;
	[tilespmem:$0xE358] =	vst v63  }
0x2d8: {  	_ =	swait.ge [sflag:s24], $0x1900  }
0x2d9: {  	[sflag:s24] =	ssyncset.done $0x0  }
0x2da: {  	s1 =	simm.s32 $0xB158;
	[sflag:s24] =	ssyncadd.s32 $0xFFFFE700  }
0x2db: {  	[tilespmem:s1], [sflag:$0xF] =	stream.indirect.gather.add.f32 [spmem:s3], $0x20, s25, s5, $0xb8;
	[tilespmem:$0xE358] =	vst v63  }
0x2dc: {  	_ =	swait.ge [sflag:s2], $0x1900  }
0x2dd: {  	[sflag:s2] =	ssyncset.done $0x0  }
0x2de: {  	s22 =	rddreg [dreg:$0x13];
	[sflag:s2] =	ssyncadd.s32 $0xFFFFE700  }
0x2df: {  	[hbm4b:s22+s4] =	stream.linear.scatter [tilespmem:s14], [sflag:$0x16], $0x1900, $0x38;
	[tilespmem:$0xE358] =	vst v63  }
0x2e0: {  	_ =	swait.ge [sflag:s23], $0x1900  }
0x2e1: {  	s21 =	sld [smem:$0x7F3]  }
0x2e2: {  	[sflag:s23] =	ssyncset.done $0x0  }
0x2e3: {  	[sflag:s23] =	ssyncadd.s32 $0xFFFFE700  }
0x2e4: {  	[tilespmem:s14], [sflag:$0x6] =	stream.indirect.gather [hbm4b:s19+s5], $0x20, s21, s5, $0xb8;
	[tilespmem:$0xE358] =	vst v63  }
0x2e5: {  	_ =	swait.ge [sflag:s28], $0x1900  }
0x2e6: {  	[sflag:s28] =	ssyncset.done $0x0  }
0x2e7: {  	s10 =	simm.s32 $0xCA58;
	[sflag:s28] =	ssyncadd.s32 $0xFFFFE700  }
0x2e8: {  	[tilespmem:s10], [sflag:$0x10] =	stream.indirect.gather.add.f32 [spmem:s3], $0x20, s25, s5, $0xb8;
	[tilespmem:$0xE358] =	vst v63  }
0x2e9: {  	_ =	swait.ge [sflag:s26], $0x1900  }
0x2ea: {  	[sflag:s26] =	ssyncset.done $0x0  }
0x2eb: {  	s22 =	rddreg [dreg:$0x14];
	[sflag:s26] =	ssyncadd.s32 $0xFFFFE700  }
0x2ec: {  	[hbm4b:s22+s4] =	stream.linear.scatter [tilespmem:s1], [sflag:$0x17], $0x1900, $0x38;
	[tilespmem:$0xE358] =	vst v63  }
0x2ed: {  	_ =	swait.ge [sflag:s17], $0x1900  }
0x2ee: {  	s21 =	sld [smem:$0x7F4]  }
0x2ef: {  	[sflag:s17] =	ssyncset.done $0x0  }
0x2f0: {  	s14 =	simm.s32 $0xB158;
	[sflag:s17] =	ssyncadd.s32 $0xFFFFE700  }
0x2f1: {  	[tilespmem:s14], [sflag:$0x7] =	stream.indirect.gather [hbm4b:s19+s5], $0x20, s21, s5, $0xb8;
	[tilespmem:$0xE358] =	vst v63  }
0x2f2: {  	_ =	swait.ge [sflag:s18], $0x1900  }
0x2f3: {  	[sflag:s18] =	ssyncset.done $0x0  }
0x2f4: {  	s22 =	simm.s32 $0x10;
	[sflag:s18] =	ssyncadd.s32 $0xFFFFE700  }
0x2f5: {  	[tilespmem:s31], [sflag:$0x9] =	stream.indirect.gather.add.f32 [spmem:s3], $0x20, s25, s5, $0xb8;
	[tilespmem:$0xE358] =	vst v63  }
0x2f6: {  	s1 =	simm.s32 $0x10;
	_ =	swait.ge [sflag:s22], $0x1900  }
0x2f7: {  	s14 =	simm.s32 $0x10;
	[sflag:s1] =	ssyncset.done $0x0  }
0x2f8: {  	s21 =	simm.s32 $0x18;
	s13 =	rddreg [dreg:$0x15];
	[sflag:s14] =	ssyncadd.s32 $0xFFFFE700  }
0x2f9: {  	[hbm4b:s13+s4] =	stream.linear.scatter [tilespmem:s10], [sflag:$0x18], $0x1900, $0x38;
	[tilespmem:$0xE358] =	vst v63  }
0x2fa: {  	_ =	swait.ge [sflag:s21], $0x1900  }
0x2fb: {  	s22 =	simm.s32 $0x18;
	s13 =	sld [smem:$0x7F5]  }
0x2fc: {  	s1 =	simm.s32 $0x18;
	[sflag:s22] =	ssyncset.done $0x0  }
0x2fd: {  	[sflag:s1] =	ssyncadd.s32 $0xFFFFE700  }
0x2fe: {  	[tilespmem:s10], [sflag:$0x8] =	stream.indirect.gather [hbm4b:s19+s5], $0x20, s13, s5, $0xb8;
	[tilespmem:$0xE358] =	vst v63  }
0x2ff: {  	_ =	swait.ge [sflag:s15], $0x1900  }
0x300: {  	[sflag:s15] =	ssyncset.done $0x0  }
0x301: {  	[sflag:s15] =	ssyncadd.s32 $0xFFFFE700  }
0x302: {  	[tilespmem:s30], [sflag:$0xA] =	stream.indirect.gather.add.f32 [spmem:s3], $0x20, s25, s5, $0xb8;
	[tilespmem:$0xE358] =	vst v63  }
0x303: {  	_ =	swait.ge [sflag:s29], $0x1900  }
0x304: {  	[sflag:s29] =	ssyncset.done $0x0  }
0x305: {  	s14 =	simm.s32 $0x11;
	s10 =	rddreg [dreg:$0x16];
	[sflag:s29] =	ssyncadd.s32 $0xFFFFE700  }
0x306: {  	[hbm4b:s10+s4] =	stream.linear.scatter [tilespmem:s31], [sflag:$0x11], $0x1900, $0x38;
	[tilespmem:$0xE358] =	vst v63  }
0x307: {  	_ =	swait.ge [sflag:s14], $0x1900  }
0x308: {  	s21 =	sld [smem:$0x7F6]  }
0x309: {  	[sflag:s14] =	ssyncset.done $0x0  }
0x30a: {  	[sflag:s14] =	ssyncadd.s32 $0xFFFFE700  }
0x30b: {  	[tilespmem:s31], [sflag:$0x1] =	stream.indirect.gather [hbm4b:s19+s5], $0x20, s21, s5, $0xb8;
	[tilespmem:$0xE358] =	vst v63  }
0x30c: {  	_ =	swait.ge [sflag:s20], $0x1900  }
0x30d: {  	[sflag:s20] =	ssyncset.done $0x0  }
0x30e: {  	s22 =	simm.s32 $0x4D58;
	[sflag:s20] =	ssyncadd.s32 $0xFFFFE700  }
0x30f: {  	[tilespmem:s22], [sflag:$0xB] =	stream.indirect.gather.add.f32 [spmem:s3], $0x20, s25, s5, $0xb8;
	[tilespmem:$0xE358] =	vst v63  }
0x310: {  	_ =	swait.ge [sflag:s11], $0x1900  }
0x311: {  	[sflag:s11] =	ssyncset.done $0x0  }
0x312: {  	s14 =	simm.s32 $0x12;
	s10 =	rddreg [dreg:$0x17];
	[sflag:s11] =	ssyncadd.s32 $0xFFFFE700  }
0x313: {  	[hbm4b:s10+s4] =	stream.linear.scatter [tilespmem:s30], [sflag:$0x12], $0x1900, $0x38;
	[tilespmem:$0xE358] =	vst v63  }
0x314: {  	_ =	swait.ge [sflag:s14], $0x1900  }
0x315: {  	s21 =	sld [smem:$0x7F7]  }
0x316: {  	[sflag:s14] =	ssyncset.done $0x0  }
0x317: {  	[sflag:s14] =	ssyncadd.s32 $0xFFFFE700  }
0x318: {  	[tilespmem:s30], [sflag:$0x2] =	stream.indirect.gather [hbm4b:s19+s5], $0x20, s21, s5, $0xb8;
	[tilespmem:$0xE358] =	vst v63  }
0x319: {  	_ =	swait.ge [sflag:s16], $0x1900  }
0x31a: {  	[sflag:s16] =	ssyncset.done $0x0  }
0x31b: {  	s10 =	simm.s32 $0x6658;
	[sflag:s16] =	ssyncadd.s32 $0xFFFFE700  }
0x31c: {  	[tilespmem:s10], [sflag:$0xC] =	stream.indirect.gather.add.f32 [spmem:s3], $0x20, s25, s5, $0xb8;
	[tilespmem:$0xE358] =	vst v63  }
0x31d: {  	_ =	swait.ge [sflag:s9], $0x1900  }
0x31e: {  	s1 =	simm.s32 $0x4D58;
	[sflag:s9] =	ssyncset.done $0x0  }
0x31f: {  	s13 =	simm.s32 $0x13;
	s22 =	rddreg [dreg:$0x18];
	[sflag:s9] =	ssyncadd.s32 $0xFFFFE700  }
0x320: {  	[hbm4b:s22+s4] =	stream.linear.scatter [tilespmem:s1], [sflag:$0x13], $0x1900, $0x38;
	[tilespmem:$0xE358] =	vst v63  }
0x321: {  	_ =	swait.ge [sflag:s13], $0x1900  }
0x322: {  	s22 =	sld [smem:$0x7F8]  }
0x323: {  	[sflag:s13] =	ssyncset.done $0x0  }
0x324: {  	[sflag:s13] =	ssyncadd.s32 $0xFFFFE700  }
0x325: {  	[tilespmem:s1], [sflag:$0x3] =	stream.indirect.gather [hbm4b:s19+s5], $0x20, s22, s5, $0xb8;
	[tilespmem:$0xE358] =	vst v63  }
0x326: {  	_ =	swait.ge [sflag:s7], $0x1900  }
0x327: {  	[sflag:s7] =	ssyncset.done $0x0  }
0x328: {  	s1 =	simm.s32 $0x7F58;
	[sflag:s7] =	ssyncadd.s32 $0xFFFFE700  }
0x329: {  	[tilespmem:s1], [sflag:$0xD] =	stream.indirect.gather.add.f32 [spmem:s3], $0x20, s25, s5, $0xb8;
	[tilespmem:$0xE358] =	vst v63  }
0x32a: {  	_ =	swait.ge [sflag:s8], $0x1900  }
0x32b: {  	[sflag:s8] =	ssyncset.done $0x0  }
0x32c: {  	s0 =	simm.s32 $0x14;
	s14 =	rddreg [dreg:$0x19];
	[sflag:s8] =	ssyncadd.s32 $0xFFFFE700  }
0x32d: {  	[hbm4b:s14+s4] =	stream.linear.scatter [tilespmem:s10], [sflag:$0x14], $0x1900, $0x38;
	[tilespmem:$0xE358] =	vst v63  }
0x32e: {  	_ =	swait.ge [sflag:s0], $0x1900  }
0x32f: {  	s22 =	sld [smem:$0x7F9]  }
0x330: {  	[sflag:s0] =	ssyncset.done $0x0  }
0x331: {  	[sflag:s0] =	ssyncadd.s32 $0xFFFFE700  }
0x332: {  	[tilespmem:s10], [sflag:$0x4] =	stream.indirect.gather [hbm4b:s19+s5], $0x20, s22, s5, $0xb8;
	[tilespmem:$0xE358] =	vst v63  }
0x333: {  	_ =	swait.ge [sflag:s6], $0x1900  }
0x334: {  	[sflag:s6] =	ssyncset.done $0x0  }
0x335: {  	s10 =	simm.s32 $0x9858;
	[sflag:s6] =	ssyncadd.s32 $0xFFFFE700  }
0x336: {  	[tilespmem:s10], [sflag:$0xE] =	stream.indirect.gather.add.f32 [spmem:s3], $0x20, s25, s5, $0xb8;
	[tilespmem:$0xE358] =	vst v63  }
0x337: {  	_ =	swait.ge [sflag:s12], $0x1900  }
0x338: {  	[sflag:s12] =	ssyncset.done $0x0  }
0x339: {  	s14 =	rddreg [dreg:$0x1a];
	[sflag:s12] =	ssyncadd.s32 $0xFFFFE700  }
0x33a: {  	[hbm4b:s14+s4] =	stream.linear.scatter [tilespmem:s1], [sflag:$0x15], $0x1900, $0x38;
	[tilespmem:$0xE358] =	vst v63  }
0x33b: {  	s14 =	simm.s32 $0x15  }
0x33c: {  	_ =	swait.ge [sflag:s14], $0x1900  }
0x33d: {  	s13 =	sld [smem:$0x7FA]  }
0x33e: {  	[sflag:s14] =	ssyncset.done $0x0  }
0x33f: {  	[sflag:s14] =	ssyncadd.s32 $0xFFFFE700  }
0x340: {  	[tilespmem:s1], [sflag:$0x5] =	stream.indirect.gather [hbm4b:s19+s5], $0x20, s13, s5, $0xb8;
	[tilespmem:$0xE358] =	vst v63  }
0x341: {  	_ =	swait.ge [sflag:s24], $0x1900  }
0x342: {  	[sflag:s24] =	ssyncset.done $0x0  }
0x343: {  	s14 =	simm.s32 $0xB158;
	[sflag:s24] =	ssyncadd.s32 $0xFFFFE700  }
0x344: {  	[tilespmem:s14], [sflag:$0xF] =	stream.indirect.gather.add.f32 [spmem:s3], $0x20, s25, s5, $0xb8;
	[tilespmem:$0xE358] =	vst v63  }
0x345: {  	_ =	swait.ge [sflag:s2], $0x1900  }
0x346: {  	[sflag:s2] =	ssyncset.done $0x0  }
0x347: {  	s13 =	rddreg [dreg:$0x1b];
	[sflag:s2] =	ssyncadd.s32 $0xFFFFE700  }
0x348: {  	[hbm4b:s13+s4] =	stream.linear.scatter [tilespmem:s10], [sflag:$0x16], $0x1900, $0x38;
	[tilespmem:$0xE358] =	vst v63  }
0x349: {  	_ =	swait.ge [sflag:s23], $0x1900  }
0x34a: {  	s13 =	sld [smem:$0x7FB]  }
0x34b: {  	[sflag:s23] =	ssyncset.done $0x0  }
0x34c: {  	[sflag:s23] =	ssyncadd.s32 $0xFFFFE700  }
0x34d: {  	[tilespmem:s10], [sflag:$0x6] =	stream.indirect.gather [hbm4b:s19+s5], $0x20, s13, s5, $0xb8;
	[tilespmem:$0xE358] =	vst v63  }
0x34e: {  	_ =	swait.ge [sflag:s28], $0x1900  }
0x34f: {  	[sflag:s28] =	ssyncset.done $0x0  }
0x350: {  	s30 =	simm.s32 $0xCA58;
	[sflag:s28] =	ssyncadd.s32 $0xFFFFE700  }
0x351: {  	[tilespmem:s30], [sflag:$0x10] =	stream.indirect.gather.add.f32 [spmem:s3], $0x20, s25, s5, $0xb8;
	[tilespmem:$0xE358] =	vst v63  }
0x352: {  	_ =	swait.ge [sflag:s26], $0x1900  }
0x353: {  	[sflag:s26] =	ssyncset.done $0x0  }
0x354: {  	s13 =	rddreg [dreg:$0x1c];
	[sflag:s26] =	ssyncadd.s32 $0xFFFFE700  }
0x355: {  	[hbm4b:s13+s4] =	stream.linear.scatter [tilespmem:s14], [sflag:$0x17], $0x1900, $0x38;
	[tilespmem:$0xE358] =	vst v63  }
0x356: {  	_ =	swait.ge [sflag:s17], $0x1900  }
0x357: {  	s13 =	sld [smem:$0x7FC]  }
0x358: {  	[sflag:s17] =	ssyncset.done $0x0  }
0x359: {  	[sflag:s17] =	ssyncadd.s32 $0xFFFFE700  }
0x35a: {  	[tilespmem:s14], [sflag:$0x7] =	stream.indirect.gather [hbm4b:s19+s5], $0x20, s13, s5, $0xb8;
	[tilespmem:$0xE358] =	vst v63  }
0x35b: {  	_ =	swait.ge [sflag:s18], $0x1900  }
0x35c: {  	[sflag:s18] =	ssyncset.done $0x0  }
0x35d: {  	s31 =	simm.s32 $0x10;
	s21 =	simm.s32 $0x1B58;
	[sflag:s18] =	ssyncadd.s32 $0xFFFFE700  }
0x35e: {  	[tilespmem:s21], [sflag:$0x9] =	stream.indirect.gather.add.f32 [spmem:s3], $0x20, s25, s5, $0xb8;
	[tilespmem:$0xE358] =	vst v63  }
0x35f: {  	_ =	swait.ge [sflag:s31], $0x1900  }
0x360: {  	[sflag:s31] =	ssyncset.done $0x0  }
0x361: {  	s18 =	simm.s32 $0x18;
	s21 =	rddreg [dreg:$0x1d];
	[sflag:s31] =	ssyncadd.s32 $0xFFFFE700  }
0x362: {  	[hbm4b:s21+s4] =	stream.linear.scatter [tilespmem:s30], [sflag:$0x18], $0x1900, $0x38;
	[tilespmem:$0xE358] =	vst v63  }
0x363: {  	_ =	swait.ge [sflag:s18], $0x1900  }
0x364: {  	s21 =	simm.s32 $0x18;
	s13 =	sld [smem:$0x7FD]  }
0x365: {  	[sflag:s21] =	ssyncset.done $0x0;
	s21 =	simm.s32 $0x18  }
0x366: {  	[sflag:s21] =	ssyncadd.s32 $0xFFFFE700  }
0x367: {  	[tilespmem:s30], [sflag:$0x8] =	stream.indirect.gather [hbm4b:s19+s5], $0x20, s13, s5, $0xb8;
	[tilespmem:$0xE358] =	vst v63  }
0x368: {  	_ =	swait.ge [sflag:s15], $0x1900  }
0x369: {  	[sflag:s15] =	ssyncset.done $0x0  }
0x36a: {  	s21 =	simm.s32 $0x3458;
	[sflag:s15] =	ssyncadd.s32 $0xFFFFE700  }
0x36b: {  	[tilespmem:s21], [sflag:$0xA] =	stream.indirect.gather.add.f32 [spmem:s3], $0x20, s25, s5, $0xb8;
	[tilespmem:$0xE358] =	vst v63  }
0x36c: {  	_ =	swait.ge [sflag:s29], $0x1900  }
0x36d: {  	[sflag:s29] =	ssyncset.done $0x0  }
0x36e: {  	s30 =	simm.s32 $0x1B58;
	s15 =	rddreg [dreg:$0x1e];
	[sflag:s29] =	ssyncadd.s32 $0xFFFFE700  }
0x36f: {  	[hbm4b:s15+s4] =	stream.linear.scatter [tilespmem:s30], [sflag:$0x11], $0x1900, $0x38;
	[tilespmem:$0xE358] =	vst v63  }
0x370: {  	_ =	swait.ge [sflag:s20], $0x1900  }
0x371: {  	[sflag:s20] =	ssyncset.done $0x0  }
0x372: {  	s15 =	simm.s32 $0x4D58;
	[sflag:s20] =	ssyncadd.s32 $0xFFFFE700  }
0x373: {  	[tilespmem:s15], [sflag:$0xB] =	stream.indirect.gather.add.f32 [spmem:s3], $0x20, s25, s5, $0xb8;
	[tilespmem:$0xE358] =	vst v63  }
0x374: {  	_ =	swait.ge [sflag:s11], $0x1900  }
0x375: {  	[sflag:s11] =	ssyncset.done $0x0  }
0x376: {  	s13 =	rddreg [dreg:$0x1f];
	[sflag:s11] =	ssyncadd.s32 $0xFFFFE700  }
0x377: {  	[hbm4b:s13+s4] =	stream.linear.scatter [tilespmem:s21], [sflag:$0x12], $0x1900, $0x38;
	[tilespmem:$0xE358] =	vst v63  }
0x378: {  	_ =	swait.ge [sflag:s16], $0x1900  }
0x379: {  	[sflag:s16] =	ssyncset.done $0x0  }
0x37a: {  	s22 =	simm.s32 $0x6658;
	[sflag:s16] =	ssyncadd.s32 $0xFFFFE700  }
0x37b: {  	[tilespmem:s22], [sflag:$0xC] =	stream.indirect.gather.add.f32 [spmem:s3], $0x20, s25, s5, $0xb8;
	[tilespmem:$0xE358] =	vst v63  }
0x37c: {  	_ =	swait.ge [sflag:s9], $0x1900  }
0x37d: {  	s13 =	sld [smem:$0x7DA]  }
0x37e: {  	[sflag:s9] =	ssyncset.done $0x0  }
0x37f: {  	[sflag:s9] =	ssyncadd.s32 $0xFFFFE700  }
0x380: {  	[hbm4b:s13+s4] =	stream.linear.scatter [tilespmem:s15], [sflag:$0x13], $0x1900, $0x38;
	[tilespmem:$0xE358] =	vst v63  }
0x381: {  	_ =	swait.ge [sflag:s7], $0x1900  }
0x382: {  	[sflag:s7] =	ssyncset.done $0x0  }
0x383: {  	s1 =	simm.s32 $0x7F58;
	[sflag:s7] =	ssyncadd.s32 $0xFFFFE700  }
0x384: {  	[tilespmem:s1], [sflag:$0xD] =	stream.indirect.gather.add.f32 [spmem:s3], $0x20, s25, s5, $0xb8;
	[tilespmem:$0xE358] =	vst v63  }
0x385: {  	_ =	swait.ge [sflag:s8], $0x1900  }
0x386: {  	s9 =	sld [smem:$0x7DB]  }
0x387: {  	[sflag:s8] =	ssyncset.done $0x0  }
0x388: {  	[sflag:s8] =	ssyncadd.s32 $0xFFFFE700  }
0x389: {  	[hbm4b:s9+s4] =	stream.linear.scatter [tilespmem:s22], [sflag:$0x14], $0x1900, $0x38;
	[tilespmem:$0xE358] =	vst v63  }
0x38a: {  	_ =	swait.ge [sflag:s6], $0x1900  }
0x38b: {  	[sflag:s6] =	ssyncset.done $0x0  }
0x38c: {  	s10 =	simm.s32 $0x9858;
	s4 =	simm.s32 $0x1900;
	[sflag:s6] =	ssyncadd.s32 $0xFFFFE700  }
0x38d: {  	[tilespmem:s10], [sflag:$0xE] =	stream.indirect.gather.add.f32 [spmem:s3], $0x20, s4, s5, $0xb8;
	[tilespmem:$0xE358] =	vst v63  }
0x38e: {  	_ =	swait.ge [sflag:s12], $0x1900  }
0x38f: {  	s15 =	sld [smem:$0x7DC]  }
0x390: {  	[sflag:s12] =	ssyncset.done $0x0  }
0x391: {  	s22 =	simm.s32 $0x0;
	[sflag:s12] =	ssyncadd.s32 $0xFFFFE700  }
0x392: {  	[hbm4b:s15+s22] =	stream.linear.scatter [tilespmem:s1], [sflag:$0x15], $0x1900, $0x38;
	[tilespmem:$0xE358] =	vst v63  }
0x393: {  	_ =	swait.ge [sflag:s24], $0x1900  }
0x394: {  	[sflag:s24] =	ssyncset.done $0x0  }
0x395: {  	s14 =	simm.s32 $0xB158;
	[sflag:s24] =	ssyncadd.s32 $0xFFFFE700  }
0x396: {  	[tilespmem:s14], [sflag:$0xF] =	stream.indirect.gather.add.f32 [spmem:s3], $0x20, s4, s5, $0xb8;
	[tilespmem:$0xE358] =	vst v63  }
0x397: {  	_ =	swait.ge [sflag:s2], $0x1900  }
0x398: {  	s1 =	sld [smem:$0x7DD]  }
0x399: {  	[sflag:s2] =	ssyncset.done $0x0  }
0x39a: {  	[sflag:s2] =	ssyncadd.s32 $0xFFFFE700  }
0x39b: {  	[hbm4b:s1+s22] =	stream.linear.scatter [tilespmem:s10], [sflag:$0x16], $0x1900, $0x38;
	[tilespmem:$0xE358] =	vst v63  }
0x39c: {  	_ =	swait.ge [sflag:s28], $0x1900  }
0x39d: {  	[sflag:s28] =	ssyncset.done $0x0  }
0x39e: {  	s18 =	simm.s32 $0xCA58;
	[sflag:s28] =	ssyncadd.s32 $0xFFFFE700  }
0x39f: {  	[tilespmem:s18], [sflag:$0x10] =	stream.indirect.gather.add.f32 [spmem:s3], $0x20, s4, s5, $0xb8;
	[tilespmem:$0xE358] =	vst v63  }
0x3a0: {  	_ =	swait.ge [sflag:s26], $0x1900  }
0x3a1: {  	s9 =	sld [smem:$0x7DE]  }
0x3a2: {  	[sflag:s26] =	ssyncset.done $0x0  }
0x3a3: {  	[sflag:s26] =	ssyncadd.s32 $0xFFFFE700  }
0x3a4: {  	[hbm4b:s9+s22] =	stream.linear.scatter [tilespmem:s14], [sflag:$0x17], $0x1900, $0x38;
	[tilespmem:$0xE358] =	vst v63  }
0x3a5: {  	_ =	swait.ge [sflag:s31], $0x1900  }
0x3a6: {  	s10 =	sld [smem:$0x7DF]  }
0x3a7: {  	[sflag:s31] =	ssyncset.done $0x0  }
0x3a8: {  	s15 =	simm.s32 $0x11;
	[sflag:s31] =	ssyncadd.s32 $0xFFFFE700  }
0x3a9: {  	[hbm4b:s10+s22] =	stream.linear.scatter [tilespmem:s18], [sflag:$0x18], $0x1900, $0x38;
	[tilespmem:$0xE358] =	vst v63  }
0x3aa: {  	_ =	swait.ge [sflag:s15], $0x1900  }
0x3ab: {  	s18 =	simm.s32 $0x11;
	[sflag:s15] =	ssyncset.done $0x0  }
0x3ac: {  	s2 =	simm.s32 $0x12;
	[sflag:s18] =	ssyncadd.s32 $0xFFFFE700  }
0x3ad: {  	_ =	swait.ge [sflag:s2], $0x1900  }
0x3ae: {  	s9 =	simm.s32 $0x12;
	[sflag:s2] =	ssyncset.done $0x0  }
0x3af: {  	s10 =	simm.s32 $0x13;
	[sflag:s9] =	ssyncadd.s32 $0xFFFFE700  }
0x3b0: {  	_ =	swait.ge [sflag:s10], $0x1900  }
0x3b1: {  	s13 =	simm.s32 $0x13;
	[sflag:s10] =	ssyncset.done $0x0  }
0x3b2: {  	[sflag:s13] =	ssyncadd.s32 $0xFFFFE700  }
0x3b3: {  	_ =	swait.ge [sflag:s0], $0x1900  }
0x3b4: {  	[sflag:s0] =	ssyncset.done $0x0  }
0x3b5: {  	s15 =	simm.s32 $0x15;
	[sflag:s0] =	ssyncadd.s32 $0xFFFFE700  }
0x3b6: {  	s0 =	sld [smem:$0x7D5];
	_ =	swait.ge [sflag:s15], $0x1900  }
0x3b7: {  	s18 =	simm.s32 $0x15;
	[sflag:s15] =	ssyncset.done $0x0  }
0x3b8: {  	[sflag:s18] =	ssyncadd.s32 $0xFFFFE700  }
0x3b9: {  	_ =	swait.ge [sflag:s23], $0x1900  }
0x3ba: {  	[sflag:s23] =	ssyncset.done $0x0  }
0x3bb: {  	[sflag:s23] =	ssyncadd.s32 $0xFFFFE700  }
.Ltmp2:
0x3bc: {  	_ =	swait.ge [sflag:s17], $0x1900;
	(pc) =	sbr.rel @p1 .LBB2_4-.Ltmp2, $4  }
0x3bd: {  	[sflag:s17] =	ssyncset.done $0x0  }
0x3be: {  	s14 =	simm.s32 $0x18;
	[sflag:s17] =	ssyncadd.s32 $0xFFFFE700  }
0x3bf: {  	_ =	swait.ge [sflag:s14], $0x1900  }
0x3c0: {  	s24 =	smov.u32 s3;
	s13 =	rddreg [dreg:$0x6];
	[sflag:s14] =	ssyncset.done $0x0  }
0x3c1: {  	s0 =	sld [smem:$0x7D9];
	s12 =	simm.s32 $0x19  }
.LBB2_6:
0x3c2: {  	[sflag:s14] =	ssyncadd.s32 @p0 $0xFFFFE700  }
0x3c3: {  	[tilespmem:s22], [sflag:$0x19] =	stream.linear.gather [hbm4b:s13+s22], $0x1900, $0x38;
	[tilespmem:$0xE358] =	vst v63  }
0x3c4: {  	s1 =	simm.s32 $0x19;
	_ =	swait.ge [sflag:s12], $0x1900  }
0x3c5: {  	[sflag:s1] =	ssyncset.done $0x0  }
0x3c6: {  	s12 =	rddreg [dreg:$0x5];
	[sflag:s1] =	ssyncadd.s32 $0xFFFFE700  }
0x3c7: {  	[tilespmem:s4], [sflag:$0x19] =	stream.linear.gather [hbm4b:s12+s22], $0xC8, $0x38;
	[tilespmem:$0xE358] =	vst v63  }
0x3c8: {  	s2 =	stileid.u32;
	_ =	swait.ge [sflag:s1], $0xC8  }
0x3c9: {  	s3 =	sshrl.u32 s24, $0x3;
	s2 =	sshll.u32 s2, $0x6;
	[sflag:s1] =	ssyncset.done $0x0  }
0x3ca: {  	s13 =	sor.u32 $0x1C19, s2;
	s29 =	rddreg [dreg:$0x4];
	[sflag:s1] =	ssyncadd.s32 $0xFFFFFF38  }
0x3cb: {  	[spmem:s3], [sflag:s13] =	dma.local [hbm:s29], $0x320  }
0x3cc: {  	_ =	swait.ge [sflag:s1], $0x320  }
0x3cd: {  	[sflag:s1] =	ssyncset.done $0x0  }
0x3ce: {  	[sflag:s1] =	ssyncadd.s32 $0xFFFFFCE0  }
0x3cf: {  	[tilespmem:s30], [sflag:$0x1] =	stream.indirect.gather [hbm4b:s19+s5], $0x20, s22, s5, $0xb8;
	[tilespmem:$0xE358] =	vst v63  }
0x3d0: {  	s6 =	sld [smem:$0x7E0]  }
0x3d1: {  	[tilespmem:s21], [sflag:$0x2] =	stream.indirect.gather [hbm4b:s19+s5], $0x20, s5, s5, $0xb8;
	[tilespmem:$0xE358] =	vst v63  }
0x3d2: {  	s8 =	simm.s32 $0x4D58;
	s7 =	sld [smem:$0x7E1]  }
0x3d3: {  	[tilespmem:s8], [sflag:$0x3] =	stream.indirect.gather [hbm4b:s19+s5], $0x20, s6, s5, $0xb8;
	[tilespmem:$0xE358] =	vst v63  }
0x3d4: {  	s11 =	simm.s32 $0x6658;
	s10 =	sld [smem:$0x7E2]  }
0x3d5: {  	[tilespmem:s11], [sflag:$0x4] =	stream.indirect.gather [hbm4b:s19+s5], $0x20, s7, s5, $0xb8;
	[tilespmem:$0xE358] =	vst v63  }
0x3d6: {  	s15 =	simm.s32 $0x7F58;
	s14 =	sld [smem:$0x7E3]  }
0x3d7: {  	[tilespmem:s15], [sflag:$0x5] =	stream.indirect.gather [hbm4b:s19+s5], $0x20, s10, s5, $0xb8;
	[tilespmem:$0xE358] =	vst v63  }
0x3d8: {  	s17 =	simm.s32 $0x9858;
	s16 =	sld [smem:$0x7E4]  }
0x3d9: {  	[tilespmem:s17], [sflag:$0x6] =	stream.indirect.gather [hbm4b:s19+s5], $0x20, s14, s5, $0xb8;
	[tilespmem:$0xE358] =	vst v63  }
0x3da: {  	s18 =	simm.s32 $0xB158;
	s11 =	simm.s32 $0x1  }
0x3db: {  	[tilespmem:s18], [sflag:$0x7] =	stream.indirect.gather [hbm4b:s19+s5], $0x20, s16, s5, $0xb8;
	[tilespmem:$0xE358] =	vst v63  }
0x3dc: {  	_ =	swait.ge [sflag:s11], $0x1900  }
0x3dd: {  	[sflag:s11] =	ssyncset.done $0x0  }
0x3de: {  	s20 =	sld [smem:$0x7E5];
	[sflag:s11] =	ssyncadd.s32 $0xFFFFE700  }
0x3df: {  	[tilespmem:s30], [sflag:$0x9] =	stream.indirect.gather.add.f32 [spmem:s24], $0x20, s4, s5, $0xb8;
	[tilespmem:$0xE358] =	vst v63  }
0x3e0: {  	s23 =	simm.s32 $0xCA58;
	s9 =	simm.s32 $0x2  }
0x3e1: {  	[tilespmem:s23], [sflag:$0x8] =	stream.indirect.gather [hbm4b:s19+s5], $0x20, s20, s5, $0xb8;
	[tilespmem:$0xE358] =	vst v63  }
0x3e2: {  	_ =	swait.ge [sflag:s9], $0x1900  }
0x3e3: {  	[sflag:s9] =	ssyncset.done $0x0  }
0x3e4: {  	s18 =	simm.s32 $0x9;
	[sflag:s9] =	ssyncadd.s32 $0xFFFFE700  }
0x3e5: {  	[tilespmem:s21], [sflag:$0xA] =	stream.indirect.gather.add.f32 [spmem:s24], $0x20, s4, s5, $0xb8;
	[tilespmem:$0xE358] =	vst v63  }
0x3e6: {  	_ =	swait.ge [sflag:s18], $0x1900  }
0x3e7: {  	[sflag:s18] =	ssyncset.done $0x0  }
0x3e8: {  	s25 =	simm.s32 $0x11;
	[sflag:s18] =	ssyncadd.s32 $0xFFFFE700  }
0x3e9: {  	[hbm4b:s0+s22] =	stream.linear.scatter [tilespmem:s30], [sflag:$0x11], $0x1900, $0x38;
	[tilespmem:$0xE358] =	vst v63  }
0x3ea: {  	_ =	swait.ge [sflag:s25], $0x1900  }
0x3eb: {  	s26 =	sld [smem:$0x7E6]  }
0x3ec: {  	[sflag:s25] =	ssyncset.done $0x0  }
0x3ed: {  	s7 =	simm.s32 $0x3;
	[sflag:s25] =	ssyncadd.s32 $0xFFFFE700  }
0x3ee: {  	[tilespmem:s30], [sflag:$0x1] =	stream.indirect.gather [hbm4b:s19+s5], $0x20, s26, s5, $0xb8;
	[tilespmem:$0xE358] =	vst v63  }
0x3ef: {  	_ =	swait.ge [sflag:s7], $0x1900  }
0x3f0: {  	[sflag:s7] =	ssyncset.done $0x0  }
0x3f1: {  	s26 =	simm.s32 $0xA;
	[sflag:s7] =	ssyncadd.s32 $0xFFFFE700  }
0x3f2: {  	[tilespmem:s8], [sflag:$0xB] =	stream.indirect.gather.add.f32 [spmem:s24], $0x20, s4, s5, $0xb8;
	[tilespmem:$0xE358] =	vst v63  }
0x3f3: {  	_ =	swait.ge [sflag:s26], $0x1900  }
0x3f4: {  	[sflag:s26] =	ssyncset.done $0x0  }
0x3f5: {  	s29 =	simm.s32 $0x12;
	s28 =	rddreg [dreg:$0x7];
	[sflag:s26] =	ssyncadd.s32 $0xFFFFE700  }
0x3f6: {  	[hbm4b:s28+s22] =	stream.linear.scatter [tilespmem:s21], [sflag:$0x12], $0x1900, $0x38;
	[tilespmem:$0xE358] =	vst v63  }
0x3f7: {  	_ =	swait.ge [sflag:s29], $0x1900  }
0x3f8: {  	s1 =	sld [smem:$0x7E7]  }
0x3f9: {  	[sflag:s29] =	ssyncset.done $0x0  }
0x3fa: {  	s6 =	simm.s32 $0x4;
	[sflag:s29] =	ssyncadd.s32 $0xFFFFE700  }
0x3fb: {  	[tilespmem:s21], [sflag:$0x2] =	stream.indirect.gather [hbm4b:s19+s5], $0x20, s1, s5, $0xb8;
	[tilespmem:$0xE358] =	vst v63  }
0x3fc: {  	_ =	swait.ge [sflag:s6], $0x1900  }
0x3fd: {  	[sflag:s6] =	ssyncset.done $0x0  }
0x3fe: {  	s2 =	simm.s32 $0x6658;
	s16 =	simm.s32 $0xB;
	[sflag:s6] =	ssyncadd.s32 $0xFFFFE700  }
0x3ff: {  	[tilespmem:s2], [sflag:$0xC] =	stream.indirect.gather.add.f32 [spmem:s24], $0x20, s4, s5, $0xb8;
	[tilespmem:$0xE358] =	vst v63  }
0x400: {  	_ =	swait.ge [sflag:s16], $0x1900  }
0x401: {  	s8 =	simm.s32 $0x4D58;
	[sflag:s16] =	ssyncset.done $0x0  }
0x402: {  	s28 =	simm.s32 $0x13;
	s3 =	rddreg [dreg:$0x8];
	[sflag:s16] =	ssyncadd.s32 $0xFFFFE700  }
0x403: {  	[hbm4b:s3+s22] =	stream.linear.scatter [tilespmem:s8], [sflag:$0x13], $0x1900, $0x38;
	[tilespmem:$0xE358] =	vst v63  }
0x404: {  	_ =	swait.ge [sflag:s28], $0x1900  }
0x405: {  	s10 =	sld [smem:$0x7E8]  }
0x406: {  	[sflag:s28] =	ssyncset.done $0x0  }
0x407: {  	[sflag:s28] =	ssyncadd.s32 $0xFFFFE700  }
0x408: {  	[tilespmem:s8], [sflag:$0x3] =	stream.indirect.gather [hbm4b:s19+s5], $0x20, s10, s5, $0xb8;
	[tilespmem:$0xE358] =	vst v63  }
0x409: {  	s10 =	simm.s32 $0x5  }
0x40a: {  	_ =	swait.ge [sflag:s10], $0x1900  }
0x40b: {  	[sflag:s10] =	ssyncset.done $0x0  }
0x40c: {  	s13 =	simm.s32 $0x7F58;
	s15 =	simm.s32 $0xC;
	[sflag:s10] =	ssyncadd.s32 $0xFFFFE700  }
0x40d: {  	[tilespmem:s13], [sflag:$0xD] =	stream.indirect.gather.add.f32 [spmem:s24], $0x20, s4, s5, $0xb8;
	[tilespmem:$0xE358] =	vst v63  }
0x40e: {  	_ =	swait.ge [sflag:s15], $0x1900  }
0x40f: {  	[sflag:s15] =	ssyncset.done $0x0  }
0x410: {  	s23 =	simm.s32 $0x14;
	s20 =	rddreg [dreg:$0x9];
	[sflag:s15] =	ssyncadd.s32 $0xFFFFE700  }
0x411: {  	[hbm4b:s20+s22] =	stream.linear.scatter [tilespmem:s2], [sflag:$0x14], $0x1900, $0x38;
	[tilespmem:$0xE358] =	vst v63  }
0x412: {  	_ =	swait.ge [sflag:s23], $0x1900  }
0x413: {  	s21 =	sld [smem:$0x7E9]  }
0x414: {  	[sflag:s23] =	ssyncset.done $0x0  }
0x415: {  	s17 =	simm.s32 $0x6;
	[sflag:s23] =	ssyncadd.s32 $0xFFFFE700  }
0x416: {  	[tilespmem:s2], [sflag:$0x4] =	stream.indirect.gather [hbm4b:s19+s5], $0x20, s21, s5, $0xb8;
	[tilespmem:$0xE358] =	vst v63  }
0x417: {  	_ =	swait.ge [sflag:s17], $0x1900  }
0x418: {  	[sflag:s17] =	ssyncset.done $0x0  }
0x419: {  	s14 =	simm.s32 $0xD;
	s1 =	simm.s32 $0x9858;
	[sflag:s17] =	ssyncadd.s32 $0xFFFFE700  }
0x41a: {  	[tilespmem:s1], [sflag:$0xE] =	stream.indirect.gather.add.f32 [spmem:s24], $0x20, s4, s5, $0xb8;
	[tilespmem:$0xE358] =	vst v63  }
0x41b: {  	_ =	swait.ge [sflag:s14], $0x1900  }
0x41c: {  	[sflag:s14] =	ssyncset.done $0x0  }
0x41d: {  	s21 =	simm.s32 $0x15;
	s25 =	rddreg [dreg:$0xa];
	[sflag:s14] =	ssyncadd.s32 $0xFFFFE700  }
0x41e: {  	[hbm4b:s25+s22] =	stream.linear.scatter [tilespmem:s13], [sflag:$0x15], $0x1900, $0x38;
	[tilespmem:$0xE358] =	vst v63  }
0x41f: {  	_ =	swait.ge [sflag:s21], $0x1900  }
0x420: {  	s29 =	sld [smem:$0x7EA]  }
0x421: {  	[sflag:s21] =	ssyncset.done $0x0  }
0x422: {  	s8 =	simm.s32 $0x7;
	[sflag:s21] =	ssyncadd.s32 $0xFFFFE700  }
0x423: {  	[tilespmem:s13], [sflag:$0x5] =	stream.indirect.gather [hbm4b:s19+s5], $0x20, s29, s5, $0xb8;
	[tilespmem:$0xE358] =	vst v63  }
0x424: {  	_ =	swait.ge [sflag:s8], $0x1900  }
0x425: {  	[sflag:s8] =	ssyncset.done $0x0  }
0x426: {  	s0 =	simm.s32 $0xB158;
	s13 =	simm.s32 $0xE;
	[sflag:s8] =	ssyncadd.s32 $0xFFFFE700  }
0x427: {  	[tilespmem:s0], [sflag:$0xF] =	stream.indirect.gather.add.f32 [spmem:s24], $0x20, s4, s5, $0xb8;
	[tilespmem:$0xE358] =	vst v63  }
0x428: {  	_ =	swait.ge [sflag:s13], $0x1900  }
0x429: {  	[sflag:s13] =	ssyncset.done $0x0  }
0x42a: {  	s20 =	simm.s32 $0x16;
	s2 =	rddreg [dreg:$0xb];
	[sflag:s13] =	ssyncadd.s32 $0xFFFFE700  }
0x42b: {  	[hbm4b:s2+s22] =	stream.linear.scatter [tilespmem:s1], [sflag:$0x16], $0x1900, $0x38;
	[tilespmem:$0xE358] =	vst v63  }
0x42c: {  	_ =	swait.ge [sflag:s20], $0x1900  }
0x42d: {  	s3 =	sld [smem:$0x7EB]  }
0x42e: {  	[sflag:s20] =	ssyncset.done $0x0  }
0x42f: {  	s29 =	simm.s32 $0x8;
	[sflag:s20] =	ssyncadd.s32 $0xFFFFE700  }
0x430: {  	[tilespmem:s1], [sflag:$0x6] =	stream.indirect.gather [hbm4b:s19+s5], $0x20, s3, s5, $0xb8;
	[tilespmem:$0xE358] =	vst v63  }
0x431: {  	_ =	swait.ge [sflag:s29], $0x1900  }
0x432: {  	[sflag:s29] =	ssyncset.done $0x0  }
0x433: {  	s1 =	simm.s32 $0xCA58;
	s3 =	simm.s32 $0xF;
	[sflag:s29] =	ssyncadd.s32 $0xFFFFE700  }
0x434: {  	[tilespmem:s1], [sflag:$0x10] =	stream.indirect.gather.add.f32 [spmem:s24], $0x20, s4, s5, $0xb8;
	[tilespmem:$0xE358] =	vst v63  }
0x435: {  	_ =	swait.ge [sflag:s3], $0x1900  }
0x436: {  	[sflag:s3] =	ssyncset.done $0x0  }
0x437: {  	s25 =	rddreg [dreg:$0xc];
	[sflag:s3] =	ssyncadd.s32 $0xFFFFE700  }
0x438: {  	[hbm4b:s25+s22] =	stream.linear.scatter [tilespmem:s0], [sflag:$0x17], $0x1900, $0x38;
	[tilespmem:$0xE358] =	vst v63  }
0x439: {  	s25 =	simm.s32 $0x17  }
0x43a: {  	_ =	swait.ge [sflag:s25], $0x1900  }
0x43b: {  	s2 =	sld [smem:$0x7EC]  }
0x43c: {  	[sflag:s25] =	ssyncset.done $0x0  }
0x43d: {  	[sflag:s25] =	ssyncadd.s32 $0xFFFFE700  }
0x43e: {  	[tilespmem:s0], [sflag:$0x7] =	stream.indirect.gather [hbm4b:s19+s5], $0x20, s2, s5, $0xb8;
	[tilespmem:$0xE358] =	vst v63  }
0x43f: {  	_ =	swait.ge [sflag:s11], $0x1900  }
0x440: {  	[sflag:s11] =	ssyncset.done $0x0  }
0x441: {  	[sflag:s11] =	ssyncadd.s32 $0xFFFFE700  }
0x442: {  	[tilespmem:s30], [sflag:$0x9] =	stream.indirect.gather.add.f32 [spmem:s24], $0x20, s4, s5, $0xb8;
	[tilespmem:$0xE358] =	vst v63  }
0x443: {  	_ =	swait.ge [sflag:s31], $0x1900  }
0x444: {  	[sflag:s31] =	ssyncset.done $0x0  }
0x445: {  	s12 =	simm.s32 $0x18;
	s2 =	rddreg [dreg:$0xd];
	[sflag:s31] =	ssyncadd.s32 $0xFFFFE700  }
0x446: {  	[hbm4b:s2+s22] =	stream.linear.scatter [tilespmem:s1], [sflag:$0x18], $0x1900, $0x38;
	[tilespmem:$0xE358] =	vst v63  }
0x447: {  	_ =	swait.ge [sflag:s12], $0x1900  }
0x448: {  	s2 =	sld [smem:$0x7ED]  }
0x449: {  	[sflag:s12] =	ssyncset.done $0x0  }
0x44a: {  	s1 =	simm.s32 $0xCA58;
	[sflag:s12] =	ssyncadd.s32 $0xFFFFE700  }
0x44b: {  	[tilespmem:s1], [sflag:$0x8] =	stream.indirect.gather [hbm4b:s19+s5], $0x20, s2, s5, $0xb8;
	[tilespmem:$0xE358] =	vst v63  }
0x44c: {  	_ =	swait.ge [sflag:s9], $0x1900  }
0x44d: {  	[sflag:s9] =	ssyncset.done $0x0  }
0x44e: {  	s1 =	simm.s32 $0x3458;
	[sflag:s9] =	ssyncadd.s32 $0xFFFFE700  }
0x44f: {  	[tilespmem:s1], [sflag:$0xA] =	stream.indirect.gather.add.f32 [spmem:s24], $0x20, s4, s5, $0xb8;
	[tilespmem:$0xE358] =	vst v63  }
0x450: {  	_ =	swait.ge [sflag:s18], $0x1900  }
0x451: {  	[sflag:s18] =	ssyncset.done $0x0  }
0x452: {  	s12 =	simm.s32 $0x11;
	s2 =	rddreg [dreg:$0xe];
	[sflag:s18] =	ssyncadd.s32 $0xFFFFE700  }
0x453: {  	[hbm4b:s2+s22] =	stream.linear.scatter [tilespmem:s30], [sflag:$0x11], $0x1900, $0x38;
	[tilespmem:$0xE358] =	vst v63  }
0x454: {  	_ =	swait.ge [sflag:s12], $0x1900  }
0x455: {  	s2 =	sld [smem:$0x7EE]  }
0x456: {  	[sflag:s12] =	ssyncset.done $0x0  }
0x457: {  	[sflag:s12] =	ssyncadd.s32 $0xFFFFE700  }
0x458: {  	[tilespmem:s30], [sflag:$0x1] =	stream.indirect.gather [hbm4b:s19+s5], $0x20, s2, s5, $0xb8;
	[tilespmem:$0xE358] =	vst v63  }
0x459: {  	_ =	swait.ge [sflag:s7], $0x1900  }
0x45a: {  	[sflag:s7] =	ssyncset.done $0x0  }
0x45b: {  	s2 =	simm.s32 $0x4D58;
	[sflag:s7] =	ssyncadd.s32 $0xFFFFE700  }
0x45c: {  	[tilespmem:s2], [sflag:$0xB] =	stream.indirect.gather.add.f32 [spmem:s24], $0x20, s4, s5, $0xb8;
	[tilespmem:$0xE358] =	vst v63  }
0x45d: {  	_ =	swait.ge [sflag:s26], $0x1900  }
0x45e: {  	[sflag:s26] =	ssyncset.done $0x0  }
0x45f: {  	s0 =	rddreg [dreg:$0xf];
	[sflag:s26] =	ssyncadd.s32 $0xFFFFE700  }
0x460: {  	[hbm4b:s0+s22] =	stream.linear.scatter [tilespmem:s1], [sflag:$0x12], $0x1900, $0x38;
	[tilespmem:$0xE358] =	vst v63  }
0x461: {  	s0 =	simm.s32 $0x12  }
0x462: {  	_ =	swait.ge [sflag:s0], $0x1900  }
0x463: {  	s12 =	sld [smem:$0x7EF]  }
0x464: {  	[sflag:s0] =	ssyncset.done $0x0  }
0x465: {  	s1 =	simm.s32 $0x3458;
	[sflag:s0] =	ssyncadd.s32 $0xFFFFE700  }
0x466: {  	[tilespmem:s1], [sflag:$0x2] =	stream.indirect.gather [hbm4b:s19+s5], $0x20, s12, s5, $0xb8;
	[tilespmem:$0xE358] =	vst v63  }
0x467: {  	_ =	swait.ge [sflag:s6], $0x1900  }
0x468: {  	[sflag:s6] =	ssyncset.done $0x0  }
0x469: {  	s1 =	simm.s32 $0x6658;
	[sflag:s6] =	ssyncadd.s32 $0xFFFFE700  }
0x46a: {  	[tilespmem:s1], [sflag:$0xC] =	stream.indirect.gather.add.f32 [spmem:s24], $0x20, s4, s5, $0xb8;
	[tilespmem:$0xE358] =	vst v63  }
0x46b: {  	_ =	swait.ge [sflag:s16], $0x1900  }
0x46c: {  	[sflag:s16] =	ssyncset.done $0x0  }
0x46d: {  	s0 =	rddreg [dreg:$0x10];
	[sflag:s16] =	ssyncadd.s32 $0xFFFFE700  }
0x46e: {  	[hbm4b:s0+s22] =	stream.linear.scatter [tilespmem:s2], [sflag:$0x13], $0x1900, $0x38;
	[tilespmem:$0xE358] =	vst v63  }
0x46f: {  	_ =	swait.ge [sflag:s28], $0x1900  }
0x470: {  	s0 =	sld [smem:$0x7F0]  }
0x471: {  	[sflag:s28] =	ssyncset.done $0x0  }
0x472: {  	[sflag:s28] =	ssyncadd.s32 $0xFFFFE700  }
0x473: {  	[tilespmem:s2], [sflag:$0x3] =	stream.indirect.gather [hbm4b:s19+s5], $0x20, s0, s5, $0xb8;
	[tilespmem:$0xE358] =	vst v63  }
0x474: {  	_ =	swait.ge [sflag:s10], $0x1900  }
0x475: {  	[sflag:s10] =	ssyncset.done $0x0  }
0x476: {  	s0 =	simm.s32 $0x7F58;
	[sflag:s10] =	ssyncadd.s32 $0xFFFFE700  }
0x477: {  	[tilespmem:s0], [sflag:$0xD] =	stream.indirect.gather.add.f32 [spmem:s24], $0x20, s4, s5, $0xb8;
	[tilespmem:$0xE358] =	vst v63  }
0x478: {  	_ =	swait.ge [sflag:s15], $0x1900  }
0x479: {  	[sflag:s15] =	ssyncset.done $0x0  }
0x47a: {  	s2 =	rddreg [dreg:$0x11];
	[sflag:s15] =	ssyncadd.s32 $0xFFFFE700  }
0x47b: {  	[hbm4b:s2+s22] =	stream.linear.scatter [tilespmem:s1], [sflag:$0x14], $0x1900, $0x38;
	[tilespmem:$0xE358] =	vst v63  }
0x47c: {  	_ =	swait.ge [sflag:s23], $0x1900  }
0x47d: {  	s2 =	sld [smem:$0x7F1]  }
0x47e: {  	[sflag:s23] =	ssyncset.done $0x0  }
0x47f: {  	[sflag:s23] =	ssyncadd.s32 $0xFFFFE700  }
0x480: {  	[tilespmem:s1], [sflag:$0x4] =	stream.indirect.gather [hbm4b:s19+s5], $0x20, s2, s5, $0xb8;
	[tilespmem:$0xE358] =	vst v63  }
0x481: {  	_ =	swait.ge [sflag:s17], $0x1900  }
0x482: {  	[sflag:s17] =	ssyncset.done $0x0  }
0x483: {  	s1 =	simm.s32 $0x9858;
	[sflag:s17] =	ssyncadd.s32 $0xFFFFE700  }
0x484: {  	[tilespmem:s1], [sflag:$0xE] =	stream.indirect.gather.add.f32 [spmem:s24], $0x20, s4, s5, $0xb8;
	[tilespmem:$0xE358] =	vst v63  }
0x485: {  	_ =	swait.ge [sflag:s14], $0x1900  }
0x486: {  	[sflag:s14] =	ssyncset.done $0x0  }
0x487: {  	s2 =	rddreg [dreg:$0x12];
	[sflag:s14] =	ssyncadd.s32 $0xFFFFE700  }
0x488: {  	[hbm4b:s2+s22] =	stream.linear.scatter [tilespmem:s0], [sflag:$0x15], $0x1900, $0x38;
	[tilespmem:$0xE358] =	vst v63  }
0x489: {  	_ =	swait.ge [sflag:s21], $0x1900  }
0x48a: {  	s2 =	sld [smem:$0x7F2]  }
0x48b: {  	[sflag:s21] =	ssyncset.done $0x0  }
0x48c: {  	[sflag:s21] =	ssyncadd.s32 $0xFFFFE700  }
0x48d: {  	[tilespmem:s0], [sflag:$0x5] =	stream.indirect.gather [hbm4b:s19+s5], $0x20, s2, s5, $0xb8;
	[tilespmem:$0xE358] =	vst v63  }
0x48e: {  	_ =	swait.ge [sflag:s8], $0x1900  }
0x48f: {  	[sflag:s8] =	ssyncset.done $0x0  }
0x490: {  	s2 =	simm.s32 $0xB158;
	[sflag:s8] =	ssyncadd.s32 $0xFFFFE700  }
0x491: {  	[tilespmem:s2], [sflag:$0xF] =	stream.indirect.gather.add.f32 [spmem:s24], $0x20, s4, s5, $0xb8;
	[tilespmem:$0xE358] =	vst v63  }
0x492: {  	_ =	swait.ge [sflag:s13], $0x1900  }
0x493: {  	[sflag:s13] =	ssyncset.done $0x0  }
0x494: {  	s0 =	rddreg [dreg:$0x13];
	[sflag:s13] =	ssyncadd.s32 $0xFFFFE700  }
0x495: {  	[hbm4b:s0+s22] =	stream.linear.scatter [tilespmem:s1], [sflag:$0x16], $0x1900, $0x38;
	[tilespmem:$0xE358] =	vst v63  }
0x496: {  	_ =	swait.ge [sflag:s20], $0x1900  }
0x497: {  	s0 =	sld [smem:$0x7F3]  }
0x498: {  	[sflag:s20] =	ssyncset.done $0x0  }
0x499: {  	[sflag:s20] =	ssyncadd.s32 $0xFFFFE700  }
0x49a: {  	[tilespmem:s1], [sflag:$0x6] =	stream.indirect.gather [hbm4b:s19+s5], $0x20, s0, s5, $0xb8;
	[tilespmem:$0xE358] =	vst v63  }
0x49b: {  	_ =	swait.ge [sflag:s29], $0x1900  }
0x49c: {  	[sflag:s29] =	ssyncset.done $0x0  }
0x49d: {  	s0 =	simm.s32 $0xCA58;
	[sflag:s29] =	ssyncadd.s32 $0xFFFFE700  }
0x49e: {  	[tilespmem:s0], [sflag:$0x10] =	stream.indirect.gather.add.f32 [spmem:s24], $0x20, s4, s5, $0xb8;
	[tilespmem:$0xE358] =	vst v63  }
0x49f: {  	_ =	swait.ge [sflag:s3], $0x1900  }
0x4a0: {  	[sflag:s3] =	ssyncset.done $0x0  }
0x4a1: {  	s1 =	rddreg [dreg:$0x14];
	[sflag:s3] =	ssyncadd.s32 $0xFFFFE700  }
0x4a2: {  	[hbm4b:s1+s22] =	stream.linear.scatter [tilespmem:s2], [sflag:$0x17], $0x1900, $0x38;
	[tilespmem:$0xE358] =	vst v63  }
0x4a3: {  	_ =	swait.ge [sflag:s25], $0x1900  }
0x4a4: {  	s1 =	sld [smem:$0x7F4]  }
0x4a5: {  	[sflag:s25] =	ssyncset.done $0x0  }
0x4a6: {  	[sflag:s25] =	ssyncadd.s32 $0xFFFFE700  }
0x4a7: {  	[tilespmem:s2], [sflag:$0x7] =	stream.indirect.gather [hbm4b:s19+s5], $0x20, s1, s5, $0xb8;
	[tilespmem:$0xE358] =	vst v63  }
0x4a8: {  	_ =	swait.ge [sflag:s11], $0x1900  }
0x4a9: {  	[sflag:s11] =	ssyncset.done $0x0  }
0x4aa: {  	[sflag:s11] =	ssyncadd.s32 $0xFFFFE700  }
0x4ab: {  	[tilespmem:s30], [sflag:$0x9] =	stream.indirect.gather.add.f32 [spmem:s24], $0x20, s4, s5, $0xb8;
	[tilespmem:$0xE358] =	vst v63  }
0x4ac: {  	_ =	swait.ge [sflag:s31], $0x1900  }
0x4ad: {  	[sflag:s31] =	ssyncset.done $0x0  }
0x4ae: {  	s12 =	simm.s32 $0x18;
	s2 =	rddreg [dreg:$0x15];
	[sflag:s31] =	ssyncadd.s32 $0xFFFFE700  }
0x4af: {  	[hbm4b:s2+s22] =	stream.linear.scatter [tilespmem:s0], [sflag:$0x18], $0x1900, $0x38;
	[tilespmem:$0xE358] =	vst v63  }
0x4b0: {  	_ =	swait.ge [sflag:s12], $0x1900  }
0x4b1: {  	s2 =	sld [smem:$0x7F5]  }
0x4b2: {  	[sflag:s12] =	ssyncset.done $0x0  }
0x4b3: {  	[sflag:s12] =	ssyncadd.s32 $0xFFFFE700  }
0x4b4: {  	[tilespmem:s0], [sflag:$0x8] =	stream.indirect.gather [hbm4b:s19+s5], $0x20, s2, s5, $0xb8;
	[tilespmem:$0xE358] =	vst v63  }
0x4b5: {  	_ =	swait.ge [sflag:s9], $0x1900  }
0x4b6: {  	[sflag:s9] =	ssyncset.done $0x0  }
0x4b7: {  	s0 =	simm.s32 $0x3458;
	[sflag:s9] =	ssyncadd.s32 $0xFFFFE700  }
0x4b8: {  	[tilespmem:s0], [sflag:$0xA] =	stream.indirect.gather.add.f32 [spmem:s24], $0x20, s4, s5, $0xb8;
	[tilespmem:$0xE358] =	vst v63  }
0x4b9: {  	_ =	swait.ge [sflag:s18], $0x1900  }
0x4ba: {  	[sflag:s18] =	ssyncset.done $0x0  }
0x4bb: {  	s12 =	simm.s32 $0x11;
	s2 =	rddreg [dreg:$0x16];
	[sflag:s18] =	ssyncadd.s32 $0xFFFFE700  }
0x4bc: {  	[hbm4b:s2+s22] =	stream.linear.scatter [tilespmem:s30], [sflag:$0x11], $0x1900, $0x38;
	[tilespmem:$0xE358] =	vst v63  }
0x4bd: {  	_ =	swait.ge [sflag:s12], $0x1900  }
0x4be: {  	s2 =	sld [smem:$0x7F6]  }
0x4bf: {  	[sflag:s12] =	ssyncset.done $0x0  }
0x4c0: {  	[sflag:s12] =	ssyncadd.s32 $0xFFFFE700  }
0x4c1: {  	[tilespmem:s30], [sflag:$0x1] =	stream.indirect.gather [hbm4b:s19+s5], $0x20, s2, s5, $0xb8;
	[tilespmem:$0xE358] =	vst v63  }
0x4c2: {  	_ =	swait.ge [sflag:s7], $0x1900  }
0x4c3: {  	[sflag:s7] =	ssyncset.done $0x0  }
0x4c4: {  	s2 =	simm.s32 $0x4D58;
	[sflag:s7] =	ssyncadd.s32 $0xFFFFE700  }
0x4c5: {  	[tilespmem:s2], [sflag:$0xB] =	stream.indirect.gather.add.f32 [spmem:s24], $0x20, s4, s5, $0xb8;
	[tilespmem:$0xE358] =	vst v63  }
0x4c6: {  	_ =	swait.ge [sflag:s26], $0x1900  }
0x4c7: {  	[sflag:s26] =	ssyncset.done $0x0  }
0x4c8: {  	s1 =	rddreg [dreg:$0x17];
	[sflag:s26] =	ssyncadd.s32 $0xFFFFE700  }
0x4c9: {  	[hbm4b:s1+s22] =	stream.linear.scatter [tilespmem:s0], [sflag:$0x12], $0x1900, $0x38;
	[tilespmem:$0xE358] =	vst v63  }
0x4ca: {  	s1 =	simm.s32 $0x12  }
0x4cb: {  	_ =	swait.ge [sflag:s1], $0x1900  }
0x4cc: {  	s12 =	sld [smem:$0x7F7]  }
0x4cd: {  	[sflag:s1] =	ssyncset.done $0x0  }
0x4ce: {  	[sflag:s1] =	ssyncadd.s32 $0xFFFFE700  }
0x4cf: {  	[tilespmem:s0], [sflag:$0x2] =	stream.indirect.gather [hbm4b:s19+s5], $0x20, s12, s5, $0xb8;
	[tilespmem:$0xE358] =	vst v63  }
0x4d0: {  	_ =	swait.ge [sflag:s6], $0x1900  }
0x4d1: {  	[sflag:s6] =	ssyncset.done $0x0  }
0x4d2: {  	s0 =	simm.s32 $0x6658;
	[sflag:s6] =	ssyncadd.s32 $0xFFFFE700  }
0x4d3: {  	[tilespmem:s0], [sflag:$0xC] =	stream.indirect.gather.add.f32 [spmem:s24], $0x20, s4, s5, $0xb8;
	[tilespmem:$0xE358] =	vst v63  }
0x4d4: {  	_ =	swait.ge [sflag:s16], $0x1900  }
0x4d5: {  	[sflag:s16] =	ssyncset.done $0x0  }
0x4d6: {  	s1 =	rddreg [dreg:$0x18];
	[sflag:s16] =	ssyncadd.s32 $0xFFFFE700  }
0x4d7: {  	[hbm4b:s1+s22] =	stream.linear.scatter [tilespmem:s2], [sflag:$0x13], $0x1900, $0x38;
	[tilespmem:$0xE358] =	vst v63  }
0x4d8: {  	_ =	swait.ge [sflag:s28], $0x1900  }
0x4d9: {  	s2 =	sld [smem:$0x7F8]  }
0x4da: {  	[sflag:s28] =	ssyncset.done $0x0  }
0x4db: {  	s12 =	simm.s32 $0x4D58;
	[sflag:s28] =	ssyncadd.s32 $0xFFFFE700  }
0x4dc: {  	[tilespmem:s12], [sflag:$0x3] =	stream.indirect.gather [hbm4b:s19+s5], $0x20, s2, s5, $0xb8;
	[tilespmem:$0xE358] =	vst v63  }
0x4dd: {  	_ =	swait.ge [sflag:s10], $0x1900  }
0x4de: {  	[sflag:s10] =	ssyncset.done $0x0  }
0x4df: {  	s1 =	simm.s32 $0x7F58;
	[sflag:s10] =	ssyncadd.s32 $0xFFFFE700  }
0x4e0: {  	[tilespmem:s1], [sflag:$0xD] =	stream.indirect.gather.add.f32 [spmem:s24], $0x20, s4, s5, $0xb8;
	[tilespmem:$0xE358] =	vst v63  }
0x4e1: {  	_ =	swait.ge [sflag:s15], $0x1900  }
0x4e2: {  	[sflag:s15] =	ssyncset.done $0x0  }
0x4e3: {  	s2 =	rddreg [dreg:$0x19];
	[sflag:s15] =	ssyncadd.s32 $0xFFFFE700  }
0x4e4: {  	[hbm4b:s2+s22] =	stream.linear.scatter [tilespmem:s0], [sflag:$0x14], $0x1900, $0x38;
	[tilespmem:$0xE358] =	vst v63  }
0x4e5: {  	_ =	swait.ge [sflag:s23], $0x1900  }
0x4e6: {  	s2 =	sld [smem:$0x7F9]  }
0x4e7: {  	[sflag:s23] =	ssyncset.done $0x0  }
0x4e8: {  	[sflag:s23] =	ssyncadd.s32 $0xFFFFE700  }
0x4e9: {  	[tilespmem:s0], [sflag:$0x4] =	stream.indirect.gather [hbm4b:s19+s5], $0x20, s2, s5, $0xb8;
	[tilespmem:$0xE358] =	vst v63  }
0x4ea: {  	_ =	swait.ge [sflag:s17], $0x1900  }
0x4eb: {  	[sflag:s17] =	ssyncset.done $0x0  }
0x4ec: {  	s0 =	simm.s32 $0x9858;
	[sflag:s17] =	ssyncadd.s32 $0xFFFFE700  }
0x4ed: {  	[tilespmem:s0], [sflag:$0xE] =	stream.indirect.gather.add.f32 [spmem:s24], $0x20, s4, s5, $0xb8;
	[tilespmem:$0xE358] =	vst v63  }
0x4ee: {  	_ =	swait.ge [sflag:s14], $0x1900  }
0x4ef: {  	[sflag:s14] =	ssyncset.done $0x0  }
0x4f0: {  	s12 =	rddreg [dreg:$0x1a];
	[sflag:s14] =	ssyncadd.s32 $0xFFFFE700  }
0x4f1: {  	[hbm4b:s12+s22] =	stream.linear.scatter [tilespmem:s1], [sflag:$0x15], $0x1900, $0x38;
	[tilespmem:$0xE358] =	vst v63  }
0x4f2: {  	_ =	swait.ge [sflag:s21], $0x1900  }
0x4f3: {  	s12 =	sld [smem:$0x7FA]  }
0x4f4: {  	[sflag:s21] =	ssyncset.done $0x0  }
0x4f5: {  	[sflag:s21] =	ssyncadd.s32 $0xFFFFE700  }
0x4f6: {  	[tilespmem:s1], [sflag:$0x5] =	stream.indirect.gather [hbm4b:s19+s5], $0x20, s12, s5, $0xb8;
	[tilespmem:$0xE358] =	vst v63  }
0x4f7: {  	_ =	swait.ge [sflag:s8], $0x1900  }
0x4f8: {  	[sflag:s8] =	ssyncset.done $0x0  }
0x4f9: {  	s1 =	simm.s32 $0xB158;
	[sflag:s8] =	ssyncadd.s32 $0xFFFFE700  }
0x4fa: {  	[tilespmem:s1], [sflag:$0xF] =	stream.indirect.gather.add.f32 [spmem:s24], $0x20, s4, s5, $0xb8;
	[tilespmem:$0xE358] =	vst v63  }
0x4fb: {  	_ =	swait.ge [sflag:s13], $0x1900  }
0x4fc: {  	[sflag:s13] =	ssyncset.done $0x0  }
0x4fd: {  	s12 =	rddreg [dreg:$0x1b];
	[sflag:s13] =	ssyncadd.s32 $0xFFFFE700  }
0x4fe: {  	[hbm4b:s12+s22] =	stream.linear.scatter [tilespmem:s0], [sflag:$0x16], $0x1900, $0x38;
	[tilespmem:$0xE358] =	vst v63  }
0x4ff: {  	_ =	swait.ge [sflag:s20], $0x1900  }
0x500: {  	s12 =	sld [smem:$0x7FB]  }
0x501: {  	[sflag:s20] =	ssyncset.done $0x0  }
0x502: {  	s0 =	simm.s32 $0x9858;
	[sflag:s20] =	ssyncadd.s32 $0xFFFFE700  }
0x503: {  	[tilespmem:s0], [sflag:$0x6] =	stream.indirect.gather [hbm4b:s19+s5], $0x20, s12, s5, $0xb8;
	[tilespmem:$0xE358] =	vst v63  }
0x504: {  	_ =	swait.ge [sflag:s29], $0x1900  }
0x505: {  	[sflag:s29] =	ssyncset.done $0x0  }
0x506: {  	s0 =	simm.s32 $0xCA58;
	[sflag:s29] =	ssyncadd.s32 $0xFFFFE700  }
0x507: {  	[tilespmem:s0], [sflag:$0x10] =	stream.indirect.gather.add.f32 [spmem:s24], $0x20, s4, s5, $0xb8;
	[tilespmem:$0xE358] =	vst v63  }
0x508: {  	_ =	swait.ge [sflag:s3], $0x1900  }
0x509: {  	[sflag:s3] =	ssyncset.done $0x0  }
0x50a: {  	s12 =	rddreg [dreg:$0x1c];
	[sflag:s3] =	ssyncadd.s32 $0xFFFFE700  }
0x50b: {  	[hbm4b:s12+s22] =	stream.linear.scatter [tilespmem:s1], [sflag:$0x17], $0x1900, $0x38;
	[tilespmem:$0xE358] =	vst v63  }
0x50c: {  	_ =	swait.ge [sflag:s25], $0x1900  }
0x50d: {  	s12 =	sld [smem:$0x7FC]  }
0x50e: {  	[sflag:s25] =	ssyncset.done $0x0  }
0x50f: {  	s1 =	simm.s32 $0xB158;
	[sflag:s25] =	ssyncadd.s32 $0xFFFFE700  }
0x510: {  	[tilespmem:s1], [sflag:$0x7] =	stream.indirect.gather [hbm4b:s19+s5], $0x20, s12, s5, $0xb8;
	[tilespmem:$0xE358] =	vst v63  }
0x511: {  	_ =	swait.ge [sflag:s11], $0x1900  }
0x512: {  	[sflag:s11] =	ssyncset.done $0x0  }
0x513: {  	[sflag:s11] =	ssyncadd.s32 $0xFFFFE700  }
0x514: {  	[tilespmem:s30], [sflag:$0x9] =	stream.indirect.gather.add.f32 [spmem:s24], $0x20, s4, s5, $0xb8;
	[tilespmem:$0xE358] =	vst v63  }
0x515: {  	_ =	swait.ge [sflag:s31], $0x1900  }
0x516: {  	[sflag:s31] =	ssyncset.done $0x0  }
0x517: {  	s11 =	simm.s32 $0x18;
	s1 =	rddreg [dreg:$0x1d];
	[sflag:s31] =	ssyncadd.s32 $0xFFFFE700  }
0x518: {  	[hbm4b:s1+s22] =	stream.linear.scatter [tilespmem:s0], [sflag:$0x18], $0x1900, $0x38;
	[tilespmem:$0xE358] =	vst v63  }
0x519: {  	_ =	swait.ge [sflag:s11], $0x1900  }
0x51a: {  	s1 =	sld [smem:$0x7FD]  }
0x51b: {  	[sflag:s11] =	ssyncset.done $0x0  }
0x51c: {  	s0 =	simm.s32 $0xCA58;
	[sflag:s11] =	ssyncadd.s32 $0xFFFFE700  }
0x51d: {  	[tilespmem:s0], [sflag:$0x8] =	stream.indirect.gather [hbm4b:s19+s5], $0x20, s1, s5, $0xb8;
	[tilespmem:$0xE358] =	vst v63  }
0x51e: {  	_ =	swait.ge [sflag:s9], $0x1900  }
0x51f: {  	[sflag:s9] =	ssyncset.done $0x0  }
0x520: {  	s0 =	simm.s32 $0x3458;
	[sflag:s9] =	ssyncadd.s32 $0xFFFFE700  }
0x521: {  	[tilespmem:s0], [sflag:$0xA] =	stream.indirect.gather.add.f32 [spmem:s24], $0x20, s4, s5, $0xb8;
	[tilespmem:$0xE358] =	vst v63  }
0x522: {  	_ =	swait.ge [sflag:s18], $0x1900  }
0x523: {  	[sflag:s18] =	ssyncset.done $0x0  }
0x524: {  	s11 =	rddreg [dreg:$0x1e];
	[sflag:s18] =	ssyncadd.s32 $0xFFFFE700  }
0x525: {  	[hbm4b:s11+s22] =	stream.linear.scatter [tilespmem:s30], [sflag:$0x11], $0x1900, $0x38;
	[tilespmem:$0xE358] =	vst v63  }
0x526: {  	_ =	swait.ge [sflag:s7], $0x1900  }
0x527: {  	[sflag:s7] =	ssyncset.done $0x0  }
0x528: {  	s19 =	simm.s32 $0x4D58;
	[sflag:s7] =	ssyncadd.s32 $0xFFFFE700  }
0x529: {  	[tilespmem:s19], [sflag:$0xB] =	stream.indirect.gather.add.f32 [spmem:s24], $0x20, s4, s5, $0xb8;
	[tilespmem:$0xE358] =	vst v63  }
0x52a: {  	_ =	swait.ge [sflag:s26], $0x1900  }
0x52b: {  	[sflag:s26] =	ssyncset.done $0x0  }
0x52c: {  	s30 =	rddreg [dreg:$0x1f];
	[sflag:s26] =	ssyncadd.s32 $0xFFFFE700  }
0x52d: {  	[hbm4b:s30+s22] =	stream.linear.scatter [tilespmem:s0], [sflag:$0x12], $0x1900, $0x38;
	[tilespmem:$0xE358] =	vst v63  }
0x52e: {  	_ =	swait.ge [sflag:s6], $0x1900  }
0x52f: {  	[sflag:s6] =	ssyncset.done $0x0  }
0x530: {  	s2 =	simm.s32 $0x6658;
	[sflag:s6] =	ssyncadd.s32 $0xFFFFE700  }
0x531: {  	[tilespmem:s2], [sflag:$0xC] =	stream.indirect.gather.add.f32 [spmem:s24], $0x20, s4, s5, $0xb8;
	[tilespmem:$0xE358] =	vst v63  }
0x532: {  	_ =	swait.ge [sflag:s16], $0x1900  }
0x533: {  	s9 =	sld [smem:$0x7DA]  }
0x534: {  	[sflag:s16] =	ssyncset.done $0x0  }
0x535: {  	[sflag:s16] =	ssyncadd.s32 $0xFFFFE700  }
0x536: {  	[hbm4b:s9+s22] =	stream.linear.scatter [tilespmem:s19], [sflag:$0x13], $0x1900, $0x38;
	[tilespmem:$0xE358] =	vst v63  }
0x537: {  	_ =	swait.ge [sflag:s10], $0x1900  }
0x538: {  	[sflag:s10] =	ssyncset.done $0x0  }
0x539: {  	[sflag:s10] =	ssyncadd.s32 $0xFFFFE700;
	s10 =	simm.s32 $0x7F58  }
0x53a: {  	[tilespmem:s10], [sflag:$0xD] =	stream.indirect.gather.add.f32 [spmem:s24], $0x20, s4, s5, $0xb8;
	[tilespmem:$0xE358] =	vst v63  }
0x53b: {  	_ =	swait.ge [sflag:s15], $0x1900  }
0x53c: {  	s11 =	sld [smem:$0x7DB]  }
0x53d: {  	[sflag:s15] =	ssyncset.done $0x0  }
0x53e: {  	[sflag:s15] =	ssyncadd.s32 $0xFFFFE700  }
0x53f: {  	[hbm4b:s11+s22] =	stream.linear.scatter [tilespmem:s2], [sflag:$0x14], $0x1900, $0x38;
	[tilespmem:$0xE358] =	vst v63  }
0x540: {  	_ =	swait.ge [sflag:s17], $0x1900  }
0x541: {  	[sflag:s17] =	ssyncset.done $0x0  }
0x542: {  	s15 =	simm.s32 $0x9858;
	[sflag:s17] =	ssyncadd.s32 $0xFFFFE700  }
0x543: {  	[tilespmem:s15], [sflag:$0xE] =	stream.indirect.gather.add.f32 [spmem:s24], $0x20, s4, s5, $0xb8;
	[tilespmem:$0xE358] =	vst v63  }
0x544: {  	_ =	swait.ge [sflag:s14], $0x1900  }
0x545: {  	s16 =	sld [smem:$0x7DC]  }
0x546: {  	[sflag:s14] =	ssyncset.done $0x0  }
0x547: {  	[sflag:s14] =	ssyncadd.s32 $0xFFFFE700  }
0x548: {  	[hbm4b:s16+s22] =	stream.linear.scatter [tilespmem:s10], [sflag:$0x15], $0x1900, $0x38;
	[tilespmem:$0xE358] =	vst v63  }
0x549: {  	_ =	swait.ge [sflag:s8], $0x1900  }
0x54a: {  	[sflag:s8] =	ssyncset.done $0x0  }
0x54b: {  	s17 =	simm.s32 $0xB158;
	[sflag:s8] =	ssyncadd.s32 $0xFFFFE700  }
0x54c: {  	[tilespmem:s17], [sflag:$0xF] =	stream.indirect.gather.add.f32 [spmem:s24], $0x20, s4, s5, $0xb8;
	[tilespmem:$0xE358] =	vst v63  }
0x54d: {  	_ =	swait.ge [sflag:s13], $0x1900  }
0x54e: {  	s18 =	sld [smem:$0x7DD]  }
0x54f: {  	[sflag:s13] =	ssyncset.done $0x0  }
0x550: {  	[sflag:s13] =	ssyncadd.s32 $0xFFFFE700  }
0x551: {  	[hbm4b:s18+s22] =	stream.linear.scatter [tilespmem:s15], [sflag:$0x16], $0x1900, $0x38;
	[tilespmem:$0xE358] =	vst v63  }
0x552: {  	_ =	swait.ge [sflag:s29], $0x1900  }
0x553: {  	[sflag:s29] =	ssyncset.done $0x0  }
0x554: {  	s19 =	simm.s32 $0xCA58;
	[sflag:s29] =	ssyncadd.s32 $0xFFFFE700  }
0x555: {  	[tilespmem:s19], [sflag:$0x10] =	stream.indirect.gather.add.f32 [spmem:s24], $0x20, s4, s5, $0xb8;
	[tilespmem:$0xE358] =	vst v63  }
0x556: {  	_ =	swait.ge [sflag:s3], $0x1900  }
0x557: {  	s24 =	sld [smem:$0x7DE]  }
0x558: {  	[sflag:s3] =	ssyncset.done $0x0  }
0x559: {  	[sflag:s3] =	ssyncadd.s32 $0xFFFFE700  }
0x55a: {  	[hbm4b:s24+s22] =	stream.linear.scatter [tilespmem:s17], [sflag:$0x17], $0x1900, $0x38;
	[tilespmem:$0xE358] =	vst v63  }
0x55b: {  	_ =	swait.ge [sflag:s31], $0x1900  }
0x55c: {  	s26 =	sld [smem:$0x7DF]  }
0x55d: {  	[sflag:s31] =	ssyncset.done $0x0  }
0x55e: {  	s29 =	simm.s32 $0x11;
	[sflag:s31] =	ssyncadd.s32 $0xFFFFE700  }
0x55f: {  	[hbm4b:s26+s22] =	stream.linear.scatter [tilespmem:s19], [sflag:$0x18], $0x1900, $0x38;
	[tilespmem:$0xE358] =	vst v63  }
0x560: {  	_ =	swait.ge [sflag:s29], $0x1900  }
0x561: {  	[sflag:s29] =	ssyncset.done $0x0  }
0x562: {  	s30 =	simm.s32 $0x12;
	[sflag:s29] =	ssyncadd.s32 $0xFFFFE700  }
0x563: {  	_ =	swait.ge [sflag:s30], $0x1900  }
0x564: {  	[sflag:s30] =	ssyncset.done $0x0  }
0x565: {  	[sflag:s30] =	ssyncadd.s32 $0xFFFFE700  }
0x566: {  	_ =	swait.ge [sflag:s28], $0x1900  }
0x567: {  	[sflag:s28] =	ssyncset.done $0x0  }
0x568: {  	[sflag:s28] =	ssyncadd.s32 $0xFFFFE700  }
0x569: {  	_ =	swait.ge [sflag:s23], $0x1900  }
0x56a: {  	[sflag:s23] =	ssyncset.done $0x0  }
0x56b: {  	[sflag:s23] =	ssyncadd.s32 $0xFFFFE700  }
0x56c: {  	_ =	swait.ge [sflag:s21], $0x1900  }
0x56d: {  	[sflag:s21] =	ssyncset.done $0x0  }
0x56e: {  	[sflag:s21] =	ssyncadd.s32 $0xFFFFE700  }
0x56f: {  	_ =	swait.ge [sflag:s20], $0x1900  }
0x570: {  	[sflag:s20] =	ssyncset.done $0x0  }
0x571: {  	[sflag:s20] =	ssyncadd.s32 $0xFFFFE700  }
0x572: {  	_ =	swait.ge [sflag:s25], $0x1900  }
0x573: {  	[sflag:s25] =	ssyncset.done $0x0  }
0x574: {  	s12 =	simm.s32 $0x18;
	[sflag:s25] =	ssyncadd.s32 $0xFFFFE700  }
0x575: {  	_ =	swait.ge [sflag:s12], $0x1900  }
0x576: {  	[sflag:s12] =	ssyncset.done $0x0  }
0x577: {  	[sflag:s12] =	ssyncadd.s32 $0xFFFFE700  }
0x578: {  	_ =	sfence.sel $0x180000  }
0x579: {  	[bflag:$0x0] =	sbarrier.arrive $0xFFFF  }
0x57a: {  	_ =	strace $0x90000047  }
0x57b: {  	s31 =	stileid.u32;
	[bflag:$0x2] =	sbarrier.arrive $0xFFFF  }
0x57c: {  	p0 =	sne.s32 s31, $0x0;
	s0 =	rddreg [dreg:$0x3]  }
0x57d: {  	s0 =	sadd.s32 @!p0 $0x100000, s0  }
0x57e: {  	[sflag:s0] =	ssyncadd.tile.s32 @!p0 $0x1;
	_ =	shalt  }
.LBB2_1:
.Ltmp3:
0x57f: {  	(pc) =	sbr.rel .LBB2_6-.Ltmp3, $3  }
0x580: {  	_ =	sdelay $0x1  }
0x581: {  	s0 =	sld [smem:$0x7D9];
	s14 =	simm.s32 $0x18  }
0x582: {  	s21 =	simm.s32 $0x3458;
	s30 =	simm.s32 $0x1B58;
	s31 =	simm.s32 $0x10  }
.LBB2_7:
.Ltmp4:
0x583: {  	(pc) =	sbr.rel .LBB2_6-.Ltmp4, $2  }
0x584: {  	_ =	sdelay $0x2  }
0x585: {  	s0 =	sld [smem:$0x7D9];
	s12 =	simm.s32 $0x19  }
.Lfunc_end2:
_tile_overlayer_lowered:
.L_overlay_start_2:
0x586: {  	(tag) =	ssettag $0x2  }
0x587: {  	s0 =	rddreg [dreg:$0x0];
	s2 =	stileid.u32  }
0x588: {  	s1 =	rddreg [dreg:$0x1];
	p0 =	sne.s32 s2, $0x0  }
0x589: {  	s3 =	rddreg [dreg:$0x2];
	[bflag:$0x3] =	sbarrier.arrive $0xFFFF;
	s2 =	simm.s32 @!p0 $0x1C19  }
0x58a: {  	[timem:s3], [sflag:s2] =	dma.local @!p0 [hbm:s0], s1  }
0x58b: {  	s0 =	simm.s32 @!p0 $0x19  }
0x58c: {  	_ =	swait.ge @!p0 [sflag:s0], s1  }
0x58d: {  	s1 =	ssub.s32 @!p0 $0x0, s1;
	[sflag:s0] =	ssyncset.done @!p0 $0x0  }
0x58e: {  	[sflag:s0] =	ssyncadd.s32 @!p0 s1  }
0x58f: {  	[bflag:$0x3] =	sbarrier.arrive $0xFFFF  }
0x590: {  	_ =	shalt  }

</sc_bundles>
